<compile_context>
chip_gen: v7x
topology: tpu7x:2x2x1
jax: 0.10.2.dev20260603
libtpu: 0.0.44.dev20260713+nightly
codegen_flags: <defaults>
</compile_context>

<pallas_src>
import functools

import jax
import jax.numpy as jnp
from jax import lax
from jax.experimental import pallas as pl
from jax.experimental.pallas import tpu as pltpu
from jax.experimental.pallas import tpu_sc as plsc

BATCH = 16384
EMBED_DIM = 32
TABLE_ROWS = 1000000
PER_WORKER = 512
DPC = 2
ROUNDS = EMBED_DIM // DPC
ROUND_LINES = DPC * PER_WORKER


def _sc_body(uwa_hbm, iwa_hbm, uoff_hbm, ioff_hbm, utab_hbm, itab_hbm,
             out_hbm, uwa_i, iwa_i, uoff_i, ioff_i, stage_u, stage_v,
             out_v, drain_v, sem_u0, sem_u1, sem_v0, sem_v1):
    nc = 2
    wid = lax.axis_index("s") * nc + lax.axis_index("c")

    pltpu.sync_copy(uwa_hbm.at[wid], uwa_i)
    pltpu.sync_copy(iwa_hbm.at[wid], iwa_i)
    pltpu.sync_copy(uoff_hbm.at[wid], uoff_i)
    pltpu.sync_copy(ioff_hbm.at[wid], ioff_i)

    def zero_body(g, _):
        out_v[pl.ds(g * 16, 16)] = jnp.zeros((16,), jnp.float32)
        return 0

    lax.fori_loop(0, PER_WORKER // 16, zero_body, 0)

    def fire(k, su, sv):
        for dd in range(DPC):
            for c in range(PER_WORKER // 128):
                s = pl.ds(c * 128, 128)
                pltpu.async_copy(
                    utab_hbm.at[uwa_i.at[k * DPC + dd, s]],
                    stage_u.at[lax.rem(k, 2), dd, s], su)
                pltpu.async_copy(
                    itab_hbm.at[iwa_i.at[k * DPC + dd, s]],
                    stage_v.at[lax.rem(k, 2), dd, s], sv)

    def drain(su, sv):
        pltpu.make_async_copy(
            utab_hbm.at[pl.ds(0, ROUND_LINES)], drain_v, su).wait()
        pltpu.make_async_copy(
            itab_hbm.at[pl.ds(0, ROUND_LINES)], drain_v, sv).wait()

    lanes = lax.iota(jnp.int32, 16)

    def _bcast(vec, i):
        return vec.at[jnp.full((16,), i, jnp.int32)].get(
            mode="promise_in_bounds")

    def compute(k, _):
        buf = lax.rem(k, 2)

        def group_body(g, _):
            s = pl.ds(g * 16, 16)
            uoff = uoff_i[s]
            ioff = ioff_i[s]
            acc = out_v[s]
            for i in range(16):
                row = g * 16 + i
                obu = _bcast(uoff, i)
                obv = _bcast(ioff, i)
                w = jnp.zeros((16,), jnp.float32)
                for dd in range(DPC):
                    lu = stage_u[buf, dd, row, pl.ds(0, 16)]
                    lv = stage_v[buf, dd, row, pl.ds(0, 16)]
                    uw = lu.at[obu].get(mode="promise_in_bounds")
                    vw = lv.at[obv].get(mode="promise_in_bounds")
                    w = w + uw * vw
                acc = jnp.where(lanes == i, acc + w, acc)
            out_v[s] = acc
            return 0

        lax.fori_loop(0, PER_WORKER // 16, group_body, 0)
        return 0

    fire(0, sem_u0, sem_v0)

    def round_body(k, _):
        par = lax.rem(k, 2)

        @pl.when(k + 1 < ROUNDS)
        def _():
            @pl.when(par == 0)
            def _():
                fire(k + 1, sem_u1, sem_v1)

            @pl.when(par == 1)
            def _():
                fire(k + 1, sem_u0, sem_v0)

        @pl.when(par == 0)
        def _():
            drain(sem_u0, sem_v0)

        @pl.when(par == 1)
        def _():
            drain(sem_u1, sem_v1)

        compute(k, 0)
        return 0

    lax.fori_loop(0, ROUNDS, round_body, 0)

    pltpu.sync_copy(out_v, out_hbm.at[wid])


@jax.jit
def _mf_dot(uwa, iwa, uoff, ioff, utab_flat, itab_flat):
    mesh = plsc.VectorSubcoreMesh(core_axis_name="c", subcore_axis_name="s")
    f = functools.partial(
        pl.kernel,
        mesh=mesh,
        compiler_params=pltpu.CompilerParams(use_tc_tiling_on_sc=False),
        out_type=jax.ShapeDtypeStruct((32, PER_WORKER), jnp.float32),
        scratch_types=[
            pltpu.VMEM((EMBED_DIM, PER_WORKER), jnp.int32),
            pltpu.VMEM((EMBED_DIM, PER_WORKER), jnp.int32),
            pltpu.VMEM((PER_WORKER,), jnp.int32),
            pltpu.VMEM((PER_WORKER,), jnp.int32),
            pltpu.VMEM((2, DPC, PER_WORKER, 16), jnp.float32),
            pltpu.VMEM((2, DPC, PER_WORKER, 16), jnp.float32),
            pltpu.VMEM((PER_WORKER,), jnp.float32),
            pltpu.VMEM((ROUND_LINES, 16), jnp.float32),
            pltpu.SemaphoreType.DMA,
            pltpu.SemaphoreType.DMA,
            pltpu.SemaphoreType.DMA,
            pltpu.SemaphoreType.DMA,
        ],
    )(_sc_body)
    return f(uwa, iwa, uoff, ioff, utab_flat, itab_flat)


def _aligned_indices(ids):
    w = (ids >> 4).reshape(32, 1, PER_WORKER)
    d = (jnp.arange(EMBED_DIM, dtype=jnp.int32) *
         (TABLE_ROWS // 16)).reshape(1, -1, 1)
    return w + d


def kernel(X, user_table, item_table):
    uid = X[:, 0]
    iid = X[:, 1]
    uwa = _aligned_indices(uid)
    iwa = _aligned_indices(iid)
    uoff = (uid & 15).reshape(32, PER_WORKER)
    ioff = (iid & 15).reshape(32, PER_WORKER)
    utab_flat = user_table.T.reshape(-1, 16)
    itab_flat = item_table.T.reshape(-1, 16)
    out = _mf_dot(uwa, iwa, uoff, ioff, utab_flat, itab_flat)
    return out.reshape(BATCH, 1)

# --- scband reference (transcript-rebuilt; emitter-appended) ---
"""Pipeline reference for scband-mf-29025388987016 (READ-ONLY COPY).

The authoritative reference and input builder live on the scoring server;
editing this copy changes nothing except your own understanding.
"""

import jax, jax.numpy as jnp
import numpy as np

USER_NUM = 1000000
ITEM_NUM = 1000000
EMBED_DIM = 32
BATCH = 16384

def setup_inputs(seed: int = 0) -> dict:
    key = jax.random.key(seed)
    k1, k2, k3 = jax.random.split(key, 3)
    X = jax.random.randint(k1, (BATCH, 2), 0, USER_NUM, dtype=jnp.int64 if jax.config.jax_enable_x64 else jnp.int32)
    X = X.astype(jnp.int32)
    # flax nn.Embed default init: normal(stddev=1/sqrt(features)) variant; use normal scaled
    user_table = jax.random.normal(k2, (USER_NUM, EMBED_DIM), dtype=jnp.float32) * (1.0 / np.sqrt(EMBED_DIM))
    item_table = jax.random.normal(k3, (ITEM_NUM, EMBED_DIM), dtype=jnp.float32) * (1.0 / np.sqrt(EMBED_DIM))
    return {"X": X, "user_table": user_table, "item_table": item_table}

def reference(X, user_table, item_table):
    user_ids = X[:, 0]
    item_ids = X[:, 1]
    U = jnp.take(user_table, user_ids, axis=0)
    V = jnp.take(item_table, item_ids, axis=0)
    return jnp.sum(U * V, axis=1, keepdims=True)

if __name__ == "__main__":
    import jax
    _d = setup_inputs()
    print(jax.jit(kernel)(*tuple(_d.values())))

</pallas_src>

<mosaic_0001>
#map = affine_map<(d0, d1) -> (0, 0, 0)>
#map1 = affine_map<(d0, d1) -> (0, 0)>
module attributes {stable_mosaic.version = 14 : i64} {
  func.func @_sc_body(%arg0: i32, %arg1: i32, %arg2: memref<32x32x512xi32, #tpu.memory_space<hbm>>, %arg3: memref<32x32x512xi32, #tpu.memory_space<hbm>>, %arg4: memref<32x512xi32, #tpu.memory_space<hbm>>, %arg5: memref<32x512xi32, #tpu.memory_space<hbm>>, %arg6: memref<2000000x16xf32, #tpu.memory_space<hbm>>, %arg7: memref<2000000x16xf32, #tpu.memory_space<hbm>>, %arg8: memref<32x512xf32, #tpu.memory_space<hbm>>, %arg9: memref<32x512xi32, #tpu.memory_space<vmem>>, %arg10: memref<32x512xi32, #tpu.memory_space<vmem>>, %arg11: memref<512xi32, #tpu.memory_space<vmem>>, %arg12: memref<512xi32, #tpu.memory_space<vmem>>, %arg13: memref<2x2x512x16xf32, #tpu.memory_space<vmem>>, %arg14: memref<2x2x512x16xf32, #tpu.memory_space<vmem>>, %arg15: memref<512xf32, #tpu.memory_space<vmem>>, %arg16: memref<1024x16xf32, #tpu.memory_space<vmem>>, %arg17: memref<!tpu.dma_semaphore, #tpu.memory_space<semaphore_mem>>, %arg18: memref<!tpu.dma_semaphore, #tpu.memory_space<semaphore_mem>>, %arg19: memref<!tpu.dma_semaphore, #tpu.memory_space<semaphore_mem>>, %arg20: memref<!tpu.dma_semaphore, #tpu.memory_space<semaphore_mem>>) attributes {dimension_semantics = [#tpu.dimension_semantics<core_parallel>, #tpu.dimension_semantics<subcore_parallel>], iteration_bounds = array<i64: 2, 16>, scalar_prefetch = 0 : i64, scratch_operands = 12 : i64, tpu.core_type = #tpu.core_type<sc_vector_subcore>, window_params = [{transform_indices = #map}, {transform_indices = #map}, {transform_indices = #map1}, {transform_indices = #map1}, {transform_indices = #map1}, {transform_indices = #map1}, {transform_indices = #map1}]} {
    %mul3A = arith.constant 2 : i32
    %mul3A_0 = arith.muli %arg1, %mul3A : i32
    %add3A = arith.addi %mul3A_0, %arg0 : i32
    "tpu.region"() ({
      %run_scoped3A = tpu.sem_alloc : memref<!tpu.dma_semaphore, #tpu.memory_space<semaphore_mem>>
      %dma_start3A_252 = arith.constant 0 : i32
      %dma_start3A_253 = arith.constant 0 : i32
      %dma_start3A_254 = tpu.memref_slice %arg2[%add3A, %dma_start3A_252, %dma_start3A_253] : memref<32x32x512xi32, #tpu.memory_space<hbm>> -> memref<1x32x512xi32, #tpu.memory_space<hbm>>
      %dma_start3A_255 = tpu.memref_squeeze %dma_start3A_254 : memref<1x32x512xi32, #tpu.memory_space<hbm>> -> memref<32x512xi32, #tpu.memory_space<hbm>>
      %dma_start3A_256 = arith.constant 0 : i32
      %dma_start3A_257 = arith.constant 0 : i32
      %dma_start3A_258 = tpu.memref_slice %arg2[%add3A, %dma_start3A_256, %dma_start3A_257] : memref<32x32x512xi32, #tpu.memory_space<hbm>> -> memref<1x32x512xi32, #tpu.memory_space<hbm>>
      %dma_start3A_259 = tpu.memref_squeeze %dma_start3A_258 : memref<1x32x512xi32, #tpu.memory_space<hbm>> -> memref<32x512xi32, #tpu.memory_space<hbm>>
      tpu.enqueue_dma source(%dma_start3A_259 : memref<32x512xi32, #tpu.memory_space<hbm>>) target(%arg9 : memref<32x512xi32, #tpu.memory_space<vmem>>) target_semaphore(%run_scoped3A : memref<!tpu.dma_semaphore, #tpu.memory_space<semaphore_mem>>)
      %dma_wait3A = arith.constant 0 : i32
      %dma_wait3A_260 = arith.constant 0 : i32
      %dma_wait3A_261 = tpu.memref_slice %arg2[%add3A, %dma_wait3A, %dma_wait3A_260] : memref<32x32x512xi32, #tpu.memory_space<hbm>> -> memref<1x32x512xi32, #tpu.memory_space<hbm>>
      %dma_wait3A_262 = tpu.memref_squeeze %dma_wait3A_261 : memref<1x32x512xi32, #tpu.memory_space<hbm>> -> memref<32x512xi32, #tpu.memory_space<hbm>>
      %dma_wait3A_263 = arith.constant 0 : i32
      %dma_wait3A_264 = arith.constant 0 : i32
      %dma_wait3A_265 = tpu.memref_slice %arg2[%add3A, %dma_wait3A_263, %dma_wait3A_264] : memref<32x32x512xi32, #tpu.memory_space<hbm>> -> memref<1x32x512xi32, #tpu.memory_space<hbm>>
      %dma_wait3A_266 = tpu.memref_squeeze %dma_wait3A_265 : memref<1x32x512xi32, #tpu.memory_space<hbm>> -> memref<32x512xi32, #tpu.memory_space<hbm>>
      tpu.wait_dma2 semaphore(%run_scoped3A : memref<!tpu.dma_semaphore, #tpu.memory_space<semaphore_mem>>) src(%dma_wait3A_266 : memref<32x512xi32, #tpu.memory_space<hbm>>) dst(%arg9 : memref<32x512xi32, #tpu.memory_space<vmem>>)
      tpu.yield
    }) : () -> ()
    "tpu.region"() ({
      %run_scoped3A = tpu.sem_alloc : memref<!tpu.dma_semaphore, #tpu.memory_space<semaphore_mem>>
      %dma_start3A_252 = arith.constant 0 : i32
      %dma_start3A_253 = arith.constant 0 : i32
      %dma_start3A_254 = tpu.memref_slice %arg3[%add3A, %dma_start3A_252, %dma_start3A_253] : memref<32x32x512xi32, #tpu.memory_space<hbm>> -> memref<1x32x512xi32, #tpu.memory_space<hbm>>
      %dma_start3A_255 = tpu.memref_squeeze %dma_start3A_254 : memref<1x32x512xi32, #tpu.memory_space<hbm>> -> memref<32x512xi32, #tpu.memory_space<hbm>>
      %dma_start3A_256 = arith.constant 0 : i32
      %dma_start3A_257 = arith.constant 0 : i32
      %dma_start3A_258 = tpu.memref_slice %arg3[%add3A, %dma_start3A_256, %dma_start3A_257] : memref<32x32x512xi32, #tpu.memory_space<hbm>> -> memref<1x32x512xi32, #tpu.memory_space<hbm>>
      %dma_start3A_259 = tpu.memref_squeeze %dma_start3A_258 : memref<1x32x512xi32, #tpu.memory_space<hbm>> -> memref<32x512xi32, #tpu.memory_space<hbm>>
      tpu.enqueue_dma source(%dma_start3A_259 : memref<32x512xi32, #tpu.memory_space<hbm>>) target(%arg10 : memref<32x512xi32, #tpu.memory_space<vmem>>) target_semaphore(%run_scoped3A : memref<!tpu.dma_semaphore, #tpu.memory_space<semaphore_mem>>)
      %dma_wait3A = arith.constant 0 : i32
      %dma_wait3A_260 = arith.constant 0 : i32
      %dma_wait3A_261 = tpu.memref_slice %arg3[%add3A, %dma_wait3A, %dma_wait3A_260] : memref<32x32x512xi32, #tpu.memory_space<hbm>> -> memref<1x32x512xi32, #tpu.memory_space<hbm>>
      %dma_wait3A_262 = tpu.memref_squeeze %dma_wait3A_261 : memref<1x32x512xi32, #tpu.memory_space<hbm>> -> memref<32x512xi32, #tpu.memory_space<hbm>>
      %dma_wait3A_263 = arith.constant 0 : i32
      %dma_wait3A_264 = arith.constant 0 : i32
      %dma_wait3A_265 = tpu.memref_slice %arg3[%add3A, %dma_wait3A_263, %dma_wait3A_264] : memref<32x32x512xi32, #tpu.memory_space<hbm>> -> memref<1x32x512xi32, #tpu.memory_space<hbm>>
      %dma_wait3A_266 = tpu.memref_squeeze %dma_wait3A_265 : memref<1x32x512xi32, #tpu.memory_space<hbm>> -> memref<32x512xi32, #tpu.memory_space<hbm>>
      tpu.wait_dma2 semaphore(%run_scoped3A : memref<!tpu.dma_semaphore, #tpu.memory_space<semaphore_mem>>) src(%dma_wait3A_266 : memref<32x512xi32, #tpu.memory_space<hbm>>) dst(%arg10 : memref<32x512xi32, #tpu.memory_space<vmem>>)
      tpu.yield
    }) : () -> ()
    "tpu.region"() ({
      %run_scoped3A = tpu.sem_alloc : memref<!tpu.dma_semaphore, #tpu.memory_space<semaphore_mem>>
      %dma_start3A_252 = arith.constant 0 : i32
      %dma_start3A_253 = tpu.memref_slice %arg4[%add3A, %dma_start3A_252] : memref<32x512xi32, #tpu.memory_space<hbm>> -> memref<1x512xi32, #tpu.memory_space<hbm>>
      %dma_start3A_254 = tpu.memref_squeeze %dma_start3A_253 : memref<1x512xi32, #tpu.memory_space<hbm>> -> memref<512xi32, #tpu.memory_space<hbm>>
      %dma_start3A_255 = arith.constant 0 : i32
      %dma_start3A_256 = tpu.memref_slice %arg4[%add3A, %dma_start3A_255] : memref<32x512xi32, #tpu.memory_space<hbm>> -> memref<1x512xi32, #tpu.memory_space<hbm>>
      %dma_start3A_257 = tpu.memref_squeeze %dma_start3A_256 : memref<1x512xi32, #tpu.memory_space<hbm>> -> memref<512xi32, #tpu.memory_space<hbm>>
      tpu.enqueue_dma source(%dma_start3A_257 : memref<512xi32, #tpu.memory_space<hbm>>) target(%arg11 : memref<512xi32, #tpu.memory_space<vmem>>) target_semaphore(%run_scoped3A : memref<!tpu.dma_semaphore, #tpu.memory_space<semaphore_mem>>)
      %dma_wait3A = arith.constant 0 : i32
      %dma_wait3A_258 = tpu.memref_slice %arg4[%add3A, %dma_wait3A] : memref<32x512xi32, #tpu.memory_space<hbm>> -> memref<1x512xi32, #tpu.memory_space<hbm>>
      %dma_wait3A_259 = tpu.memref_squeeze %dma_wait3A_258 : memref<1x512xi32, #tpu.memory_space<hbm>> -> memref<512xi32, #tpu.memory_space<hbm>>
      %dma_wait3A_260 = arith.constant 0 : i32
      %dma_wait3A_261 = tpu.memref_slice %arg4[%add3A, %dma_wait3A_260] : memref<32x512xi32, #tpu.memory_space<hbm>> -> memref<1x512xi32, #tpu.memory_space<hbm>>
      %dma_wait3A_262 = tpu.memref_squeeze %dma_wait3A_261 : memref<1x512xi32, #tpu.memory_space<hbm>> -> memref<512xi32, #tpu.memory_space<hbm>>
      tpu.wait_dma2 semaphore(%run_scoped3A : memref<!tpu.dma_semaphore, #tpu.memory_space<semaphore_mem>>) src(%dma_wait3A_262 : memref<512xi32, #tpu.memory_space<hbm>>) dst(%arg11 : memref<512xi32, #tpu.memory_space<vmem>>)
      tpu.yield
    }) : () -> ()
    "tpu.region"() ({
      %run_scoped3A = tpu.sem_alloc : memref<!tpu.dma_semaphore, #tpu.memory_space<semaphore_mem>>
      %dma_start3A_252 = arith.constant 0 : i32
      %dma_start3A_253 = tpu.memref_slice %arg5[%add3A, %dma_start3A_252] : memref<32x512xi32, #tpu.memory_space<hbm>> -> memref<1x512xi32, #tpu.memory_space<hbm>>
      %dma_start3A_254 = tpu.memref_squeeze %dma_start3A_253 : memref<1x512xi32, #tpu.memory_space<hbm>> -> memref<512xi32, #tpu.memory_space<hbm>>
      %dma_start3A_255 = arith.constant 0 : i32
      %dma_start3A_256 = tpu.memref_slice %arg5[%add3A, %dma_start3A_255] : memref<32x512xi32, #tpu.memory_space<hbm>> -> memref<1x512xi32, #tpu.memory_space<hbm>>
      %dma_start3A_257 = tpu.memref_squeeze %dma_start3A_256 : memref<1x512xi32, #tpu.memory_space<hbm>> -> memref<512xi32, #tpu.memory_space<hbm>>
      tpu.enqueue_dma source(%dma_start3A_257 : memref<512xi32, #tpu.memory_space<hbm>>) target(%arg12 : memref<512xi32, #tpu.memory_space<vmem>>) target_semaphore(%run_scoped3A : memref<!tpu.dma_semaphore, #tpu.memory_space<semaphore_mem>>)
      %dma_wait3A = arith.constant 0 : i32
      %dma_wait3A_258 = tpu.memref_slice %arg5[%add3A, %dma_wait3A] : memref<32x512xi32, #tpu.memory_space<hbm>> -> memref<1x512xi32, #tpu.memory_space<hbm>>
      %dma_wait3A_259 = tpu.memref_squeeze %dma_wait3A_258 : memref<1x512xi32, #tpu.memory_space<hbm>> -> memref<512xi32, #tpu.memory_space<hbm>>
      %dma_wait3A_260 = arith.constant 0 : i32
      %dma_wait3A_261 = tpu.memref_slice %arg5[%add3A, %dma_wait3A_260] : memref<32x512xi32, #tpu.memory_space<hbm>> -> memref<1x512xi32, #tpu.memory_space<hbm>>
      %dma_wait3A_262 = tpu.memref_squeeze %dma_wait3A_261 : memref<1x512xi32, #tpu.memory_space<hbm>> -> memref<512xi32, #tpu.memory_space<hbm>>
      tpu.wait_dma2 semaphore(%run_scoped3A : memref<!tpu.dma_semaphore, #tpu.memory_space<semaphore_mem>>) src(%dma_wait3A_262 : memref<512xi32, #tpu.memory_space<hbm>>) dst(%arg12 : memref<512xi32, #tpu.memory_space<vmem>>)
      tpu.yield
    }) : () -> ()
    %scan3A = arith.constant 0 : i32
    %scan3A_1 = arith.constant 0 : i32
    %scan3A_2 = arith.constant 32 : i32
    %scan3A_3 = arith.addi %scan3A_1, %scan3A_2 : i32
    %scan3A_4 = arith.constant 1 : i32
    %scan3A_5 = scf.for %scan3A_252 = %scan3A_1 to %scan3A_3 step %scan3A_4 iter_args(%scan3A_253 = %scan3A) -> (i32)  : i32 {
      %broadcast_in_dim3A = arith.constant 0.000000e+00 : f32
      %broadcast_in_dim3A_254 = vector.broadcast %broadcast_in_dim3A : f32 to vector<16xf32>
      %mul3A_255 = arith.constant 16 : i32
      %mul3A_256 = arith.muli %scan3A_252, %mul3A_255 : i32
      %swap3A = arith.index_cast %mul3A_256 : i32 to index
      %swap3A_257 = tpu.vector_load %arg15[%swap3A] {strides = array<i32>} : memref<512xf32, #tpu.memory_space<vmem>>, vector<16xf32>,
      %swap3A_258 = vector.shape_cast %swap3A_257 : vector<16xf32> to vector<16xf32>
      %swap3A_259 = vector.shape_cast %broadcast_in_dim3A_254 : vector<16xf32> to vector<16xf32>
      tpu.vector_store %arg15[%swap3A], %swap3A_259 {strides = array<i32>} : memref<512xf32, #tpu.memory_space<vmem>>, vector<16xf32>,
      %scan3A_260 = arith.constant 0 : i32
      scf.yield %scan3A_260 : i32
    }
    %scan3A_6 = arith.constant 32 : i32
    %iota3A = tpu.iota {dimensions = array<i32: 0>} : vector<16xi32>
    %rem3A = arith.constant 0 : i32
    %rem3A_7 = arith.constant 2 : i32
    %rem3A_8 = arith.remsi %rem3A, %rem3A_7 : i32
    %dma_start3A = arith.constant 0 : i32
    %dma_start3A_9 = arith.constant 0 : i32
    %dma_start3A_10 = arith.constant 0 : i32
    %dma_start3A_11 = arith.constant 0 : i32
    %dma_start3A_12 = tpu.memref_slice %arg13[%rem3A_8, %dma_start3A_9, %dma_start3A_10, %dma_start3A_11] : memref<2x2x512x16xf32, #tpu.memory_space<vmem>> -> memref<1x1x128x16xf32, #tpu.memory_space<vmem>>
    %dma_start3A_13 = tpu.memref_squeeze %dma_start3A_12 : memref<1x1x128x16xf32, #tpu.memory_space<vmem>> -> memref<128x16xf32, #tpu.memory_space<vmem>>
    %dma_start3A_14 = arith.constant 0 : i32
    %dma_start3A_15 = tpu.memref_slice %arg9[%dma_start3A, %dma_start3A_14] : memref<32x512xi32, #tpu.memory_space<vmem>> -> memref<1x128xi32, #tpu.memory_space<vmem>>
    %dma_start3A_16 = tpu.memref_squeeze %dma_start3A_15 : memref<1x128xi32, #tpu.memory_space<vmem>> -> memref<128xi32, #tpu.memory_space<vmem>>
    %dma_start3A_17 = arith.constant 0 : i32
    %dma_start3A_18 = arith.constant 0 : i32
    %dma_start3A_19 = tpu.memref_slice %arg6[%dma_start3A_17, %dma_start3A_18] : memref<2000000x16xf32, #tpu.memory_space<hbm>> -> memref<2000000x16xf32, #tpu.memory_space<hbm>>
    tpu.enqueue_indirect_dma source(%dma_start3A_19 : memref<2000000x16xf32, #tpu.memory_space<hbm>>) target(%dma_start3A_13 : memref<128x16xf32, #tpu.memory_space<vmem>>) offsets(%dma_start3A_16 : memref<128xi32, #tpu.memory_space<vmem>>) semaphore(%arg17 : memref<!tpu.dma_semaphore, #tpu.memory_space<semaphore_mem>>)
    %rem3A_20 = arith.constant 0 : i32
    %rem3A_21 = arith.constant 2 : i32
    %rem3A_22 = arith.remsi %rem3A_20, %rem3A_21 : i32
    %dma_start3A_23 = arith.constant 0 : i32
    %dma_start3A_24 = arith.constant 0 : i32
    %dma_start3A_25 = arith.constant 0 : i32
    %dma_start3A_26 = arith.constant 0 : i32
    %dma_start3A_27 = tpu.memref_slice %arg14[%rem3A_22, %dma_start3A_24, %dma_start3A_25, %dma_start3A_26] : memref<2x2x512x16xf32, #tpu.memory_space<vmem>> -> memref<1x1x128x16xf32, #tpu.memory_space<vmem>>
    %dma_start3A_28 = tpu.memref_squeeze %dma_start3A_27 : memref<1x1x128x16xf32, #tpu.memory_space<vmem>> -> memref<128x16xf32, #tpu.memory_space<vmem>>
    %dma_start3A_29 = arith.constant 0 : i32
    %dma_start3A_30 = tpu.memref_slice %arg10[%dma_start3A_23, %dma_start3A_29] : memref<32x512xi32, #tpu.memory_space<vmem>> -> memref<1x128xi32, #tpu.memory_space<vmem>>
    %dma_start3A_31 = tpu.memref_squeeze %dma_start3A_30 : memref<1x128xi32, #tpu.memory_space<vmem>> -> memref<128xi32, #tpu.memory_space<vmem>>
    %dma_start3A_32 = arith.constant 0 : i32
    %dma_start3A_33 = arith.constant 0 : i32
    %dma_start3A_34 = tpu.memref_slice %arg7[%dma_start3A_32, %dma_start3A_33] : memref<2000000x16xf32, #tpu.memory_space<hbm>> -> memref<2000000x16xf32, #tpu.memory_space<hbm>>
    tpu.enqueue_indirect_dma source(%dma_start3A_34 : memref<2000000x16xf32, #tpu.memory_space<hbm>>) target(%dma_start3A_28 : memref<128x16xf32, #tpu.memory_space<vmem>>) offsets(%dma_start3A_31 : memref<128xi32, #tpu.memory_space<vmem>>) semaphore(%arg19 : memref<!tpu.dma_semaphore, #tpu.memory_space<semaphore_mem>>)
    %rem3A_35 = arith.constant 0 : i32
    %rem3A_36 = arith.constant 2 : i32
    %rem3A_37 = arith.remsi %rem3A_35, %rem3A_36 : i32
    %dma_start3A_38 = arith.constant 0 : i32
    %dma_start3A_39 = arith.constant 0 : i32
    %dma_start3A_40 = arith.constant 128 : i32
    %dma_start3A_41 = arith.constant 0 : i32
    %dma_start3A_42 = tpu.memref_slice %arg13[%rem3A_37, %dma_start3A_39, %dma_start3A_40, %dma_start3A_41] : memref<2x2x512x16xf32, #tpu.memory_space<vmem>> -> memref<1x1x128x16xf32, #tpu.memory_space<vmem>>
    %dma_start3A_43 = tpu.memref_squeeze %dma_start3A_42 : memref<1x1x128x16xf32, #tpu.memory_space<vmem>> -> memref<128x16xf32, #tpu.memory_space<vmem>>
    %dma_start3A_44 = arith.constant 128 : i32
    %dma_start3A_45 = tpu.memref_slice %arg9[%dma_start3A_38, %dma_start3A_44] : memref<32x512xi32, #tpu.memory_space<vmem>> -> memref<1x128xi32, #tpu.memory_space<vmem>>
    %dma_start3A_46 = tpu.memref_squeeze %dma_start3A_45 : memref<1x128xi32, #tpu.memory_space<vmem>> -> memref<128xi32, #tpu.memory_space<vmem>>
    %dma_start3A_47 = arith.constant 0 : i32
    %dma_start3A_48 = arith.constant 0 : i32
    %dma_start3A_49 = tpu.memref_slice %arg6[%dma_start3A_47, %dma_start3A_48] : memref<2000000x16xf32, #tpu.memory_space<hbm>> -> memref<2000000x16xf32, #tpu.memory_space<hbm>>
    tpu.enqueue_indirect_dma source(%dma_start3A_49 : memref<2000000x16xf32, #tpu.memory_space<hbm>>) target(%dma_start3A_43 : memref<128x16xf32, #tpu.memory_space<vmem>>) offsets(%dma_start3A_46 : memref<128xi32, #tpu.memory_space<vmem>>) semaphore(%arg17 : memref<!tpu.dma_semaphore, #tpu.memory_space<semaphore_mem>>)
    %rem3A_50 = arith.constant 0 : i32
    %rem3A_51 = arith.constant 2 : i32
    %rem3A_52 = arith.remsi %rem3A_50, %rem3A_51 : i32
    %dma_start3A_53 = arith.constant 0 : i32
    %dma_start3A_54 = arith.constant 0 : i32
    %dma_start3A_55 = arith.constant 128 : i32
    %dma_start3A_56 = arith.constant 0 : i32
    %dma_start3A_57 = tpu.memref_slice %arg14[%rem3A_52, %dma_start3A_54, %dma_start3A_55, %dma_start3A_56] : memref<2x2x512x16xf32, #tpu.memory_space<vmem>> -> memref<1x1x128x16xf32, #tpu.memory_space<vmem>>
    %dma_start3A_58 = tpu.memref_squeeze %dma_start3A_57 : memref<1x1x128x16xf32, #tpu.memory_space<vmem>> -> memref<128x16xf32, #tpu.memory_space<vmem>>
    %dma_start3A_59 = arith.constant 128 : i32
    %dma_start3A_60 = tpu.memref_slice %arg10[%dma_start3A_53, %dma_start3A_59] : memref<32x512xi32, #tpu.memory_space<vmem>> -> memref<1x128xi32, #tpu.memory_space<vmem>>
    %dma_start3A_61 = tpu.memref_squeeze %dma_start3A_60 : memref<1x128xi32, #tpu.memory_space<vmem>> -> memref<128xi32, #tpu.memory_space<vmem>>
    %dma_start3A_62 = arith.constant 0 : i32
    %dma_start3A_63 = arith.constant 0 : i32
    %dma_start3A_64 = tpu.memref_slice %arg7[%dma_start3A_62, %dma_start3A_63] : memref<2000000x16xf32, #tpu.memory_space<hbm>> -> memref<2000000x16xf32, #tpu.memory_space<hbm>>
    tpu.enqueue_indirect_dma source(%dma_start3A_64 : memref<2000000x16xf32, #tpu.memory_space<hbm>>) target(%dma_start3A_58 : memref<128x16xf32, #tpu.memory_space<vmem>>) offsets(%dma_start3A_61 : memref<128xi32, #tpu.memory_space<vmem>>) semaphore(%arg19 : memref<!tpu.dma_semaphore, #tpu.memory_space<semaphore_mem>>)
    %rem3A_65 = arith.constant 0 : i32
    %rem3A_66 = arith.constant 2 : i32
    %rem3A_67 = arith.remsi %rem3A_65, %rem3A_66 : i32
    %dma_start3A_68 = arith.constant 0 : i32
    %dma_start3A_69 = arith.constant 0 : i32
    %dma_start3A_70 = arith.constant 256 : i32
    %dma_start3A_71 = arith.constant 0 : i32
    %dma_start3A_72 = tpu.memref_slice %arg13[%rem3A_67, %dma_start3A_69, %dma_start3A_70, %dma_start3A_71] : memref<2x2x512x16xf32, #tpu.memory_space<vmem>> -> memref<1x1x128x16xf32, #tpu.memory_space<vmem>>
    %dma_start3A_73 = tpu.memref_squeeze %dma_start3A_72 : memref<1x1x128x16xf32, #tpu.memory_space<vmem>> -> memref<128x16xf32, #tpu.memory_space<vmem>>
    %dma_start3A_74 = arith.constant 256 : i32
    %dma_start3A_75 = tpu.memref_slice %arg9[%dma_start3A_68, %dma_start3A_74] : memref<32x512xi32, #tpu.memory_space<vmem>> -> memref<1x128xi32, #tpu.memory_space<vmem>>
    %dma_start3A_76 = tpu.memref_squeeze %dma_start3A_75 : memref<1x128xi32, #tpu.memory_space<vmem>> -> memref<128xi32, #tpu.memory_space<vmem>>
    %dma_start3A_77 = arith.constant 0 : i32
    %dma_start3A_78 = arith.constant 0 : i32
    %dma_start3A_79 = tpu.memref_slice %arg6[%dma_start3A_77, %dma_start3A_78] : memref<2000000x16xf32, #tpu.memory_space<hbm>> -> memref<2000000x16xf32, #tpu.memory_space<hbm>>
    tpu.enqueue_indirect_dma source(%dma_start3A_79 : memref<2000000x16xf32, #tpu.memory_space<hbm>>) target(%dma_start3A_73 : memref<128x16xf32, #tpu.memory_space<vmem>>) offsets(%dma_start3A_76 : memref<128xi32, #tpu.memory_space<vmem>>) semaphore(%arg17 : memref<!tpu.dma_semaphore, #tpu.memory_space<semaphore_mem>>)
    %rem3A_80 = arith.constant 0 : i32
    %rem3A_81 = arith.constant 2 : i32
    %rem3A_82 = arith.remsi %rem3A_80, %rem3A_81 : i32
    %dma_start3A_83 = arith.constant 0 : i32
    %dma_start3A_84 = arith.constant 0 : i32
    %dma_start3A_85 = arith.constant 256 : i32
    %dma_start3A_86 = arith.constant 0 : i32
    %dma_start3A_87 = tpu.memref_slice %arg14[%rem3A_82, %dma_start3A_84, %dma_start3A_85, %dma_start3A_86] : memref<2x2x512x16xf32, #tpu.memory_space<vmem>> -> memref<1x1x128x16xf32, #tpu.memory_space<vmem>>
    %dma_start3A_88 = tpu.memref_squeeze %dma_start3A_87 : memref<1x1x128x16xf32, #tpu.memory_space<vmem>> -> memref<128x16xf32, #tpu.memory_space<vmem>>
    %dma_start3A_89 = arith.constant 256 : i32
    %dma_start3A_90 = tpu.memref_slice %arg10[%dma_start3A_83, %dma_start3A_89] : memref<32x512xi32, #tpu.memory_space<vmem>> -> memref<1x128xi32, #tpu.memory_space<vmem>>
    %dma_start3A_91 = tpu.memref_squeeze %dma_start3A_90 : memref<1x128xi32, #tpu.memory_space<vmem>> -> memref<128xi32, #tpu.memory_space<vmem>>
    %dma_start3A_92 = arith.constant 0 : i32
    %dma_start3A_93 = arith.constant 0 : i32
    %dma_start3A_94 = tpu.memref_slice %arg7[%dma_start3A_92, %dma_start3A_93] : memref<2000000x16xf32, #tpu.memory_space<hbm>> -> memref<2000000x16xf32, #tpu.memory_space<hbm>>
    tpu.enqueue_indirect_dma source(%dma_start3A_94 : memref<2000000x16xf32, #tpu.memory_space<hbm>>) target(%dma_start3A_88 : memref<128x16xf32, #tpu.memory_space<vmem>>) offsets(%dma_start3A_91 : memref<128xi32, #tpu.memory_space<vmem>>) semaphore(%arg19 : memref<!tpu.dma_semaphore, #tpu.memory_space<semaphore_mem>>)
    %rem3A_95 = arith.constant 0 : i32
    %rem3A_96 = arith.constant 2 : i32
    %rem3A_97 = arith.remsi %rem3A_95, %rem3A_96 : i32
    %dma_start3A_98 = arith.constant 0 : i32
    %dma_start3A_99 = arith.constant 0 : i32
    %dma_start3A_100 = arith.constant 384 : i32
    %dma_start3A_101 = arith.constant 0 : i32
    %dma_start3A_102 = tpu.memref_slice %arg13[%rem3A_97, %dma_start3A_99, %dma_start3A_100, %dma_start3A_101] : memref<2x2x512x16xf32, #tpu.memory_space<vmem>> -> memref<1x1x128x16xf32, #tpu.memory_space<vmem>>
    %dma_start3A_103 = tpu.memref_squeeze %dma_start3A_102 : memref<1x1x128x16xf32, #tpu.memory_space<vmem>> -> memref<128x16xf32, #tpu.memory_space<vmem>>
    %dma_start3A_104 = arith.constant 384 : i32
    %dma_start3A_105 = tpu.memref_slice %arg9[%dma_start3A_98, %dma_start3A_104] : memref<32x512xi32, #tpu.memory_space<vmem>> -> memref<1x128xi32, #tpu.memory_space<vmem>>
    %dma_start3A_106 = tpu.memref_squeeze %dma_start3A_105 : memref<1x128xi32, #tpu.memory_space<vmem>> -> memref<128xi32, #tpu.memory_space<vmem>>
    %dma_start3A_107 = arith.constant 0 : i32
    %dma_start3A_108 = arith.constant 0 : i32
    %dma_start3A_109 = tpu.memref_slice %arg6[%dma_start3A_107, %dma_start3A_108] : memref<2000000x16xf32, #tpu.memory_space<hbm>> -> memref<2000000x16xf32, #tpu.memory_space<hbm>>
    tpu.enqueue_indirect_dma source(%dma_start3A_109 : memref<2000000x16xf32, #tpu.memory_space<hbm>>) target(%dma_start3A_103 : memref<128x16xf32, #tpu.memory_space<vmem>>) offsets(%dma_start3A_106 : memref<128xi32, #tpu.memory_space<vmem>>) semaphore(%arg17 : memref<!tpu.dma_semaphore, #tpu.memory_space<semaphore_mem>>)
    %rem3A_110 = arith.constant 0 : i32
    %rem3A_111 = arith.constant 2 : i32
    %rem3A_112 = arith.remsi %rem3A_110, %rem3A_111 : i32
    %dma_start3A_113 = arith.constant 0 : i32
    %dma_start3A_114 = arith.constant 0 : i32
    %dma_start3A_115 = arith.constant 384 : i32
    %dma_start3A_116 = arith.constant 0 : i32
    %dma_start3A_117 = tpu.memref_slice %arg14[%rem3A_112, %dma_start3A_114, %dma_start3A_115, %dma_start3A_116] : memref<2x2x512x16xf32, #tpu.memory_space<vmem>> -> memref<1x1x128x16xf32, #tpu.memory_space<vmem>>
    %dma_start3A_118 = tpu.memref_squeeze %dma_start3A_117 : memref<1x1x128x16xf32, #tpu.memory_space<vmem>> -> memref<128x16xf32, #tpu.memory_space<vmem>>
    %dma_start3A_119 = arith.constant 384 : i32
    %dma_start3A_120 = tpu.memref_slice %arg10[%dma_start3A_113, %dma_start3A_119] : memref<32x512xi32, #tpu.memory_space<vmem>> -> memref<1x128xi32, #tpu.memory_space<vmem>>
    %dma_start3A_121 = tpu.memref_squeeze %dma_start3A_120 : memref<1x128xi32, #tpu.memory_space<vmem>> -> memref<128xi32, #tpu.memory_space<vmem>>
    %dma_start3A_122 = arith.constant 0 : i32
    %dma_start3A_123 = arith.constant 0 : i32
    %dma_start3A_124 = tpu.memref_slice %arg7[%dma_start3A_122, %dma_start3A_123] : memref<2000000x16xf32, #tpu.memory_space<hbm>> -> memref<2000000x16xf32, #tpu.memory_space<hbm>>
    tpu.enqueue_indirect_dma source(%dma_start3A_124 : memref<2000000x16xf32, #tpu.memory_space<hbm>>) target(%dma_start3A_118 : memref<128x16xf32, #tpu.memory_space<vmem>>) offsets(%dma_start3A_121 : memref<128xi32, #tpu.memory_space<vmem>>) semaphore(%arg19 : memref<!tpu.dma_semaphore, #tpu.memory_space<semaphore_mem>>)
    %rem3A_125 = arith.constant 0 : i32
    %rem3A_126 = arith.constant 2 : i32
    %rem3A_127 = arith.remsi %rem3A_125, %rem3A_126 : i32
    %dma_start3A_128 = arith.constant 1 : i32
    %dma_start3A_129 = arith.constant 1 : i32
    %dma_start3A_130 = arith.constant 0 : i32
    %dma_start3A_131 = arith.constant 0 : i32
    %dma_start3A_132 = tpu.memref_slice %arg13[%rem3A_127, %dma_start3A_129, %dma_start3A_130, %dma_start3A_131] : memref<2x2x512x16xf32, #tpu.memory_space<vmem>> -> memref<1x1x128x16xf32, #tpu.memory_space<vmem>>
    %dma_start3A_133 = tpu.memref_squeeze %dma_start3A_132 : memref<1x1x128x16xf32, #tpu.memory_space<vmem>> -> memref<128x16xf32, #tpu.memory_space<vmem>>
    %dma_start3A_134 = arith.constant 0 : i32
    %dma_start3A_135 = tpu.memref_slice %arg9[%dma_start3A_128, %dma_start3A_134] : memref<32x512xi32, #tpu.memory_space<vmem>> -> memref<1x128xi32, #tpu.memory_space<vmem>>
    %dma_start3A_136 = tpu.memref_squeeze %dma_start3A_135 : memref<1x128xi32, #tpu.memory_space<vmem>> -> memref<128xi32, #tpu.memory_space<vmem>>
    %dma_start3A_137 = arith.constant 0 : i32
    %dma_start3A_138 = arith.constant 0 : i32
    %dma_start3A_139 = tpu.memref_slice %arg6[%dma_start3A_137, %dma_start3A_138] : memref<2000000x16xf32, #tpu.memory_space<hbm>> -> memref<2000000x16xf32, #tpu.memory_space<hbm>>
    tpu.enqueue_indirect_dma source(%dma_start3A_139 : memref<2000000x16xf32, #tpu.memory_space<hbm>>) target(%dma_start3A_133 : memref<128x16xf32, #tpu.memory_space<vmem>>) offsets(%dma_start3A_136 : memref<128xi32, #tpu.memory_space<vmem>>) semaphore(%arg17 : memref<!tpu.dma_semaphore, #tpu.memory_space<semaphore_mem>>)
    %rem3A_140 = arith.constant 0 : i32
    %rem3A_141 = arith.constant 2 : i32
    %rem3A_142 = arith.remsi %rem3A_140, %rem3A_141 : i32
    %dma_start3A_143 = arith.constant 1 : i32
    %dma_start3A_144 = arith.constant 1 : i32
    %dma_start3A_145 = arith.constant 0 : i32
    %dma_start3A_146 = arith.constant 0 : i32
    %dma_start3A_147 = tpu.memref_slice %arg14[%rem3A_142, %dma_start3A_144, %dma_start3A_145, %dma_start3A_146] : memref<2x2x512x16xf32, #tpu.memory_space<vmem>> -> memref<1x1x128x16xf32, #tpu.memory_space<vmem>>
    %dma_start3A_148 = tpu.memref_squeeze %dma_start3A_147 : memref<1x1x128x16xf32, #tpu.memory_space<vmem>> -> memref<128x16xf32, #tpu.memory_space<vmem>>
    %dma_start3A_149 = arith.constant 0 : i32
    %dma_start3A_150 = tpu.memref_slice %arg10[%dma_start3A_143, %dma_start3A_149] : memref<32x512xi32, #tpu.memory_space<vmem>> -> memref<1x128xi32, #tpu.memory_space<vmem>>
    %dma_start3A_151 = tpu.memref_squeeze %dma_start3A_150 : memref<1x128xi32, #tpu.memory_space<vmem>> -> memref<128xi32, #tpu.memory_space<vmem>>
    %dma_start3A_152 = arith.constant 0 : i32
    %dma_start3A_153 = arith.constant 0 : i32
    %dma_start3A_154 = tpu.memref_slice %arg7[%dma_start3A_152, %dma_start3A_153] : memref<2000000x16xf32, #tpu.memory_space<hbm>> -> memref<2000000x16xf32, #tpu.memory_space<hbm>>
    tpu.enqueue_indirect_dma source(%dma_start3A_154 : memref<2000000x16xf32, #tpu.memory_space<hbm>>) target(%dma_start3A_148 : memref<128x16xf32, #tpu.memory_space<vmem>>) offsets(%dma_start3A_151 : memref<128xi32, #tpu.memory_space<vmem>>) semaphore(%arg19 : memref<!tpu.dma_semaphore, #tpu.memory_space<semaphore_mem>>)
    %rem3A_155 = arith.constant 0 : i32
    %rem3A_156 = arith.constant 2 : i32
    %rem3A_157 = arith.remsi %rem3A_155, %rem3A_156 : i32
    %dma_start3A_158 = arith.constant 1 : i32
    %dma_start3A_159 = arith.constant 1 : i32
    %dma_start3A_160 = arith.constant 128 : i32
    %dma_start3A_161 = arith.constant 0 : i32
    %dma_start3A_162 = tpu.memref_slice %arg13[%rem3A_157, %dma_start3A_159, %dma_start3A_160, %dma_start3A_161] : memref<2x2x512x16xf32, #tpu.memory_space<vmem>> -> memref<1x1x128x16xf32, #tpu.memory_space<vmem>>
    %dma_start3A_163 = tpu.memref_squeeze %dma_start3A_162 : memref<1x1x128x16xf32, #tpu.memory_space<vmem>> -> memref<128x16xf32, #tpu.memory_space<vmem>>
    %dma_start3A_164 = arith.constant 128 : i32
    %dma_start3A_165 = tpu.memref_slice %arg9[%dma_start3A_158, %dma_start3A_164] : memref<32x512xi32, #tpu.memory_space<vmem>> -> memref<1x128xi32, #tpu.memory_space<vmem>>
    %dma_start3A_166 = tpu.memref_squeeze %dma_start3A_165 : memref<1x128xi32, #tpu.memory_space<vmem>> -> memref<128xi32, #tpu.memory_space<vmem>>
    %dma_start3A_167 = arith.constant 0 : i32
    %dma_start3A_168 = arith.constant 0 : i32
    %dma_start3A_169 = tpu.memref_slice %arg6[%dma_start3A_167, %dma_start3A_168] : memref<2000000x16xf32, #tpu.memory_space<hbm>> -> memref<2000000x16xf32, #tpu.memory_space<hbm>>
    tpu.enqueue_indirect_dma source(%dma_start3A_169 : memref<2000000x16xf32, #tpu.memory_space<hbm>>) target(%dma_start3A_163 : memref<128x16xf32, #tpu.memory_space<vmem>>) offsets(%dma_start3A_166 : memref<128xi32, #tpu.memory_space<vmem>>) semaphore(%arg17 : memref<!tpu.dma_semaphore, #tpu.memory_space<semaphore_mem>>)
    %rem3A_170 = arith.constant 0 : i32
    %rem3A_171 = arith.constant 2 : i32
    %rem3A_172 = arith.remsi %rem3A_170, %rem3A_171 : i32
    %dma_start3A_173 = arith.constant 1 : i32
    %dma_start3A_174 = arith.constant 1 : i32
    %dma_start3A_175 = arith.constant 128 : i32
    %dma_start3A_176 = arith.constant 0 : i32
    %dma_start3A_177 = tpu.memref_slice %arg14[%rem3A_172, %dma_start3A_174, %dma_start3A_175, %dma_start3A_176] : memref<2x2x512x16xf32, #tpu.memory_space<vmem>> -> memref<1x1x128x16xf32, #tpu.memory_space<vmem>>
    %dma_start3A_178 = tpu.memref_squeeze %dma_start3A_177 : memref<1x1x128x16xf32, #tpu.memory_space<vmem>> -> memref<128x16xf32, #tpu.memory_space<vmem>>
    %dma_start3A_179 = arith.constant 128 : i32
    %dma_start3A_180 = tpu.memref_slice %arg10[%dma_start3A_173, %dma_start3A_179] : memref<32x512xi32, #tpu.memory_space<vmem>> -> memref<1x128xi32, #tpu.memory_space<vmem>>
    %dma_start3A_181 = tpu.memref_squeeze %dma_start3A_180 : memref<1x128xi32, #tpu.memory_space<vmem>> -> memref<128xi32, #tpu.memory_space<vmem>>
    %dma_start3A_182 = arith.constant 0 : i32
    %dma_start3A_183 = arith.constant 0 : i32
    %dma_start3A_184 = tpu.memref_slice %arg7[%dma_start3A_182, %dma_start3A_183] : memref<2000000x16xf32, #tpu.memory_space<hbm>> -> memref<2000000x16xf32, #tpu.memory_space<hbm>>
    tpu.enqueue_indirect_dma source(%dma_start3A_184 : memref<2000000x16xf32, #tpu.memory_space<hbm>>) target(%dma_start3A_178 : memref<128x16xf32, #tpu.memory_space<vmem>>) offsets(%dma_start3A_181 : memref<128xi32, #tpu.memory_space<vmem>>) semaphore(%arg19 : memref<!tpu.dma_semaphore, #tpu.memory_space<semaphore_mem>>)
    %rem3A_185 = arith.constant 0 : i32
    %rem3A_186 = arith.constant 2 : i32
    %rem3A_187 = arith.remsi %rem3A_185, %rem3A_186 : i32
    %dma_start3A_188 = arith.constant 1 : i32
    %dma_start3A_189 = arith.constant 1 : i32
    %dma_start3A_190 = arith.constant 256 : i32
    %dma_start3A_191 = arith.constant 0 : i32
    %dma_start3A_192 = tpu.memref_slice %arg13[%rem3A_187, %dma_start3A_189, %dma_start3A_190, %dma_start3A_191] : memref<2x2x512x16xf32, #tpu.memory_space<vmem>> -> memref<1x1x128x16xf32, #tpu.memory_space<vmem>>
    %dma_start3A_193 = tpu.memref_squeeze %dma_start3A_192 : memref<1x1x128x16xf32, #tpu.memory_space<vmem>> -> memref<128x16xf32, #tpu.memory_space<vmem>>
    %dma_start3A_194 = arith.constant 256 : i32
    %dma_start3A_195 = tpu.memref_slice %arg9[%dma_start3A_188, %dma_start3A_194] : memref<32x512xi32, #tpu.memory_space<vmem>> -> memref<1x128xi32, #tpu.memory_space<vmem>>
    %dma_start3A_196 = tpu.memref_squeeze %dma_start3A_195 : memref<1x128xi32, #tpu.memory_space<vmem>> -> memref<128xi32, #tpu.memory_space<vmem>>
    %dma_start3A_197 = arith.constant 0 : i32
    %dma_start3A_198 = arith.constant 0 : i32
    %dma_start3A_199 = tpu.memref_slice %arg6[%dma_start3A_197, %dma_start3A_198] : memref<2000000x16xf32, #tpu.memory_space<hbm>> -> memref<2000000x16xf32, #tpu.memory_space<hbm>>
    tpu.enqueue_indirect_dma source(%dma_start3A_199 : memref<2000000x16xf32, #tpu.memory_space<hbm>>) target(%dma_start3A_193 : memref<128x16xf32, #tpu.memory_space<vmem>>) offsets(%dma_start3A_196 : memref<128xi32, #tpu.memory_space<vmem>>) semaphore(%arg17 : memref<!tpu.dma_semaphore, #tpu.memory_space<semaphore_mem>>)
    %rem3A_200 = arith.constant 0 : i32
    %rem3A_201 = arith.constant 2 : i32
    %rem3A_202 = arith.remsi %rem3A_200, %rem3A_201 : i32
    %dma_start3A_203 = arith.constant 1 : i32
    %dma_start3A_204 = arith.constant 1 : i32
    %dma_start3A_205 = arith.constant 256 : i32
    %dma_start3A_206 = arith.constant 0 : i32
    %dma_start3A_207 = tpu.memref_slice %arg14[%rem3A_202, %dma_start3A_204, %dma_start3A_205, %dma_start3A_206] : memref<2x2x512x16xf32, #tpu.memory_space<vmem>> -> memref<1x1x128x16xf32, #tpu.memory_space<vmem>>
    %dma_start3A_208 = tpu.memref_squeeze %dma_start3A_207 : memref<1x1x128x16xf32, #tpu.memory_space<vmem>> -> memref<128x16xf32, #tpu.memory_space<vmem>>
    %dma_start3A_209 = arith.constant 256 : i32
    %dma_start3A_210 = tpu.memref_slice %arg10[%dma_start3A_203, %dma_start3A_209] : memref<32x512xi32, #tpu.memory_space<vmem>> -> memref<1x128xi32, #tpu.memory_space<vmem>>
    %dma_start3A_211 = tpu.memref_squeeze %dma_start3A_210 : memref<1x128xi32, #tpu.memory_space<vmem>> -> memref<128xi32, #tpu.memory_space<vmem>>
    %dma_start3A_212 = arith.constant 0 : i32
    %dma_start3A_213 = arith.constant 0 : i32
    %dma_start3A_214 = tpu.memref_slice %arg7[%dma_start3A_212, %dma_start3A_213] : memref<2000000x16xf32, #tpu.memory_space<hbm>> -> memref<2000000x16xf32, #tpu.memory_space<hbm>>
    tpu.enqueue_indirect_dma source(%dma_start3A_214 : memref<2000000x16xf32, #tpu.memory_space<hbm>>) target(%dma_start3A_208 : memref<128x16xf32, #tpu.memory_space<vmem>>) offsets(%dma_start3A_211 : memref<128xi32, #tpu.memory_space<vmem>>) semaphore(%arg19 : memref<!tpu.dma_semaphore, #tpu.memory_space<semaphore_mem>>)
    %rem3A_215 = arith.constant 0 : i32
    %rem3A_216 = arith.constant 2 : i32
    %rem3A_217 = arith.remsi %rem3A_215, %rem3A_216 : i32
    %dma_start3A_218 = arith.constant 1 : i32
    %dma_start3A_219 = arith.constant 1 : i32
    %dma_start3A_220 = arith.constant 384 : i32
    %dma_start3A_221 = arith.constant 0 : i32
    %dma_start3A_222 = tpu.memref_slice %arg13[%rem3A_217, %dma_start3A_219, %dma_start3A_220, %dma_start3A_221] : memref<2x2x512x16xf32, #tpu.memory_space<vmem>> -> memref<1x1x128x16xf32, #tpu.memory_space<vmem>>
    %dma_start3A_223 = tpu.memref_squeeze %dma_start3A_222 : memref<1x1x128x16xf32, #tpu.memory_space<vmem>> -> memref<128x16xf32, #tpu.memory_space<vmem>>
    %dma_start3A_224 = arith.constant 384 : i32
    %dma_start3A_225 = tpu.memref_slice %arg9[%dma_start3A_218, %dma_start3A_224] : memref<32x512xi32, #tpu.memory_space<vmem>> -> memref<1x128xi32, #tpu.memory_space<vmem>>
    %dma_start3A_226 = tpu.memref_squeeze %dma_start3A_225 : memref<1x128xi32, #tpu.memory_space<vmem>> -> memref<128xi32, #tpu.memory_space<vmem>>
    %dma_start3A_227 = arith.constant 0 : i32
    %dma_start3A_228 = arith.constant 0 : i32
    %dma_start3A_229 = tpu.memref_slice %arg6[%dma_start3A_227, %dma_start3A_228] : memref<2000000x16xf32, #tpu.memory_space<hbm>> -> memref<2000000x16xf32, #tpu.memory_space<hbm>>
    tpu.enqueue_indirect_dma source(%dma_start3A_229 : memref<2000000x16xf32, #tpu.memory_space<hbm>>) target(%dma_start3A_223 : memref<128x16xf32, #tpu.memory_space<vmem>>) offsets(%dma_start3A_226 : memref<128xi32, #tpu.memory_space<vmem>>) semaphore(%arg17 : memref<!tpu.dma_semaphore, #tpu.memory_space<semaphore_mem>>)
    %rem3A_230 = arith.constant 0 : i32
    %rem3A_231 = arith.constant 2 : i32
    %rem3A_232 = arith.remsi %rem3A_230, %rem3A_231 : i32
    %dma_start3A_233 = arith.constant 1 : i32
    %dma_start3A_234 = arith.constant 1 : i32
    %dma_start3A_235 = arith.constant 384 : i32
    %dma_start3A_236 = arith.constant 0 : i32
    %dma_start3A_237 = tpu.memref_slice %arg14[%rem3A_232, %dma_start3A_234, %dma_start3A_235, %dma_start3A_236] : memref<2x2x512x16xf32, #tpu.memory_space<vmem>> -> memref<1x1x128x16xf32, #tpu.memory_space<vmem>>
    %dma_start3A_238 = tpu.memref_squeeze %dma_start3A_237 : memref<1x1x128x16xf32, #tpu.memory_space<vmem>> -> memref<128x16xf32, #tpu.memory_space<vmem>>
    %dma_start3A_239 = arith.constant 384 : i32
    %dma_start3A_240 = tpu.memref_slice %arg10[%dma_start3A_233, %dma_start3A_239] : memref<32x512xi32, #tpu.memory_space<vmem>> -> memref<1x128xi32, #tpu.memory_space<vmem>>
    %dma_start3A_241 = tpu.memref_squeeze %dma_start3A_240 : memref<1x128xi32, #tpu.memory_space<vmem>> -> memref<128xi32, #tpu.memory_space<vmem>>
    %dma_start3A_242 = arith.constant 0 : i32
    %dma_start3A_243 = arith.constant 0 : i32
    %dma_start3A_244 = tpu.memref_slice %arg7[%dma_start3A_242, %dma_start3A_243] : memref<2000000x16xf32, #tpu.memory_space<hbm>> -> memref<2000000x16xf32, #tpu.memory_space<hbm>>
    tpu.enqueue_indirect_dma source(%dma_start3A_244 : memref<2000000x16xf32, #tpu.memory_space<hbm>>) target(%dma_start3A_238 : memref<128x16xf32, #tpu.memory_space<vmem>>) offsets(%dma_start3A_241 : memref<128xi32, #tpu.memory_space<vmem>>) semaphore(%arg19 : memref<!tpu.dma_semaphore, #tpu.memory_space<semaphore_mem>>)
    %scan3A_245 = arith.constant 0 : i32
    %scan3A_246 = arith.constant 0 : i32
    %scan3A_247 = arith.constant 16 : i32
    %scan3A_248 = arith.addi %scan3A_246, %scan3A_247 : i32
    %scan3A_249 = arith.constant 1 : i32
    %scan3A_250 = scf.for %scan3A_252 = %scan3A_246 to %scan3A_248 step %scan3A_249 iter_args(%scan3A_253 = %scan3A_245) -> (i32)  : i32 {
      %rem3A_254 = arith.constant 2 : i32
      %rem3A_255 = arith.remsi %scan3A_252, %rem3A_254 : i32
      %add3A_256 = arith.constant 1 : i32
      %add3A_257 = arith.addi %scan3A_252, %add3A_256 : i32
      %lt3A = arith.constant 16 : i32
      %lt3A_258 = arith.cmpi slt, %add3A_257, %lt3A : i32
      %convert_element_type3A = arith.extui %lt3A_258 : i1 to i32
      %cond3A = arith.constant 0 : i32
      %cond3A_259 = arith.cmpi ne, %convert_element_type3A, %cond3A : i32
      scf.if %cond3A_259 {
        %eq3A_279 = arith.constant 0 : i32
        %eq3A_280 = arith.cmpi eq, %rem3A_255, %eq3A_279 : i32
        %convert_element_type3A_281 = arith.extui %eq3A_280 : i1 to i32
        %cond3A_282 = arith.constant 0 : i32
        %cond3A_283 = arith.cmpi ne, %convert_element_type3A_281, %cond3A_282 : i32
        scf.if %cond3A_283 {
          %add3A_289 = arith.constant 1 : i32
          %add3A_290 = arith.addi %scan3A_252, %add3A_289 : i32
          %mul3A_291 = arith.constant 2 : i32
          %mul3A_292 = arith.muli %add3A_290, %mul3A_291 : i32
          %add3A_293 = arith.constant 0 : i32
          %add3A_294 = arith.addi %mul3A_292, %add3A_293 : i32
          %rem3A_295 = arith.constant 2 : i32
          %rem3A_296 = arith.remsi %add3A_290, %rem3A_295 : i32
          %dma_start3A_297 = arith.constant 0 : i32
          %dma_start3A_298 = arith.constant 0 : i32
          %dma_start3A_299 = arith.constant 0 : i32
          %dma_start3A_300 = tpu.memref_slice %arg13[%rem3A_296, %dma_start3A_297, %dma_start3A_298, %dma_start3A_299] : memref<2x2x512x16xf32, #tpu.memory_space<vmem>> -> memref<1x1x128x16xf32, #tpu.memory_space<vmem>>
          %dma_start3A_301 = tpu.memref_squeeze %dma_start3A_300 : memref<1x1x128x16xf32, #tpu.memory_space<vmem>> -> memref<128x16xf32, #tpu.memory_space<vmem>>
          %dma_start3A_302 = arith.constant 0 : i32
          %dma_start3A_303 = tpu.memref_slice %arg9[%add3A_294, %dma_start3A_302] : memref<32x512xi32, #tpu.memory_space<vmem>> -> memref<1x128xi32, #tpu.memory_space<vmem>>
          %dma_start3A_304 = tpu.memref_squeeze %dma_start3A_303 : memref<1x128xi32, #tpu.memory_space<vmem>> -> memref<128xi32, #tpu.memory_space<vmem>>
          %dma_start3A_305 = arith.constant 0 : i32
          %dma_start3A_306 = arith.constant 0 : i32
          %dma_start3A_307 = tpu.memref_slice %arg6[%dma_start3A_305, %dma_start3A_306] : memref<2000000x16xf32, #tpu.memory_space<hbm>> -> memref<2000000x16xf32, #tpu.memory_space<hbm>>
          tpu.enqueue_indirect_dma source(%dma_start3A_307 : memref<2000000x16xf32, #tpu.memory_space<hbm>>) target(%dma_start3A_301 : memref<128x16xf32, #tpu.memory_space<vmem>>) offsets(%dma_start3A_304 : memref<128xi32, #tpu.memory_space<vmem>>) semaphore(%arg18 : memref<!tpu.dma_semaphore, #tpu.memory_space<semaphore_mem>>)
          %mul3A_308 = arith.constant 2 : i32
          %mul3A_309 = arith.muli %add3A_290, %mul3A_308 : i32
          %add3A_310 = arith.constant 0 : i32
          %add3A_311 = arith.addi %mul3A_309, %add3A_310 : i32
          %rem3A_312 = arith.constant 2 : i32
          %rem3A_313 = arith.remsi %add3A_290, %rem3A_312 : i32
          %dma_start3A_314 = arith.constant 0 : i32
          %dma_start3A_315 = arith.constant 0 : i32
          %dma_start3A_316 = arith.constant 0 : i32
          %dma_start3A_317 = tpu.memref_slice %arg14[%rem3A_313, %dma_start3A_314, %dma_start3A_315, %dma_start3A_316] : memref<2x2x512x16xf32, #tpu.memory_space<vmem>> -> memref<1x1x128x16xf32, #tpu.memory_space<vmem>>
          %dma_start3A_318 = tpu.memref_squeeze %dma_start3A_317 : memref<1x1x128x16xf32, #tpu.memory_space<vmem>> -> memref<128x16xf32, #tpu.memory_space<vmem>>
          %dma_start3A_319 = arith.constant 0 : i32
          %dma_start3A_320 = tpu.memref_slice %arg10[%add3A_311, %dma_start3A_319] : memref<32x512xi32, #tpu.memory_space<vmem>> -> memref<1x128xi32, #tpu.memory_space<vmem>>
          %dma_start3A_321 = tpu.memref_squeeze %dma_start3A_320 : memref<1x128xi32, #tpu.memory_space<vmem>> -> memref<128xi32, #tpu.memory_space<vmem>>
          %dma_start3A_322 = arith.constant 0 : i32
          %dma_start3A_323 = arith.constant 0 : i32
          %dma_start3A_324 = tpu.memref_slice %arg7[%dma_start3A_322, %dma_start3A_323] : memref<2000000x16xf32, #tpu.memory_space<hbm>> -> memref<2000000x16xf32, #tpu.memory_space<hbm>>
          tpu.enqueue_indirect_dma source(%dma_start3A_324 : memref<2000000x16xf32, #tpu.memory_space<hbm>>) target(%dma_start3A_318 : memref<128x16xf32, #tpu.memory_space<vmem>>) offsets(%dma_start3A_321 : memref<128xi32, #tpu.memory_space<vmem>>) semaphore(%arg20 : memref<!tpu.dma_semaphore, #tpu.memory_space<semaphore_mem>>)
          %mul3A_325 = arith.constant 2 : i32
          %mul3A_326 = arith.muli %add3A_290, %mul3A_325 : i32
          %add3A_327 = arith.constant 0 : i32
          %add3A_328 = arith.addi %mul3A_326, %add3A_327 : i32
          %rem3A_329 = arith.constant 2 : i32
          %rem3A_330 = arith.remsi %add3A_290, %rem3A_329 : i32
          %dma_start3A_331 = arith.constant 0 : i32
          %dma_start3A_332 = arith.constant 128 : i32
          %dma_start3A_333 = arith.constant 0 : i32
          %dma_start3A_334 = tpu.memref_slice %arg13[%rem3A_330, %dma_start3A_331, %dma_start3A_332, %dma_start3A_333] : memref<2x2x512x16xf32, #tpu.memory_space<vmem>> -> memref<1x1x128x16xf32, #tpu.memory_space<vmem>>
          %dma_start3A_335 = tpu.memref_squeeze %dma_start3A_334 : memref<1x1x128x16xf32, #tpu.memory_space<vmem>> -> memref<128x16xf32, #tpu.memory_space<vmem>>
          %dma_start3A_336 = arith.constant 128 : i32
          %dma_start3A_337 = tpu.memref_slice %arg9[%add3A_328, %dma_start3A_336] : memref<32x512xi32, #tpu.memory_space<vmem>> -> memref<1x128xi32, #tpu.memory_space<vmem>>
          %dma_start3A_338 = tpu.memref_squeeze %dma_start3A_337 : memref<1x128xi32, #tpu.memory_space<vmem>> -> memref<128xi32, #tpu.memory_space<vmem>>
          %dma_start3A_339 = arith.constant 0 : i32
          %dma_start3A_340 = arith.constant 0 : i32
          %dma_start3A_341 = tpu.memref_slice %arg6[%dma_start3A_339, %dma_start3A_340] : memref<2000000x16xf32, #tpu.memory_space<hbm>> -> memref<2000000x16xf32, #tpu.memory_space<hbm>>
          tpu.enqueue_indirect_dma source(%dma_start3A_341 : memref<2000000x16xf32, #tpu.memory_space<hbm>>) target(%dma_start3A_335 : memref<128x16xf32, #tpu.memory_space<vmem>>) offsets(%dma_start3A_338 : memref<128xi32, #tpu.memory_space<vmem>>) semaphore(%arg18 : memref<!tpu.dma_semaphore, #tpu.memory_space<semaphore_mem>>)
          %mul3A_342 = arith.constant 2 : i32
          %mul3A_343 = arith.muli %add3A_290, %mul3A_342 : i32
          %add3A_344 = arith.constant 0 : i32
          %add3A_345 = arith.addi %mul3A_343, %add3A_344 : i32
          %rem3A_346 = arith.constant 2 : i32
          %rem3A_347 = arith.remsi %add3A_290, %rem3A_346 : i32
          %dma_start3A_348 = arith.constant 0 : i32
          %dma_start3A_349 = arith.constant 128 : i32
          %dma_start3A_350 = arith.constant 0 : i32
          %dma_start3A_351 = tpu.memref_slice %arg14[%rem3A_347, %dma_start3A_348, %dma_start3A_349, %dma_start3A_350] : memref<2x2x512x16xf32, #tpu.memory_space<vmem>> -> memref<1x1x128x16xf32, #tpu.memory_space<vmem>>
          %dma_start3A_352 = tpu.memref_squeeze %dma_start3A_351 : memref<1x1x128x16xf32, #tpu.memory_space<vmem>> -> memref<128x16xf32, #tpu.memory_space<vmem>>
          %dma_start3A_353 = arith.constant 128 : i32
          %dma_start3A_354 = tpu.memref_slice %arg10[%add3A_345, %dma_start3A_353] : memref<32x512xi32, #tpu.memory_space<vmem>> -> memref<1x128xi32, #tpu.memory_space<vmem>>
          %dma_start3A_355 = tpu.memref_squeeze %dma_start3A_354 : memref<1x128xi32, #tpu.memory_space<vmem>> -> memref<128xi32, #tpu.memory_space<vmem>>
          %dma_start3A_356 = arith.constant 0 : i32
          %dma_start3A_357 = arith.constant 0 : i32
          %dma_start3A_358 = tpu.memref_slice %arg7[%dma_start3A_356, %dma_start3A_357] : memref<2000000x16xf32, #tpu.memory_space<hbm>> -> memref<2000000x16xf32, #tpu.memory_space<hbm>>
          tpu.enqueue_indirect_dma source(%dma_start3A_358 : memref<2000000x16xf32, #tpu.memory_space<hbm>>) target(%dma_start3A_352 : memref<128x16xf32, #tpu.memory_space<vmem>>) offsets(%dma_start3A_355 : memref<128xi32, #tpu.memory_space<vmem>>) semaphore(%arg20 : memref<!tpu.dma_semaphore, #tpu.memory_space<semaphore_mem>>)
          %mul3A_359 = arith.constant 2 : i32
          %mul3A_360 = arith.muli %add3A_290, %mul3A_359 : i32
          %add3A_361 = arith.constant 0 : i32
          %add3A_362 = arith.addi %mul3A_360, %add3A_361 : i32
          %rem3A_363 = arith.constant 2 : i32
          %rem3A_364 = arith.remsi %add3A_290, %rem3A_363 : i32
          %dma_start3A_365 = arith.constant 0 : i32
          %dma_start3A_366 = arith.constant 256 : i32
          %dma_start3A_367 = arith.constant 0 : i32
          %dma_start3A_368 = tpu.memref_slice %arg13[%rem3A_364, %dma_start3A_365, %dma_start3A_366, %dma_start3A_367] : memref<2x2x512x16xf32, #tpu.memory_space<vmem>> -> memref<1x1x128x16xf32, #tpu.memory_space<vmem>>
          %dma_start3A_369 = tpu.memref_squeeze %dma_start3A_368 : memref<1x1x128x16xf32, #tpu.memory_space<vmem>> -> memref<128x16xf32, #tpu.memory_space<vmem>>
          %dma_start3A_370 = arith.constant 256 : i32
          %dma_start3A_371 = tpu.memref_slice %arg9[%add3A_362, %dma_start3A_370] : memref<32x512xi32, #tpu.memory_space<vmem>> -> memref<1x128xi32, #tpu.memory_space<vmem>>
          %dma_start3A_372 = tpu.memref_squeeze %dma_start3A_371 : memref<1x128xi32, #tpu.memory_space<vmem>> -> memref<128xi32, #tpu.memory_space<vmem>>
          %dma_start3A_373 = arith.constant 0 : i32
          %dma_start3A_374 = arith.constant 0 : i32
          %dma_start3A_375 = tpu.memref_slice %arg6[%dma_start3A_373, %dma_start3A_374] : memref<2000000x16xf32, #tpu.memory_space<hbm>> -> memref<2000000x16xf32, #tpu.memory_space<hbm>>
          tpu.enqueue_indirect_dma source(%dma_start3A_375 : memref<2000000x16xf32, #tpu.memory_space<hbm>>) target(%dma_start3A_369 : memref<128x16xf32, #tpu.memory_space<vmem>>) offsets(%dma_start3A_372 : memref<128xi32, #tpu.memory_space<vmem>>) semaphore(%arg18 : memref<!tpu.dma_semaphore, #tpu.memory_space<semaphore_mem>>)
          %mul3A_376 = arith.constant 2 : i32
          %mul3A_377 = arith.muli %add3A_290, %mul3A_376 : i32
          %add3A_378 = arith.constant 0 : i32
          %add3A_379 = arith.addi %mul3A_377, %add3A_378 : i32
          %rem3A_380 = arith.constant 2 : i32
          %rem3A_381 = arith.remsi %add3A_290, %rem3A_380 : i32
          %dma_start3A_382 = arith.constant 0 : i32
          %dma_start3A_383 = arith.constant 256 : i32
          %dma_start3A_384 = arith.constant 0 : i32
          %dma_start3A_385 = tpu.memref_slice %arg14[%rem3A_381, %dma_start3A_382, %dma_start3A_383, %dma_start3A_384] : memref<2x2x512x16xf32, #tpu.memory_space<vmem>> -> memref<1x1x128x16xf32, #tpu.memory_space<vmem>>
          %dma_start3A_386 = tpu.memref_squeeze %dma_start3A_385 : memref<1x1x128x16xf32, #tpu.memory_space<vmem>> -> memref<128x16xf32, #tpu.memory_space<vmem>>
          %dma_start3A_387 = arith.constant 256 : i32
          %dma_start3A_388 = tpu.memref_slice %arg10[%add3A_379, %dma_start3A_387] : memref<32x512xi32, #tpu.memory_space<vmem>> -> memref<1x128xi32, #tpu.memory_space<vmem>>
          %dma_start3A_389 = tpu.memref_squeeze %dma_start3A_388 : memref<1x128xi32, #tpu.memory_space<vmem>> -> memref<128xi32, #tpu.memory_space<vmem>>
          %dma_start3A_390 = arith.constant 0 : i32
          %dma_start3A_391 = arith.constant 0 : i32
          %dma_start3A_392 = tpu.memref_slice %arg7[%dma_start3A_390, %dma_start3A_391] : memref<2000000x16xf32, #tpu.memory_space<hbm>> -> memref<2000000x16xf32, #tpu.memory_space<hbm>>
          tpu.enqueue_indirect_dma source(%dma_start3A_392 : memref<2000000x16xf32, #tpu.memory_space<hbm>>) target(%dma_start3A_386 : memref<128x16xf32, #tpu.memory_space<vmem>>) offsets(%dma_start3A_389 : memref<128xi32, #tpu.memory_space<vmem>>) semaphore(%arg20 : memref<!tpu.dma_semaphore, #tpu.memory_space<semaphore_mem>>)
          %mul3A_393 = arith.constant 2 : i32
          %mul3A_394 = arith.muli %add3A_290, %mul3A_393 : i32
          %add3A_395 = arith.constant 0 : i32
          %add3A_396 = arith.addi %mul3A_394, %add3A_395 : i32
          %rem3A_397 = arith.constant 2 : i32
          %rem3A_398 = arith.remsi %add3A_290, %rem3A_397 : i32
          %dma_start3A_399 = arith.constant 0 : i32
          %dma_start3A_400 = arith.constant 384 : i32
          %dma_start3A_401 = arith.constant 0 : i32
          %dma_start3A_402 = tpu.memref_slice %arg13[%rem3A_398, %dma_start3A_399, %dma_start3A_400, %dma_start3A_401] : memref<2x2x512x16xf32, #tpu.memory_space<vmem>> -> memref<1x1x128x16xf32, #tpu.memory_space<vmem>>
          %dma_start3A_403 = tpu.memref_squeeze %dma_start3A_402 : memref<1x1x128x16xf32, #tpu.memory_space<vmem>> -> memref<128x16xf32, #tpu.memory_space<vmem>>
          %dma_start3A_404 = arith.constant 384 : i32
          %dma_start3A_405 = tpu.memref_slice %arg9[%add3A_396, %dma_start3A_404] : memref<32x512xi32, #tpu.memory_space<vmem>> -> memref<1x128xi32, #tpu.memory_space<vmem>>
          %dma_start3A_406 = tpu.memref_squeeze %dma_start3A_405 : memref<1x128xi32, #tpu.memory_space<vmem>> -> memref<128xi32, #tpu.memory_space<vmem>>
          %dma_start3A_407 = arith.constant 0 : i32
          %dma_start3A_408 = arith.constant 0 : i32
          %dma_start3A_409 = tpu.memref_slice %arg6[%dma_start3A_407, %dma_start3A_408] : memref<2000000x16xf32, #tpu.memory_space<hbm>> -> memref<2000000x16xf32, #tpu.memory_space<hbm>>
          tpu.enqueue_indirect_dma source(%dma_start3A_409 : memref<2000000x16xf32, #tpu.memory_space<hbm>>) target(%dma_start3A_403 : memref<128x16xf32, #tpu.memory_space<vmem>>) offsets(%dma_start3A_406 : memref<128xi32, #tpu.memory_space<vmem>>) semaphore(%arg18 : memref<!tpu.dma_semaphore, #tpu.memory_space<semaphore_mem>>)
          %mul3A_410 = arith.constant 2 : i32
          %mul3A_411 = arith.muli %add3A_290, %mul3A_410 : i32
          %add3A_412 = arith.constant 0 : i32
          %add3A_413 = arith.addi %mul3A_411, %add3A_412 : i32
          %rem3A_414 = arith.constant 2 : i32
          %rem3A_415 = arith.remsi %add3A_290, %rem3A_414 : i32
          %dma_start3A_416 = arith.constant 0 : i32
          %dma_start3A_417 = arith.constant 384 : i32
          %dma_start3A_418 = arith.constant 0 : i32
          %dma_start3A_419 = tpu.memref_slice %arg14[%rem3A_415, %dma_start3A_416, %dma_start3A_417, %dma_start3A_418] : memref<2x2x512x16xf32, #tpu.memory_space<vmem>> -> memref<1x1x128x16xf32, #tpu.memory_space<vmem>>
          %dma_start3A_420 = tpu.memref_squeeze %dma_start3A_419 : memref<1x1x128x16xf32, #tpu.memory_space<vmem>> -> memref<128x16xf32, #tpu.memory_space<vmem>>
          %dma_start3A_421 = arith.constant 384 : i32
          %dma_start3A_422 = tpu.memref_slice %arg10[%add3A_413, %dma_start3A_421] : memref<32x512xi32, #tpu.memory_space<vmem>> -> memref<1x128xi32, #tpu.memory_space<vmem>>
          %dma_start3A_423 = tpu.memref_squeeze %dma_start3A_422 : memref<1x128xi32, #tpu.memory_space<vmem>> -> memref<128xi32, #tpu.memory_space<vmem>>
          %dma_start3A_424 = arith.constant 0 : i32
          %dma_start3A_425 = arith.constant 0 : i32
          %dma_start3A_426 = tpu.memref_slice %arg7[%dma_start3A_424, %dma_start3A_425] : memref<2000000x16xf32, #tpu.memory_space<hbm>> -> memref<2000000x16xf32, #tpu.memory_space<hbm>>
          tpu.enqueue_indirect_dma source(%dma_start3A_426 : memref<2000000x16xf32, #tpu.memory_space<hbm>>) target(%dma_start3A_420 : memref<128x16xf32, #tpu.memory_space<vmem>>) offsets(%dma_start3A_423 : memref<128xi32, #tpu.memory_space<vmem>>) semaphore(%arg20 : memref<!tpu.dma_semaphore, #tpu.memory_space<semaphore_mem>>)
          %mul3A_427 = arith.constant 2 : i32
          %mul3A_428 = arith.muli %add3A_290, %mul3A_427 : i32
          %add3A_429 = arith.constant 1 : i32
          %add3A_430 = arith.addi %mul3A_428, %add3A_429 : i32
          %rem3A_431 = arith.constant 2 : i32
          %rem3A_432 = arith.remsi %add3A_290, %rem3A_431 : i32
          %dma_start3A_433 = arith.constant 1 : i32
          %dma_start3A_434 = arith.constant 0 : i32
          %dma_start3A_435 = arith.constant 0 : i32
          %dma_start3A_436 = tpu.memref_slice %arg13[%rem3A_432, %dma_start3A_433, %dma_start3A_434, %dma_start3A_435] : memref<2x2x512x16xf32, #tpu.memory_space<vmem>> -> memref<1x1x128x16xf32, #tpu.memory_space<vmem>>
          %dma_start3A_437 = tpu.memref_squeeze %dma_start3A_436 : memref<1x1x128x16xf32, #tpu.memory_space<vmem>> -> memref<128x16xf32, #tpu.memory_space<vmem>>
          %dma_start3A_438 = arith.constant 0 : i32
          %dma_start3A_439 = tpu.memref_slice %arg9[%add3A_430, %dma_start3A_438] : memref<32x512xi32, #tpu.memory_space<vmem>> -> memref<1x128xi32, #tpu.memory_space<vmem>>
          %dma_start3A_440 = tpu.memref_squeeze %dma_start3A_439 : memref<1x128xi32, #tpu.memory_space<vmem>> -> memref<128xi32, #tpu.memory_space<vmem>>
          %dma_start3A_441 = arith.constant 0 : i32
          %dma_start3A_442 = arith.constant 0 : i32
          %dma_start3A_443 = tpu.memref_slice %arg6[%dma_start3A_441, %dma_start3A_442] : memref<2000000x16xf32, #tpu.memory_space<hbm>> -> memref<2000000x16xf32, #tpu.memory_space<hbm>>
          tpu.enqueue_indirect_dma source(%dma_start3A_443 : memref<2000000x16xf32, #tpu.memory_space<hbm>>) target(%dma_start3A_437 : memref<128x16xf32, #tpu.memory_space<vmem>>) offsets(%dma_start3A_440 : memref<128xi32, #tpu.memory_space<vmem>>) semaphore(%arg18 : memref<!tpu.dma_semaphore, #tpu.memory_space<semaphore_mem>>)
          %mul3A_444 = arith.constant 2 : i32
          %mul3A_445 = arith.muli %add3A_290, %mul3A_444 : i32
          %add3A_446 = arith.constant 1 : i32
          %add3A_447 = arith.addi %mul3A_445, %add3A_446 : i32
          %rem3A_448 = arith.constant 2 : i32
          %rem3A_449 = arith.remsi %add3A_290, %rem3A_448 : i32
          %dma_start3A_450 = arith.constant 1 : i32
          %dma_start3A_451 = arith.constant 0 : i32
          %dma_start3A_452 = arith.constant 0 : i32
          %dma_start3A_453 = tpu.memref_slice %arg14[%rem3A_449, %dma_start3A_450, %dma_start3A_451, %dma_start3A_452] : memref<2x2x512x16xf32, #tpu.memory_space<vmem>> -> memref<1x1x128x16xf32, #tpu.memory_space<vmem>>
          %dma_start3A_454 = tpu.memref_squeeze %dma_start3A_453 : memref<1x1x128x16xf32, #tpu.memory_space<vmem>> -> memref<128x16xf32, #tpu.memory_space<vmem>>
          %dma_start3A_455 = arith.constant 0 : i32
          %dma_start3A_456 = tpu.memref_slice %arg10[%add3A_447, %dma_start3A_455] : memref<32x512xi32, #tpu.memory_space<vmem>> -> memref<1x128xi32, #tpu.memory_space<vmem>>
          %dma_start3A_457 = tpu.memref_squeeze %dma_start3A_456 : memref<1x128xi32, #tpu.memory_space<vmem>> -> memref<128xi32, #tpu.memory_space<vmem>>
          %dma_start3A_458 = arith.constant 0 : i32
          %dma_start3A_459 = arith.constant 0 : i32
          %dma_start3A_460 = tpu.memref_slice %arg7[%dma_start3A_458, %dma_start3A_459] : memref<2000000x16xf32, #tpu.memory_space<hbm>> -> memref<2000000x16xf32, #tpu.memory_space<hbm>>
          tpu.enqueue_indirect_dma source(%dma_start3A_460 : memref<2000000x16xf32, #tpu.memory_space<hbm>>) target(%dma_start3A_454 : memref<128x16xf32, #tpu.memory_space<vmem>>) offsets(%dma_start3A_457 : memref<128xi32, #tpu.memory_space<vmem>>) semaphore(%arg20 : memref<!tpu.dma_semaphore, #tpu.memory_space<semaphore_mem>>)
          %mul3A_461 = arith.constant 2 : i32
          %mul3A_462 = arith.muli %add3A_290, %mul3A_461 : i32
          %add3A_463 = arith.constant 1 : i32
          %add3A_464 = arith.addi %mul3A_462, %add3A_463 : i32
          %rem3A_465 = arith.constant 2 : i32
          %rem3A_466 = arith.remsi %add3A_290, %rem3A_465 : i32
          %dma_start3A_467 = arith.constant 1 : i32
          %dma_start3A_468 = arith.constant 128 : i32
          %dma_start3A_469 = arith.constant 0 : i32
          %dma_start3A_470 = tpu.memref_slice %arg13[%rem3A_466, %dma_start3A_467, %dma_start3A_468, %dma_start3A_469] : memref<2x2x512x16xf32, #tpu.memory_space<vmem>> -> memref<1x1x128x16xf32, #tpu.memory_space<vmem>>
          %dma_start3A_471 = tpu.memref_squeeze %dma_start3A_470 : memref<1x1x128x16xf32, #tpu.memory_space<vmem>> -> memref<128x16xf32, #tpu.memory_space<vmem>>
          %dma_start3A_472 = arith.constant 128 : i32
          %dma_start3A_473 = tpu.memref_slice %arg9[%add3A_464, %dma_start3A_472] : memref<32x512xi32, #tpu.memory_space<vmem>> -> memref<1x128xi32, #tpu.memory_space<vmem>>
          %dma_start3A_474 = tpu.memref_squeeze %dma_start3A_473 : memref<1x128xi32, #tpu.memory_space<vmem>> -> memref<128xi32, #tpu.memory_space<vmem>>
          %dma_start3A_475 = arith.constant 0 : i32
          %dma_start3A_476 = arith.constant 0 : i32
          %dma_start3A_477 = tpu.memref_slice %arg6[%dma_start3A_475, %dma_start3A_476] : memref<2000000x16xf32, #tpu.memory_space<hbm>> -> memref<2000000x16xf32, #tpu.memory_space<hbm>>
          tpu.enqueue_indirect_dma source(%dma_start3A_477 : memref<2000000x16xf32, #tpu.memory_space<hbm>>) target(%dma_start3A_471 : memref<128x16xf32, #tpu.memory_space<vmem>>) offsets(%dma_start3A_474 : memref<128xi32, #tpu.memory_space<vmem>>) semaphore(%arg18 : memref<!tpu.dma_semaphore, #tpu.memory_space<semaphore_mem>>)
          %mul3A_478 = arith.constant 2 : i32
          %mul3A_479 = arith.muli %add3A_290, %mul3A_478 : i32
          %add3A_480 = arith.constant 1 : i32
          %add3A_481 = arith.addi %mul3A_479, %add3A_480 : i32
          %rem3A_482 = arith.constant 2 : i32
          %rem3A_483 = arith.remsi %add3A_290, %rem3A_482 : i32
          %dma_start3A_484 = arith.constant 1 : i32
          %dma_start3A_485 = arith.constant 128 : i32
          %dma_start3A_486 = arith.constant 0 : i32
          %dma_start3A_487 = tpu.memref_slice %arg14[%rem3A_483, %dma_start3A_484, %dma_start3A_485, %dma_start3A_486] : memref<2x2x512x16xf32, #tpu.memory_space<vmem>> -> memref<1x1x128x16xf32, #tpu.memory_space<vmem>>
          %dma_start3A_488 = tpu.memref_squeeze %dma_start3A_487 : memref<1x1x128x16xf32, #tpu.memory_space<vmem>> -> memref<128x16xf32, #tpu.memory_space<vmem>>
          %dma_start3A_489 = arith.constant 128 : i32
          %dma_start3A_490 = tpu.memref_slice %arg10[%add3A_481, %dma_start3A_489] : memref<32x512xi32, #tpu.memory_space<vmem>> -> memref<1x128xi32, #tpu.memory_space<vmem>>
          %dma_start3A_491 = tpu.memref_squeeze %dma_start3A_490 : memref<1x128xi32, #tpu.memory_space<vmem>> -> memref<128xi32, #tpu.memory_space<vmem>>
          %dma_start3A_492 = arith.constant 0 : i32
          %dma_start3A_493 = arith.constant 0 : i32
          %dma_start3A_494 = tpu.memref_slice %arg7[%dma_start3A_492, %dma_start3A_493] : memref<2000000x16xf32, #tpu.memory_space<hbm>> -> memref<2000000x16xf32, #tpu.memory_space<hbm>>
          tpu.enqueue_indirect_dma source(%dma_start3A_494 : memref<2000000x16xf32, #tpu.memory_space<hbm>>) target(%dma_start3A_488 : memref<128x16xf32, #tpu.memory_space<vmem>>) offsets(%dma_start3A_491 : memref<128xi32, #tpu.memory_space<vmem>>) semaphore(%arg20 : memref<!tpu.dma_semaphore, #tpu.memory_space<semaphore_mem>>)
          %mul3A_495 = arith.constant 2 : i32
          %mul3A_496 = arith.muli %add3A_290, %mul3A_495 : i32
          %add3A_497 = arith.constant 1 : i32
          %add3A_498 = arith.addi %mul3A_496, %add3A_497 : i32
          %rem3A_499 = arith.constant 2 : i32
          %rem3A_500 = arith.remsi %add3A_290, %rem3A_499 : i32
          %dma_start3A_501 = arith.constant 1 : i32
          %dma_start3A_502 = arith.constant 256 : i32
          %dma_start3A_503 = arith.constant 0 : i32
          %dma_start3A_504 = tpu.memref_slice %arg13[%rem3A_500, %dma_start3A_501, %dma_start3A_502, %dma_start3A_503] : memref<2x2x512x16xf32, #tpu.memory_space<vmem>> -> memref<1x1x128x16xf32, #tpu.memory_space<vmem>>
          %dma_start3A_505 = tpu.memref_squeeze %dma_start3A_504 : memref<1x1x128x16xf32, #tpu.memory_space<vmem>> -> memref<128x16xf32, #tpu.memory_space<vmem>>
          %dma_start3A_506 = arith.constant 256 : i32
          %dma_start3A_507 = tpu.memref_slice %arg9[%add3A_498, %dma_start3A_506] : memref<32x512xi32, #tpu.memory_space<vmem>> -> memref<1x128xi32, #tpu.memory_space<vmem>>
          %dma_start3A_508 = tpu.memref_squeeze %dma_start3A_507 : memref<1x128xi32, #tpu.memory_space<vmem>> -> memref<128xi32, #tpu.memory_space<vmem>>
          %dma_start3A_509 = arith.constant 0 : i32
          %dma_start3A_510 = arith.constant 0 : i32
          %dma_start3A_511 = tpu.memref_slice %arg6[%dma_start3A_509, %dma_start3A_510] : memref<2000000x16xf32, #tpu.memory_space<hbm>> -> memref<2000000x16xf32, #tpu.memory_space<hbm>>
          tpu.enqueue_indirect_dma source(%dma_start3A_511 : memref<2000000x16xf32, #tpu.memory_space<hbm>>) target(%dma_start3A_505 : memref<128x16xf32, #tpu.memory_space<vmem>>) offsets(%dma_start3A_508 : memref<128xi32, #tpu.memory_space<vmem>>) semaphore(%arg18 : memref<!tpu.dma_semaphore, #tpu.memory_space<semaphore_mem>>)
          %mul3A_512 = arith.constant 2 : i32
          %mul3A_513 = arith.muli %add3A_290, %mul3A_512 : i32
          %add3A_514 = arith.constant 1 : i32
          %add3A_515 = arith.addi %mul3A_513, %add3A_514 : i32
          %rem3A_516 = arith.constant 2 : i32
          %rem3A_517 = arith.remsi %add3A_290, %rem3A_516 : i32
          %dma_start3A_518 = arith.constant 1 : i32
          %dma_start3A_519 = arith.constant 256 : i32
          %dma_start3A_520 = arith.constant 0 : i32
          %dma_start3A_521 = tpu.memref_slice %arg14[%rem3A_517, %dma_start3A_518, %dma_start3A_519, %dma_start3A_520] : memref<2x2x512x16xf32, #tpu.memory_space<vmem>> -> memref<1x1x128x16xf32, #tpu.memory_space<vmem>>
          %dma_start3A_522 = tpu.memref_squeeze %dma_start3A_521 : memref<1x1x128x16xf32, #tpu.memory_space<vmem>> -> memref<128x16xf32, #tpu.memory_space<vmem>>
          %dma_start3A_523 = arith.constant 256 : i32
          %dma_start3A_524 = tpu.memref_slice %arg10[%add3A_515, %dma_start3A_523] : memref<32x512xi32, #tpu.memory_space<vmem>> -> memref<1x128xi32, #tpu.memory_space<vmem>>
          %dma_start3A_525 = tpu.memref_squeeze %dma_start3A_524 : memref<1x128xi32, #tpu.memory_space<vmem>> -> memref<128xi32, #tpu.memory_space<vmem>>
          %dma_start3A_526 = arith.constant 0 : i32
          %dma_start3A_527 = arith.constant 0 : i32
          %dma_start3A_528 = tpu.memref_slice %arg7[%dma_start3A_526, %dma_start3A_527] : memref<2000000x16xf32, #tpu.memory_space<hbm>> -> memref<2000000x16xf32, #tpu.memory_space<hbm>>
          tpu.enqueue_indirect_dma source(%dma_start3A_528 : memref<2000000x16xf32, #tpu.memory_space<hbm>>) target(%dma_start3A_522 : memref<128x16xf32, #tpu.memory_space<vmem>>) offsets(%dma_start3A_525 : memref<128xi32, #tpu.memory_space<vmem>>) semaphore(%arg20 : memref<!tpu.dma_semaphore, #tpu.memory_space<semaphore_mem>>)
          %mul3A_529 = arith.constant 2 : i32
          %mul3A_530 = arith.muli %add3A_290, %mul3A_529 : i32
          %add3A_531 = arith.constant 1 : i32
          %add3A_532 = arith.addi %mul3A_530, %add3A_531 : i32
          %rem3A_533 = arith.constant 2 : i32
          %rem3A_534 = arith.remsi %add3A_290, %rem3A_533 : i32
          %dma_start3A_535 = arith.constant 1 : i32
          %dma_start3A_536 = arith.constant 384 : i32
          %dma_start3A_537 = arith.constant 0 : i32
          %dma_start3A_538 = tpu.memref_slice %arg13[%rem3A_534, %dma_start3A_535, %dma_start3A_536, %dma_start3A_537] : memref<2x2x512x16xf32, #tpu.memory_space<vmem>> -> memref<1x1x128x16xf32, #tpu.memory_space<vmem>>
          %dma_start3A_539 = tpu.memref_squeeze %dma_start3A_538 : memref<1x1x128x16xf32, #tpu.memory_space<vmem>> -> memref<128x16xf32, #tpu.memory_space<vmem>>
          %dma_start3A_540 = arith.constant 384 : i32
          %dma_start3A_541 = tpu.memref_slice %arg9[%add3A_532, %dma_start3A_540] : memref<32x512xi32, #tpu.memory_space<vmem>> -> memref<1x128xi32, #tpu.memory_space<vmem>>
          %dma_start3A_542 = tpu.memref_squeeze %dma_start3A_541 : memref<1x128xi32, #tpu.memory_space<vmem>> -> memref<128xi32, #tpu.memory_space<vmem>>
          %dma_start3A_543 = arith.constant 0 : i32
          %dma_start3A_544 = arith.constant 0 : i32
          %dma_start3A_545 = tpu.memref_slice %arg6[%dma_start3A_543, %dma_start3A_544] : memref<2000000x16xf32, #tpu.memory_space<hbm>> -> memref<2000000x16xf32, #tpu.memory_space<hbm>>
          tpu.enqueue_indirect_dma source(%dma_start3A_545 : memref<2000000x16xf32, #tpu.memory_space<hbm>>) target(%dma_start3A_539 : memref<128x16xf32, #tpu.memory_space<vmem>>) offsets(%dma_start3A_542 : memref<128xi32, #tpu.memory_space<vmem>>) semaphore(%arg18 : memref<!tpu.dma_semaphore, #tpu.memory_space<semaphore_mem>>)
          %mul3A_546 = arith.constant 2 : i32
          %mul3A_547 = arith.muli %add3A_290, %mul3A_546 : i32
          %add3A_548 = arith.constant 1 : i32
          %add3A_549 = arith.addi %mul3A_547, %add3A_548 : i32
          %rem3A_550 = arith.constant 2 : i32
          %rem3A_551 = arith.remsi %add3A_290, %rem3A_550 : i32
          %dma_start3A_552 = arith.constant 1 : i32
          %dma_start3A_553 = arith.constant 384 : i32
          %dma_start3A_554 = arith.constant 0 : i32
          %dma_start3A_555 = tpu.memref_slice %arg14[%rem3A_551, %dma_start3A_552, %dma_start3A_553, %dma_start3A_554] : memref<2x2x512x16xf32, #tpu.memory_space<vmem>> -> memref<1x1x128x16xf32, #tpu.memory_space<vmem>>
          %dma_start3A_556 = tpu.memref_squeeze %dma_start3A_555 : memref<1x1x128x16xf32, #tpu.memory_space<vmem>> -> memref<128x16xf32, #tpu.memory_space<vmem>>
          %dma_start3A_557 = arith.constant 384 : i32
          %dma_start3A_558 = tpu.memref_slice %arg10[%add3A_549, %dma_start3A_557] : memref<32x512xi32, #tpu.memory_space<vmem>> -> memref<1x128xi32, #tpu.memory_space<vmem>>
          %dma_start3A_559 = tpu.memref_squeeze %dma_start3A_558 : memref<1x128xi32, #tpu.memory_space<vmem>> -> memref<128xi32, #tpu.memory_space<vmem>>
          %dma_start3A_560 = arith.constant 0 : i32
          %dma_start3A_561 = arith.constant 0 : i32
          %dma_start3A_562 = tpu.memref_slice %arg7[%dma_start3A_560, %dma_start3A_561] : memref<2000000x16xf32, #tpu.memory_space<hbm>> -> memref<2000000x16xf32, #tpu.memory_space<hbm>>
          tpu.enqueue_indirect_dma source(%dma_start3A_562 : memref<2000000x16xf32, #tpu.memory_space<hbm>>) target(%dma_start3A_556 : memref<128x16xf32, #tpu.memory_space<vmem>>) offsets(%dma_start3A_559 : memref<128xi32, #tpu.memory_space<vmem>>) semaphore(%arg20 : memref<!tpu.dma_semaphore, #tpu.memory_space<semaphore_mem>>)
        } else {
        }
        %eq3A_284 = arith.constant 1 : i32
        %eq3A_285 = arith.cmpi eq, %rem3A_255, %eq3A_284 : i32
        %convert_element_type3A_286 = arith.extui %eq3A_285 : i1 to i32
        %cond3A_287 = arith.constant 0 : i32
        %cond3A_288 = arith.cmpi ne, %convert_element_type3A_286, %cond3A_287 : i32
        scf.if %cond3A_288 {
          %add3A_289 = arith.constant 1 : i32
          %add3A_290 = arith.addi %scan3A_252, %add3A_289 : i32
          %mul3A_291 = arith.constant 2 : i32
          %mul3A_292 = arith.muli %add3A_290, %mul3A_291 : i32
          %add3A_293 = arith.constant 0 : i32
          %add3A_294 = arith.addi %mul3A_292, %add3A_293 : i32
          %rem3A_295 = arith.constant 2 : i32
          %rem3A_296 = arith.remsi %add3A_290, %rem3A_295 : i32
          %dma_start3A_297 = arith.constant 0 : i32
          %dma_start3A_298 = arith.constant 0 : i32
          %dma_start3A_299 = arith.constant 0 : i32
          %dma_start3A_300 = tpu.memref_slice %arg13[%rem3A_296, %dma_start3A_297, %dma_start3A_298, %dma_start3A_299] : memref<2x2x512x16xf32, #tpu.memory_space<vmem>> -> memref<1x1x128x16xf32, #tpu.memory_space<vmem>>
          %dma_start3A_301 = tpu.memref_squeeze %dma_start3A_300 : memref<1x1x128x16xf32, #tpu.memory_space<vmem>> -> memref<128x16xf32, #tpu.memory_space<vmem>>
          %dma_start3A_302 = arith.constant 0 : i32
          %dma_start3A_303 = tpu.memref_slice %arg9[%add3A_294, %dma_start3A_302] : memref<32x512xi32, #tpu.memory_space<vmem>> -> memref<1x128xi32, #tpu.memory_space<vmem>>
          %dma_start3A_304 = tpu.memref_squeeze %dma_start3A_303 : memref<1x128xi32, #tpu.memory_space<vmem>> -> memref<128xi32, #tpu.memory_space<vmem>>
          %dma_start3A_305 = arith.constant 0 : i32
          %dma_start3A_306 = arith.constant 0 : i32
          %dma_start3A_307 = tpu.memref_slice %arg6[%dma_start3A_305, %dma_start3A_306] : memref<2000000x16xf32, #tpu.memory_space<hbm>> -> memref<2000000x16xf32, #tpu.memory_space<hbm>>
          tpu.enqueue_indirect_dma source(%dma_start3A_307 : memref<2000000x16xf32, #tpu.memory_space<hbm>>) target(%dma_start3A_301 : memref<128x16xf32, #tpu.memory_space<vmem>>) offsets(%dma_start3A_304 : memref<128xi32, #tpu.memory_space<vmem>>) semaphore(%arg17 : memref<!tpu.dma_semaphore, #tpu.memory_space<semaphore_mem>>)
          %mul3A_308 = arith.constant 2 : i32
          %mul3A_309 = arith.muli %add3A_290, %mul3A_308 : i32
          %add3A_310 = arith.constant 0 : i32
          %add3A_311 = arith.addi %mul3A_309, %add3A_310 : i32
          %rem3A_312 = arith.constant 2 : i32
          %rem3A_313 = arith.remsi %add3A_290, %rem3A_312 : i32
          %dma_start3A_314 = arith.constant 0 : i32
          %dma_start3A_315 = arith.constant 0 : i32
          %dma_start3A_316 = arith.constant 0 : i32
          %dma_start3A_317 = tpu.memref_slice %arg14[%rem3A_313, %dma_start3A_314, %dma_start3A_315, %dma_start3A_316] : memref<2x2x512x16xf32, #tpu.memory_space<vmem>> -> memref<1x1x128x16xf32, #tpu.memory_space<vmem>>
          %dma_start3A_318 = tpu.memref_squeeze %dma_start3A_317 : memref<1x1x128x16xf32, #tpu.memory_space<vmem>> -> memref<128x16xf32, #tpu.memory_space<vmem>>
          %dma_start3A_319 = arith.constant 0 : i32
          %dma_start3A_320 = tpu.memref_slice %arg10[%add3A_311, %dma_start3A_319] : memref<32x512xi32, #tpu.memory_space<vmem>> -> memref<1x128xi32, #tpu.memory_space<vmem>>
          %dma_start3A_321 = tpu.memref_squeeze %dma_start3A_320 : memref<1x128xi32, #tpu.memory_space<vmem>> -> memref<128xi32, #tpu.memory_space<vmem>>
          %dma_start3A_322 = arith.constant 0 : i32
          %dma_start3A_323 = arith.constant 0 : i32
          %dma_start3A_324 = tpu.memref_slice %arg7[%dma_start3A_322, %dma_start3A_323] : memref<2000000x16xf32, #tpu.memory_space<hbm>> -> memref<2000000x16xf32, #tpu.memory_space<hbm>>
          tpu.enqueue_indirect_dma source(%dma_start3A_324 : memref<2000000x16xf32, #tpu.memory_space<hbm>>) target(%dma_start3A_318 : memref<128x16xf32, #tpu.memory_space<vmem>>) offsets(%dma_start3A_321 : memref<128xi32, #tpu.memory_space<vmem>>) semaphore(%arg19 : memref<!tpu.dma_semaphore, #tpu.memory_space<semaphore_mem>>)
          %mul3A_325 = arith.constant 2 : i32
          %mul3A_326 = arith.muli %add3A_290, %mul3A_325 : i32
          %add3A_327 = arith.constant 0 : i32
          %add3A_328 = arith.addi %mul3A_326, %add3A_327 : i32
          %rem3A_329 = arith.constant 2 : i32
          %rem3A_330 = arith.remsi %add3A_290, %rem3A_329 : i32
          %dma_start3A_331 = arith.constant 0 : i32
          %dma_start3A_332 = arith.constant 128 : i32
          %dma_start3A_333 = arith.constant 0 : i32
          %dma_start3A_334 = tpu.memref_slice %arg13[%rem3A_330, %dma_start3A_331, %dma_start3A_332, %dma_start3A_333] : memref<2x2x512x16xf32, #tpu.memory_space<vmem>> -> memref<1x1x128x16xf32, #tpu.memory_space<vmem>>
          %dma_start3A_335 = tpu.memref_squeeze %dma_start3A_334 : memref<1x1x128x16xf32, #tpu.memory_space<vmem>> -> memref<128x16xf32, #tpu.memory_space<vmem>>
          %dma_start3A_336 = arith.constant 128 : i32
          %dma_start3A_337 = tpu.memref_slice %arg9[%add3A_328, %dma_start3A_336] : memref<32x512xi32, #tpu.memory_space<vmem>> -> memref<1x128xi32, #tpu.memory_space<vmem>>
          %dma_start3A_338 = tpu.memref_squeeze %dma_start3A_337 : memref<1x128xi32, #tpu.memory_space<vmem>> -> memref<128xi32, #tpu.memory_space<vmem>>
          %dma_start3A_339 = arith.constant 0 : i32
          %dma_start3A_340 = arith.constant 0 : i32
          %dma_start3A_341 = tpu.memref_slice %arg6[%dma_start3A_339, %dma_start3A_340] : memref<2000000x16xf32, #tpu.memory_space<hbm>> -> memref<2000000x16xf32, #tpu.memory_space<hbm>>
          tpu.enqueue_indirect_dma source(%dma_start3A_341 : memref<2000000x16xf32, #tpu.memory_space<hbm>>) target(%dma_start3A_335 : memref<128x16xf32, #tpu.memory_space<vmem>>) offsets(%dma_start3A_338 : memref<128xi32, #tpu.memory_space<vmem>>) semaphore(%arg17 : memref<!tpu.dma_semaphore, #tpu.memory_space<semaphore_mem>>)
          %mul3A_342 = arith.constant 2 : i32
          %mul3A_343 = arith.muli %add3A_290, %mul3A_342 : i32
          %add3A_344 = arith.constant 0 : i32
          %add3A_345 = arith.addi %mul3A_343, %add3A_344 : i32
          %rem3A_346 = arith.constant 2 : i32
          %rem3A_347 = arith.remsi %add3A_290, %rem3A_346 : i32
          %dma_start3A_348 = arith.constant 0 : i32
          %dma_start3A_349 = arith.constant 128 : i32
          %dma_start3A_350 = arith.constant 0 : i32
          %dma_start3A_351 = tpu.memref_slice %arg14[%rem3A_347, %dma_start3A_348, %dma_start3A_349, %dma_start3A_350] : memref<2x2x512x16xf32, #tpu.memory_space<vmem>> -> memref<1x1x128x16xf32, #tpu.memory_space<vmem>>
          %dma_start3A_352 = tpu.memref_squeeze %dma_start3A_351 : memref<1x1x128x16xf32, #tpu.memory_space<vmem>> -> memref<128x16xf32, #tpu.memory_space<vmem>>
          %dma_start3A_353 = arith.constant 128 : i32
          %dma_start3A_354 = tpu.memref_slice %arg10[%add3A_345, %dma_start3A_353] : memref<32x512xi32, #tpu.memory_space<vmem>> -> memref<1x128xi32, #tpu.memory_space<vmem>>
          %dma_start3A_355 = tpu.memref_squeeze %dma_start3A_354 : memref<1x128xi32, #tpu.memory_space<vmem>> -> memref<128xi32, #tpu.memory_space<vmem>>
          %dma_start3A_356 = arith.constant 0 : i32
          %dma_start3A_357 = arith.constant 0 : i32
          %dma_start3A_358 = tpu.memref_slice %arg7[%dma_start3A_356, %dma_start3A_357] : memref<2000000x16xf32, #tpu.memory_space<hbm>> -> memref<2000000x16xf32, #tpu.memory_space<hbm>>
          tpu.enqueue_indirect_dma source(%dma_start3A_358 : memref<2000000x16xf32, #tpu.memory_space<hbm>>) target(%dma_start3A_352 : memref<128x16xf32, #tpu.memory_space<vmem>>) offsets(%dma_start3A_355 : memref<128xi32, #tpu.memory_space<vmem>>) semaphore(%arg19 : memref<!tpu.dma_semaphore, #tpu.memory_space<semaphore_mem>>)
          %mul3A_359 = arith.constant 2 : i32
          %mul3A_360 = arith.muli %add3A_290, %mul3A_359 : i32
          %add3A_361 = arith.constant 0 : i32
          %add3A_362 = arith.addi %mul3A_360, %add3A_361 : i32
          %rem3A_363 = arith.constant 2 : i32
          %rem3A_364 = arith.remsi %add3A_290, %rem3A_363 : i32
          %dma_start3A_365 = arith.constant 0 : i32
          %dma_start3A_366 = arith.constant 256 : i32
          %dma_start3A_367 = arith.constant 0 : i32
          %dma_start3A_368 = tpu.memref_slice %arg13[%rem3A_364, %dma_start3A_365, %dma_start3A_366, %dma_start3A_367] : memref<2x2x512x16xf32, #tpu.memory_space<vmem>> -> memref<1x1x128x16xf32, #tpu.memory_space<vmem>>
          %dma_start3A_369 = tpu.memref_squeeze %dma_start3A_368 : memref<1x1x128x16xf32, #tpu.memory_space<vmem>> -> memref<128x16xf32, #tpu.memory_space<vmem>>
          %dma_start3A_370 = arith.constant 256 : i32
          %dma_start3A_371 = tpu.memref_slice %arg9[%add3A_362, %dma_start3A_370] : memref<32x512xi32, #tpu.memory_space<vmem>> -> memref<1x128xi32, #tpu.memory_space<vmem>>
          %dma_start3A_372 = tpu.memref_squeeze %dma_start3A_371 : memref<1x128xi32, #tpu.memory_space<vmem>> -> memref<128xi32, #tpu.memory_space<vmem>>
          %dma_start3A_373 = arith.constant 0 : i32
          %dma_start3A_374 = arith.constant 0 : i32
          %dma_start3A_375 = tpu.memref_slice %arg6[%dma_start3A_373, %dma_start3A_374] : memref<2000000x16xf32, #tpu.memory_space<hbm>> -> memref<2000000x16xf32, #tpu.memory_space<hbm>>
          tpu.enqueue_indirect_dma source(%dma_start3A_375 : memref<2000000x16xf32, #tpu.memory_space<hbm>>) target(%dma_start3A_369 : memref<128x16xf32, #tpu.memory_space<vmem>>) offsets(%dma_start3A_372 : memref<128xi32, #tpu.memory_space<vmem>>) semaphore(%arg17 : memref<!tpu.dma_semaphore, #tpu.memory_space<semaphore_mem>>)
          %mul3A_376 = arith.constant 2 : i32
          %mul3A_377 = arith.muli %add3A_290, %mul3A_376 : i32
          %add3A_378 = arith.constant 0 : i32
          %add3A_379 = arith.addi %mul3A_377, %add3A_378 : i32
          %rem3A_380 = arith.constant 2 : i32
          %rem3A_381 = arith.remsi %add3A_290, %rem3A_380 : i32
          %dma_start3A_382 = arith.constant 0 : i32
          %dma_start3A_383 = arith.constant 256 : i32
          %dma_start3A_384 = arith.constant 0 : i32
          %dma_start3A_385 = tpu.memref_slice %arg14[%rem3A_381, %dma_start3A_382, %dma_start3A_383, %dma_start3A_384] : memref<2x2x512x16xf32, #tpu.memory_space<vmem>> -> memref<1x1x128x16xf32, #tpu.memory_space<vmem>>
          %dma_start3A_386 = tpu.memref_squeeze %dma_start3A_385 : memref<1x1x128x16xf32, #tpu.memory_space<vmem>> -> memref<128x16xf32, #tpu.memory_space<vmem>>
          %dma_start3A_387 = arith.constant 256 : i32
          %dma_start3A_388 = tpu.memref_slice %arg10[%add3A_379, %dma_start3A_387] : memref<32x512xi32, #tpu.memory_space<vmem>> -> memref<1x128xi32, #tpu.memory_space<vmem>>
          %dma_start3A_389 = tpu.memref_squeeze %dma_start3A_388 : memref<1x128xi32, #tpu.memory_space<vmem>> -> memref<128xi32, #tpu.memory_space<vmem>>
          %dma_start3A_390 = arith.constant 0 : i32
          %dma_start3A_391 = arith.constant 0 : i32
          %dma_start3A_392 = tpu.memref_slice %arg7[%dma_start3A_390, %dma_start3A_391] : memref<2000000x16xf32, #tpu.memory_space<hbm>> -> memref<2000000x16xf32, #tpu.memory_space<hbm>>
          tpu.enqueue_indirect_dma source(%dma_start3A_392 : memref<2000000x16xf32, #tpu.memory_space<hbm>>) target(%dma_start3A_386 : memref<128x16xf32, #tpu.memory_space<vmem>>) offsets(%dma_start3A_389 : memref<128xi32, #tpu.memory_space<vmem>>) semaphore(%arg19 : memref<!tpu.dma_semaphore, #tpu.memory_space<semaphore_mem>>)
          %mul3A_393 = arith.constant 2 : i32
          %mul3A_394 = arith.muli %add3A_290, %mul3A_393 : i32
          %add3A_395 = arith.constant 0 : i32
          %add3A_396 = arith.addi %mul3A_394, %add3A_395 : i32
          %rem3A_397 = arith.constant 2 : i32
          %rem3A_398 = arith.remsi %add3A_290, %rem3A_397 : i32
          %dma_start3A_399 = arith.constant 0 : i32
          %dma_start3A_400 = arith.constant 384 : i32
          %dma_start3A_401 = arith.constant 0 : i32
          %dma_start3A_402 = tpu.memref_slice %arg13[%rem3A_398, %dma_start3A_399, %dma_start3A_400, %dma_start3A_401] : memref<2x2x512x16xf32, #tpu.memory_space<vmem>> -> memref<1x1x128x16xf32, #tpu.memory_space<vmem>>
          %dma_start3A_403 = tpu.memref_squeeze %dma_start3A_402 : memref<1x1x128x16xf32, #tpu.memory_space<vmem>> -> memref<128x16xf32, #tpu.memory_space<vmem>>
          %dma_start3A_404 = arith.constant 384 : i32
          %dma_start3A_405 = tpu.memref_slice %arg9[%add3A_396, %dma_start3A_404] : memref<32x512xi32, #tpu.memory_space<vmem>> -> memref<1x128xi32, #tpu.memory_space<vmem>>
          %dma_start3A_406 = tpu.memref_squeeze %dma_start3A_405 : memref<1x128xi32, #tpu.memory_space<vmem>> -> memref<128xi32, #tpu.memory_space<vmem>>
          %dma_start3A_407 = arith.constant 0 : i32
          %dma_start3A_408 = arith.constant 0 : i32
          %dma_start3A_409 = tpu.memref_slice %arg6[%dma_start3A_407, %dma_start3A_408] : memref<2000000x16xf32, #tpu.memory_space<hbm>> -> memref<2000000x16xf32, #tpu.memory_space<hbm>>
          tpu.enqueue_indirect_dma source(%dma_start3A_409 : memref<2000000x16xf32, #tpu.memory_space<hbm>>) target(%dma_start3A_403 : memref<128x16xf32, #tpu.memory_space<vmem>>) offsets(%dma_start3A_406 : memref<128xi32, #tpu.memory_space<vmem>>) semaphore(%arg17 : memref<!tpu.dma_semaphore, #tpu.memory_space<semaphore_mem>>)
          %mul3A_410 = arith.constant 2 : i32
          %mul3A_411 = arith.muli %add3A_290, %mul3A_410 : i32
          %add3A_412 = arith.constant 0 : i32
          %add3A_413 = arith.addi %mul3A_411, %add3A_412 : i32
          %rem3A_414 = arith.constant 2 : i32
          %rem3A_415 = arith.remsi %add3A_290, %rem3A_414 : i32
          %dma_start3A_416 = arith.constant 0 : i32
          %dma_start3A_417 = arith.constant 384 : i32
          %dma_start3A_418 = arith.constant 0 : i32
          %dma_start3A_419 = tpu.memref_slice %arg14[%rem3A_415, %dma_start3A_416, %dma_start3A_417, %dma_start3A_418] : memref<2x2x512x16xf32, #tpu.memory_space<vmem>> -> memref<1x1x128x16xf32, #tpu.memory_space<vmem>>
          %dma_start3A_420 = tpu.memref_squeeze %dma_start3A_419 : memref<1x1x128x16xf32, #tpu.memory_space<vmem>> -> memref<128x16xf32, #tpu.memory_space<vmem>>
          %dma_start3A_421 = arith.constant 384 : i32
          %dma_start3A_422 = tpu.memref_slice %arg10[%add3A_413, %dma_start3A_421] : memref<32x512xi32, #tpu.memory_space<vmem>> -> memref<1x128xi32, #tpu.memory_space<vmem>>
          %dma_start3A_423 = tpu.memref_squeeze %dma_start3A_422 : memref<1x128xi32, #tpu.memory_space<vmem>> -> memref<128xi32, #tpu.memory_space<vmem>>
          %dma_start3A_424 = arith.constant 0 : i32
          %dma_start3A_425 = arith.constant 0 : i32
          %dma_start3A_426 = tpu.memref_slice %arg7[%dma_start3A_424, %dma_start3A_425] : memref<2000000x16xf32, #tpu.memory_space<hbm>> -> memref<2000000x16xf32, #tpu.memory_space<hbm>>
          tpu.enqueue_indirect_dma source(%dma_start3A_426 : memref<2000000x16xf32, #tpu.memory_space<hbm>>) target(%dma_start3A_420 : memref<128x16xf32, #tpu.memory_space<vmem>>) offsets(%dma_start3A_423 : memref<128xi32, #tpu.memory_space<vmem>>) semaphore(%arg19 : memref<!tpu.dma_semaphore, #tpu.memory_space<semaphore_mem>>)
          %mul3A_427 = arith.constant 2 : i32
          %mul3A_428 = arith.muli %add3A_290, %mul3A_427 : i32
          %add3A_429 = arith.constant 1 : i32
          %add3A_430 = arith.addi %mul3A_428, %add3A_429 : i32
          %rem3A_431 = arith.constant 2 : i32
          %rem3A_432 = arith.remsi %add3A_290, %rem3A_431 : i32
          %dma_start3A_433 = arith.constant 1 : i32
          %dma_start3A_434 = arith.constant 0 : i32
          %dma_start3A_435 = arith.constant 0 : i32
          %dma_start3A_436 = tpu.memref_slice %arg13[%rem3A_432, %dma_start3A_433, %dma_start3A_434, %dma_start3A_435] : memref<2x2x512x16xf32, #tpu.memory_space<vmem>> -> memref<1x1x128x16xf32, #tpu.memory_space<vmem>>
          %dma_start3A_437 = tpu.memref_squeeze %dma_start3A_436 : memref<1x1x128x16xf32, #tpu.memory_space<vmem>> -> memref<128x16xf32, #tpu.memory_space<vmem>>
          %dma_start3A_438 = arith.constant 0 : i32
          %dma_start3A_439 = tpu.memref_slice %arg9[%add3A_430, %dma_start3A_438] : memref<32x512xi32, #tpu.memory_space<vmem>> -> memref<1x128xi32, #tpu.memory_space<vmem>>
          %dma_start3A_440 = tpu.memref_squeeze %dma_start3A_439 : memref<1x128xi32, #tpu.memory_space<vmem>> -> memref<128xi32, #tpu.memory_space<vmem>>
          %dma_start3A_441 = arith.constant 0 : i32
          %dma_start3A_442 = arith.constant 0 : i32
          %dma_start3A_443 = tpu.memref_slice %arg6[%dma_start3A_441, %dma_start3A_442] : memref<2000000x16xf32, #tpu.memory_space<hbm>> -> memref<2000000x16xf32, #tpu.memory_space<hbm>>
          tpu.enqueue_indirect_dma source(%dma_start3A_443 : memref<2000000x16xf32, #tpu.memory_space<hbm>>) target(%dma_start3A_437 : memref<128x16xf32, #tpu.memory_space<vmem>>) offsets(%dma_start3A_440 : memref<128xi32, #tpu.memory_space<vmem>>) semaphore(%arg17 : memref<!tpu.dma_semaphore, #tpu.memory_space<semaphore_mem>>)
          %mul3A_444 = arith.constant 2 : i32
          %mul3A_445 = arith.muli %add3A_290, %mul3A_444 : i32
          %add3A_446 = arith.constant 1 : i32
          %add3A_447 = arith.addi %mul3A_445, %add3A_446 : i32
          %rem3A_448 = arith.constant 2 : i32
          %rem3A_449 = arith.remsi %add3A_290, %rem3A_448 : i32
          %dma_start3A_450 = arith.constant 1 : i32
          %dma_start3A_451 = arith.constant 0 : i32
          %dma_start3A_452 = arith.constant 0 : i32
          %dma_start3A_453 = tpu.memref_slice %arg14[%rem3A_449, %dma_start3A_450, %dma_start3A_451, %dma_start3A_452] : memref<2x2x512x16xf32, #tpu.memory_space<vmem>> -> memref<1x1x128x16xf32, #tpu.memory_space<vmem>>
          %dma_start3A_454 = tpu.memref_squeeze %dma_start3A_453 : memref<1x1x128x16xf32, #tpu.memory_space<vmem>> -> memref<128x16xf32, #tpu.memory_space<vmem>>
          %dma_start3A_455 = arith.constant 0 : i32
          %dma_start3A_456 = tpu.memref_slice %arg10[%add3A_447, %dma_start3A_455] : memref<32x512xi32, #tpu.memory_space<vmem>> -> memref<1x128xi32, #tpu.memory_space<vmem>>
          %dma_start3A_457 = tpu.memref_squeeze %dma_start3A_456 : memref<1x128xi32, #tpu.memory_space<vmem>> -> memref<128xi32, #tpu.memory_space<vmem>>
          %dma_start3A_458 = arith.constant 0 : i32
          %dma_start3A_459 = arith.constant 0 : i32
          %dma_start3A_460 = tpu.memref_slice %arg7[%dma_start3A_458, %dma_start3A_459] : memref<2000000x16xf32, #tpu.memory_space<hbm>> -> memref<2000000x16xf32, #tpu.memory_space<hbm>>
          tpu.enqueue_indirect_dma source(%dma_start3A_460 : memref<2000000x16xf32, #tpu.memory_space<hbm>>) target(%dma_start3A_454 : memref<128x16xf32, #tpu.memory_space<vmem>>) offsets(%dma_start3A_457 : memref<128xi32, #tpu.memory_space<vmem>>) semaphore(%arg19 : memref<!tpu.dma_semaphore, #tpu.memory_space<semaphore_mem>>)
          %mul3A_461 = arith.constant 2 : i32
          %mul3A_462 = arith.muli %add3A_290, %mul3A_461 : i32
          %add3A_463 = arith.constant 1 : i32
          %add3A_464 = arith.addi %mul3A_462, %add3A_463 : i32
          %rem3A_465 = arith.constant 2 : i32
          %rem3A_466 = arith.remsi %add3A_290, %rem3A_465 : i32
          %dma_start3A_467 = arith.constant 1 : i32
          %dma_start3A_468 = arith.constant 128 : i32
          %dma_start3A_469 = arith.constant 0 : i32
          %dma_start3A_470 = tpu.memref_slice %arg13[%rem3A_466, %dma_start3A_467, %dma_start3A_468, %dma_start3A_469] : memref<2x2x512x16xf32, #tpu.memory_space<vmem>> -> memref<1x1x128x16xf32, #tpu.memory_space<vmem>>
          %dma_start3A_471 = tpu.memref_squeeze %dma_start3A_470 : memref<1x1x128x16xf32, #tpu.memory_space<vmem>> -> memref<128x16xf32, #tpu.memory_space<vmem>>
          %dma_start3A_472 = arith.constant 128 : i32
          %dma_start3A_473 = tpu.memref_slice %arg9[%add3A_464, %dma_start3A_472] : memref<32x512xi32, #tpu.memory_space<vmem>> -> memref<1x128xi32, #tpu.memory_space<vmem>>
          %dma_start3A_474 = tpu.memref_squeeze %dma_start3A_473 : memref<1x128xi32, #tpu.memory_space<vmem>> -> memref<128xi32, #tpu.memory_space<vmem>>
          %dma_start3A_475 = arith.constant 0 : i32
          %dma_start3A_476 = arith.constant 0 : i32
          %dma_start3A_477 = tpu.memref_slice %arg6[%dma_start3A_475, %dma_start3A_476] : memref<2000000x16xf32, #tpu.memory_space<hbm>> -> memref<2000000x16xf32, #tpu.memory_space<hbm>>
          tpu.enqueue_indirect_dma source(%dma_start3A_477 : memref<2000000x16xf32, #tpu.memory_space<hbm>>) target(%dma_start3A_471 : memref<128x16xf32, #tpu.memory_space<vmem>>) offsets(%dma_start3A_474 : memref<128xi32, #tpu.memory_space<vmem>>) semaphore(%arg17 : memref<!tpu.dma_semaphore, #tpu.memory_space<semaphore_mem>>)
          %mul3A_478 = arith.constant 2 : i32
          %mul3A_479 = arith.muli %add3A_290, %mul3A_478 : i32
          %add3A_480 = arith.constant 1 : i32
          %add3A_481 = arith.addi %mul3A_479, %add3A_480 : i32
          %rem3A_482 = arith.constant 2 : i32
          %rem3A_483 = arith.remsi %add3A_290, %rem3A_482 : i32
          %dma_start3A_484 = arith.constant 1 : i32
          %dma_start3A_485 = arith.constant 128 : i32
          %dma_start3A_486 = arith.constant 0 : i32
          %dma_start3A_487 = tpu.memref_slice %arg14[%rem3A_483, %dma_start3A_484, %dma_start3A_485, %dma_start3A_486] : memref<2x2x512x16xf32, #tpu.memory_space<vmem>> -> memref<1x1x128x16xf32, #tpu.memory_space<vmem>>
          %dma_start3A_488 = tpu.memref_squeeze %dma_start3A_487 : memref<1x1x128x16xf32, #tpu.memory_space<vmem>> -> memref<128x16xf32, #tpu.memory_space<vmem>>
          %dma_start3A_489 = arith.constant 128 : i32
          %dma_start3A_490 = tpu.memref_slice %arg10[%add3A_481, %dma_start3A_489] : memref<32x512xi32, #tpu.memory_space<vmem>> -> memref<1x128xi32, #tpu.memory_space<vmem>>
          %dma_start3A_491 = tpu.memref_squeeze %dma_start3A_490 : memref<1x128xi32, #tpu.memory_space<vmem>> -> memref<128xi32, #tpu.memory_space<vmem>>
          %dma_start3A_492 = arith.constant 0 : i32
          %dma_start3A_493 = arith.constant 0 : i32
          %dma_start3A_494 = tpu.memref_slice %arg7[%dma_start3A_492, %dma_start3A_493] : memref<2000000x16xf32, #tpu.memory_space<hbm>> -> memref<2000000x16xf32, #tpu.memory_space<hbm>>
          tpu.enqueue_indirect_dma source(%dma_start3A_494 : memref<2000000x16xf32, #tpu.memory_space<hbm>>) target(%dma_start3A_488 : memref<128x16xf32, #tpu.memory_space<vmem>>) offsets(%dma_start3A_491 : memref<128xi32, #tpu.memory_space<vmem>>) semaphore(%arg19 : memref<!tpu.dma_semaphore, #tpu.memory_space<semaphore_mem>>)
          %mul3A_495 = arith.constant 2 : i32
          %mul3A_496 = arith.muli %add3A_290, %mul3A_495 : i32
          %add3A_497 = arith.constant 1 : i32
          %add3A_498 = arith.addi %mul3A_496, %add3A_497 : i32
          %rem3A_499 = arith.constant 2 : i32
          %rem3A_500 = arith.remsi %add3A_290, %rem3A_499 : i32
          %dma_start3A_501 = arith.constant 1 : i32
          %dma_start3A_502 = arith.constant 256 : i32
          %dma_start3A_503 = arith.constant 0 : i32
          %dma_start3A_504 = tpu.memref_slice %arg13[%rem3A_500, %dma_start3A_501, %dma_start3A_502, %dma_start3A_503] : memref<2x2x512x16xf32, #tpu.memory_space<vmem>> -> memref<1x1x128x16xf32, #tpu.memory_space<vmem>>
          %dma_start3A_505 = tpu.memref_squeeze %dma_start3A_504 : memref<1x1x128x16xf32, #tpu.memory_space<vmem>> -> memref<128x16xf32, #tpu.memory_space<vmem>>
          %dma_start3A_506 = arith.constant 256 : i32
          %dma_start3A_507 = tpu.memref_slice %arg9[%add3A_498, %dma_start3A_506] : memref<32x512xi32, #tpu.memory_space<vmem>> -> memref<1x128xi32, #tpu.memory_space<vmem>>
          %dma_start3A_508 = tpu.memref_squeeze %dma_start3A_507 : memref<1x128xi32, #tpu.memory_space<vmem>> -> memref<128xi32, #tpu.memory_space<vmem>>
          %dma_start3A_509 = arith.constant 0 : i32
          %dma_start3A_510 = arith.constant 0 : i32
          %dma_start3A_511 = tpu.memref_slice %arg6[%dma_start3A_509, %dma_start3A_510] : memref<2000000x16xf32, #tpu.memory_space<hbm>> -> memref<2000000x16xf32, #tpu.memory_space<hbm>>
          tpu.enqueue_indirect_dma source(%dma_start3A_511 : memref<2000000x16xf32, #tpu.memory_space<hbm>>) target(%dma_start3A_505 : memref<128x16xf32, #tpu.memory_space<vmem>>) offsets(%dma_start3A_508 : memref<128xi32, #tpu.memory_space<vmem>>) semaphore(%arg17 : memref<!tpu.dma_semaphore, #tpu.memory_space<semaphore_mem>>)
          %mul3A_512 = arith.constant 2 : i32
          %mul3A_513 = arith.muli %add3A_290, %mul3A_512 : i32
          %add3A_514 = arith.constant 1 : i32
          %add3A_515 = arith.addi %mul3A_513, %add3A_514 : i32
          %rem3A_516 = arith.constant 2 : i32
          %rem3A_517 = arith.remsi %add3A_290, %rem3A_516 : i32
          %dma_start3A_518 = arith.constant 1 : i32
          %dma_start3A_519 = arith.constant 256 : i32
          %dma_start3A_520 = arith.constant 0 : i32
          %dma_start3A_521 = tpu.memref_slice %arg14[%rem3A_517, %dma_start3A_518, %dma_start3A_519, %dma_start3A_520] : memref<2x2x512x16xf32, #tpu.memory_space<vmem>> -> memref<1x1x128x16xf32, #tpu.memory_space<vmem>>
          %dma_start3A_522 = tpu.memref_squeeze %dma_start3A_521 : memref<1x1x128x16xf32, #tpu.memory_space<vmem>> -> memref<128x16xf32, #tpu.memory_space<vmem>>
          %dma_start3A_523 = arith.constant 256 : i32
          %dma_start3A_524 = tpu.memref_slice %arg10[%add3A_515, %dma_start3A_523] : memref<32x512xi32, #tpu.memory_space<vmem>> -> memref<1x128xi32, #tpu.memory_space<vmem>>
          %dma_start3A_525 = tpu.memref_squeeze %dma_start3A_524 : memref<1x128xi32, #tpu.memory_space<vmem>> -> memref<128xi32, #tpu.memory_space<vmem>>
          %dma_start3A_526 = arith.constant 0 : i32
          %dma_start3A_527 = arith.constant 0 : i32
          %dma_start3A_528 = tpu.memref_slice %arg7[%dma_start3A_526, %dma_start3A_527] : memref<2000000x16xf32, #tpu.memory_space<hbm>> -> memref<2000000x16xf32, #tpu.memory_space<hbm>>
          tpu.enqueue_indirect_dma source(%dma_start3A_528 : memref<2000000x16xf32, #tpu.memory_space<hbm>>) target(%dma_start3A_522 : memref<128x16xf32, #tpu.memory_space<vmem>>) offsets(%dma_start3A_525 : memref<128xi32, #tpu.memory_space<vmem>>) semaphore(%arg19 : memref<!tpu.dma_semaphore, #tpu.memory_space<semaphore_mem>>)
          %mul3A_529 = arith.constant 2 : i32
          %mul3A_530 = arith.muli %add3A_290, %mul3A_529 : i32
          %add3A_531 = arith.constant 1 : i32
          %add3A_532 = arith.addi %mul3A_530, %add3A_531 : i32
          %rem3A_533 = arith.constant 2 : i32
          %rem3A_534 = arith.remsi %add3A_290, %rem3A_533 : i32
          %dma_start3A_535 = arith.constant 1 : i32
          %dma_start3A_536 = arith.constant 384 : i32
          %dma_start3A_537 = arith.constant 0 : i32
          %dma_start3A_538 = tpu.memref_slice %arg13[%rem3A_534, %dma_start3A_535, %dma_start3A_536, %dma_start3A_537] : memref<2x2x512x16xf32, #tpu.memory_space<vmem>> -> memref<1x1x128x16xf32, #tpu.memory_space<vmem>>
          %dma_start3A_539 = tpu.memref_squeeze %dma_start3A_538 : memref<1x1x128x16xf32, #tpu.memory_space<vmem>> -> memref<128x16xf32, #tpu.memory_space<vmem>>
          %dma_start3A_540 = arith.constant 384 : i32
          %dma_start3A_541 = tpu.memref_slice %arg9[%add3A_532, %dma_start3A_540] : memref<32x512xi32, #tpu.memory_space<vmem>> -> memref<1x128xi32, #tpu.memory_space<vmem>>
          %dma_start3A_542 = tpu.memref_squeeze %dma_start3A_541 : memref<1x128xi32, #tpu.memory_space<vmem>> -> memref<128xi32, #tpu.memory_space<vmem>>
          %dma_start3A_543 = arith.constant 0 : i32
          %dma_start3A_544 = arith.constant 0 : i32
          %dma_start3A_545 = tpu.memref_slice %arg6[%dma_start3A_543, %dma_start3A_544] : memref<2000000x16xf32, #tpu.memory_space<hbm>> -> memref<2000000x16xf32, #tpu.memory_space<hbm>>
          tpu.enqueue_indirect_dma source(%dma_start3A_545 : memref<2000000x16xf32, #tpu.memory_space<hbm>>) target(%dma_start3A_539 : memref<128x16xf32, #tpu.memory_space<vmem>>) offsets(%dma_start3A_542 : memref<128xi32, #tpu.memory_space<vmem>>) semaphore(%arg17 : memref<!tpu.dma_semaphore, #tpu.memory_space<semaphore_mem>>)
          %mul3A_546 = arith.constant 2 : i32
          %mul3A_547 = arith.muli %add3A_290, %mul3A_546 : i32
          %add3A_548 = arith.constant 1 : i32
          %add3A_549 = arith.addi %mul3A_547, %add3A_548 : i32
          %rem3A_550 = arith.constant 2 : i32
          %rem3A_551 = arith.remsi %add3A_290, %rem3A_550 : i32
          %dma_start3A_552 = arith.constant 1 : i32
          %dma_start3A_553 = arith.constant 384 : i32
          %dma_start3A_554 = arith.constant 0 : i32
          %dma_start3A_555 = tpu.memref_slice %arg14[%rem3A_551, %dma_start3A_552, %dma_start3A_553, %dma_start3A_554] : memref<2x2x512x16xf32, #tpu.memory_space<vmem>> -> memref<1x1x128x16xf32, #tpu.memory_space<vmem>>
          %dma_start3A_556 = tpu.memref_squeeze %dma_start3A_555 : memref<1x1x128x16xf32, #tpu.memory_space<vmem>> -> memref<128x16xf32, #tpu.memory_space<vmem>>
          %dma_start3A_557 = arith.constant 384 : i32
          %dma_start3A_558 = tpu.memref_slice %arg10[%add3A_549, %dma_start3A_557] : memref<32x512xi32, #tpu.memory_space<vmem>> -> memref<1x128xi32, #tpu.memory_space<vmem>>
          %dma_start3A_559 = tpu.memref_squeeze %dma_start3A_558 : memref<1x128xi32, #tpu.memory_space<vmem>> -> memref<128xi32, #tpu.memory_space<vmem>>
          %dma_start3A_560 = arith.constant 0 : i32
          %dma_start3A_561 = arith.constant 0 : i32
          %dma_start3A_562 = tpu.memref_slice %arg7[%dma_start3A_560, %dma_start3A_561] : memref<2000000x16xf32, #tpu.memory_space<hbm>> -> memref<2000000x16xf32, #tpu.memory_space<hbm>>
          tpu.enqueue_indirect_dma source(%dma_start3A_562 : memref<2000000x16xf32, #tpu.memory_space<hbm>>) target(%dma_start3A_556 : memref<128x16xf32, #tpu.memory_space<vmem>>) offsets(%dma_start3A_559 : memref<128xi32, #tpu.memory_space<vmem>>) semaphore(%arg19 : memref<!tpu.dma_semaphore, #tpu.memory_space<semaphore_mem>>)
        } else {
        }
      } else {
      }
      %eq3A = arith.constant 0 : i32
      %eq3A_260 = arith.cmpi eq, %rem3A_255, %eq3A : i32
      %convert_element_type3A_261 = arith.extui %eq3A_260 : i1 to i32
      %cond3A_262 = arith.constant 0 : i32
      %cond3A_263 = arith.cmpi ne, %convert_element_type3A_261, %cond3A_262 : i32
      scf.if %cond3A_263 {
        %dma_wait3A = arith.constant 0 : i32
        %dma_wait3A_279 = arith.constant 0 : i32
        %dma_wait3A_280 = tpu.memref_slice %arg6[%dma_wait3A, %dma_wait3A_279] : memref<2000000x16xf32, #tpu.memory_space<hbm>> -> memref<1024x16xf32, #tpu.memory_space<hbm>>
        %dma_wait3A_281 = arith.constant 0 : i32
        %dma_wait3A_282 = arith.constant 0 : i32
        %dma_wait3A_283 = tpu.memref_slice %arg6[%dma_wait3A_281, %dma_wait3A_282] : memref<2000000x16xf32, #tpu.memory_space<hbm>> -> memref<1024x16xf32, #tpu.memory_space<hbm>>
        tpu.wait_dma2 semaphore(%arg17 : memref<!tpu.dma_semaphore, #tpu.memory_space<semaphore_mem>>) src(%dma_wait3A_283 : memref<1024x16xf32, #tpu.memory_space<hbm>>) dst(%arg16 : memref<1024x16xf32, #tpu.memory_space<vmem>>)
        %dma_wait3A_284 = arith.constant 0 : i32
        %dma_wait3A_285 = arith.constant 0 : i32
        %dma_wait3A_286 = tpu.memref_slice %arg7[%dma_wait3A_284, %dma_wait3A_285] : memref<2000000x16xf32, #tpu.memory_space<hbm>> -> memref<1024x16xf32, #tpu.memory_space<hbm>>
        %dma_wait3A_287 = arith.constant 0 : i32
        %dma_wait3A_288 = arith.constant 0 : i32
        %dma_wait3A_289 = tpu.memref_slice %arg7[%dma_wait3A_287, %dma_wait3A_288] : memref<2000000x16xf32, #tpu.memory_space<hbm>> -> memref<1024x16xf32, #tpu.memory_space<hbm>>
        tpu.wait_dma2 semaphore(%arg19 : memref<!tpu.dma_semaphore, #tpu.memory_space<semaphore_mem>>) src(%dma_wait3A_289 : memref<1024x16xf32, #tpu.memory_space<hbm>>) dst(%arg16 : memref<1024x16xf32, #tpu.memory_space<vmem>>)
      } else {
      }
      %eq3A_264 = arith.constant 1 : i32
      %eq3A_265 = arith.cmpi eq, %rem3A_255, %eq3A_264 : i32
      %convert_element_type3A_266 = arith.extui %eq3A_265 : i1 to i32
      %cond3A_267 = arith.constant 0 : i32
      %cond3A_268 = arith.cmpi ne, %convert_element_type3A_266, %cond3A_267 : i32
      scf.if %cond3A_268 {
        %dma_wait3A = arith.constant 0 : i32
        %dma_wait3A_279 = arith.constant 0 : i32
        %dma_wait3A_280 = tpu.memref_slice %arg6[%dma_wait3A, %dma_wait3A_279] : memref<2000000x16xf32, #tpu.memory_space<hbm>> -> memref<1024x16xf32, #tpu.memory_space<hbm>>
        %dma_wait3A_281 = arith.constant 0 : i32
        %dma_wait3A_282 = arith.constant 0 : i32
        %dma_wait3A_283 = tpu.memref_slice %arg6[%dma_wait3A_281, %dma_wait3A_282] : memref<2000000x16xf32, #tpu.memory_space<hbm>> -> memref<1024x16xf32, #tpu.memory_space<hbm>>
        tpu.wait_dma2 semaphore(%arg18 : memref<!tpu.dma_semaphore, #tpu.memory_space<semaphore_mem>>) src(%dma_wait3A_283 : memref<1024x16xf32, #tpu.memory_space<hbm>>) dst(%arg16 : memref<1024x16xf32, #tpu.memory_space<vmem>>)
        %dma_wait3A_284 = arith.constant 0 : i32
        %dma_wait3A_285 = arith.constant 0 : i32
        %dma_wait3A_286 = tpu.memref_slice %arg7[%dma_wait3A_284, %dma_wait3A_285] : memref<2000000x16xf32, #tpu.memory_space<hbm>> -> memref<1024x16xf32, #tpu.memory_space<hbm>>
        %dma_wait3A_287 = arith.constant 0 : i32
        %dma_wait3A_288 = arith.constant 0 : i32
        %dma_wait3A_289 = tpu.memref_slice %arg7[%dma_wait3A_287, %dma_wait3A_288] : memref<2000000x16xf32, #tpu.memory_space<hbm>> -> memref<1024x16xf32, #tpu.memory_space<hbm>>
        tpu.wait_dma2 semaphore(%arg20 : memref<!tpu.dma_semaphore, #tpu.memory_space<semaphore_mem>>) src(%dma_wait3A_289 : memref<1024x16xf32, #tpu.memory_space<hbm>>) dst(%arg16 : memref<1024x16xf32, #tpu.memory_space<vmem>>)
      } else {
      }
      %rem3A_269 = arith.constant 2 : i32
      %rem3A_270 = arith.remsi %scan3A_252, %rem3A_269 : i32
      %scan3A_271 = arith.constant 0 : i32
      %scan3A_272 = arith.constant 0 : i32
      %scan3A_273 = arith.constant 32 : i32
      %scan3A_274 = arith.addi %scan3A_272, %scan3A_273 : i32
      %scan3A_275 = arith.constant 1 : i32
      %scan3A_276 = scf.for %scan3A_279 = %scan3A_272 to %scan3A_274 step %scan3A_275 iter_args(%scan3A_280 = %scan3A_271) -> (i32)  : i32 {
        %mul3A_281 = arith.constant 16 : i32
        %mul3A_282 = arith.muli %scan3A_279, %mul3A_281 : i32
        %get3A = arith.index_cast %mul3A_282 : i32 to index
        %get3A_283 = tpu.vector_load %arg11[%get3A] {strides = array<i32>} : memref<512xi32, #tpu.memory_space<vmem>>, vector<16xi32>,
        %get3A_284 = vector.shape_cast %get3A_283 : vector<16xi32> to vector<16xi32>
        %get3A_285 = arith.index_cast %mul3A_282 : i32 to index
        %get3A_286 = tpu.vector_load %arg12[%get3A_285] {strides = array<i32>} : memref<512xi32, #tpu.memory_space<vmem>>, vector<16xi32>,
        %get3A_287 = vector.shape_cast %get3A_286 : vector<16xi32> to vector<16xi32>
        %get3A_288 = arith.index_cast %mul3A_282 : i32 to index
        %get3A_289 = tpu.vector_load %arg15[%get3A_288] {strides = array<i32>} : memref<512xf32, #tpu.memory_space<vmem>>, vector<16xf32>,
        %get3A_290 = vector.shape_cast %get3A_289 : vector<16xf32> to vector<16xf32>
        %mul3A_291 = arith.constant 16 : i32
        %mul3A_292 = arith.muli %scan3A_279, %mul3A_291 : i32
        %add3A_293 = arith.constant 0 : i32
        %add3A_294 = arith.addi %mul3A_292, %add3A_293 : i32
        %broadcast_in_dim3A = arith.constant 0 : i32
        %broadcast_in_dim3A_295 = vector.broadcast %broadcast_in_dim3A : i32 to vector<16xi32>
        %lt3A_296 = arith.constant 0 : i32
        %lt3A_297 = vector.broadcast %lt3A_296 : i32 to vector<16xi32>
        %lt3A_298 = arith.cmpi slt, %broadcast_in_dim3A_295, %lt3A_297 : vector<16xi32>
        %add3A_299 = arith.constant 16 : i32
        %add3A_300 = vector.broadcast %add3A_299 : i32 to vector<16xi32>
        %add3A_301 = arith.addi %broadcast_in_dim3A_295, %add3A_300 : vector<16xi32>
        %select_n3A = arith.select %lt3A_298, %add3A_301, %broadcast_in_dim3A_295 : vector<16xi1>, vector<16xi32>
        %broadcast_in_dim3A_302 = vector.shape_cast %select_n3A : vector<16xi32> to vector<16x1xi32>
        %gather3A = vector.shape_cast %broadcast_in_dim3A_302 : vector<16x1xi32> to vector<16xi32>
        %gather3A_303 = tpu.dynamic_gather %get3A_284[%gather3A] in [0] : vector<16xi32>, vector<16xi32> -> vector<16xi32>
        %broadcast_in_dim3A_304 = arith.constant 0 : i32
        %broadcast_in_dim3A_305 = vector.broadcast %broadcast_in_dim3A_304 : i32 to vector<16xi32>
        %lt3A_306 = arith.constant 0 : i32
        %lt3A_307 = vector.broadcast %lt3A_306 : i32 to vector<16xi32>
        %lt3A_308 = arith.cmpi slt, %broadcast_in_dim3A_305, %lt3A_307 : vector<16xi32>
        %add3A_309 = arith.constant 16 : i32
        %add3A_310 = vector.broadcast %add3A_309 : i32 to vector<16xi32>
        %add3A_311 = arith.addi %broadcast_in_dim3A_305, %add3A_310 : vector<16xi32>
        %select_n3A_312 = arith.select %lt3A_308, %add3A_311, %broadcast_in_dim3A_305 : vector<16xi1>, vector<16xi32>
        %broadcast_in_dim3A_313 = vector.shape_cast %select_n3A_312 : vector<16xi32> to vector<16x1xi32>
        %gather3A_314 = vector.shape_cast %broadcast_in_dim3A_313 : vector<16x1xi32> to vector<16xi32>
        %gather3A_315 = tpu.dynamic_gather %get3A_287[%gather3A_314] in [0] : vector<16xi32>, vector<16xi32> -> vector<16xi32>
        %broadcast_in_dim3A_316 = arith.constant 0.000000e+00 : f32
        %broadcast_in_dim3A_317 = vector.broadcast %broadcast_in_dim3A_316 : f32 to vector<16xf32>
        %get3A_318 = arith.constant 0 : i32
        %get3A_319 = arith.index_cast %rem3A_270 : i32 to index
        %get3A_320 = arith.index_cast %get3A_318 : i32 to index
        %get3A_321 = arith.index_cast %add3A_294 : i32 to index
        %get3A_322 = arith.constant 0 : index
        %get3A_323 = tpu.vector_load %arg13[%get3A_319, %get3A_320, %get3A_321, %get3A_322] {strides = array<i32>} : memref<2x2x512x16xf32, #tpu.memory_space<vmem>>, vector<1x1x1x16xf32>,
        %get3A_324 = vector.shape_cast %get3A_323 : vector<1x1x1x16xf32> to vector<16xf32>
        %get3A_325 = arith.constant 0 : i32
        %get3A_326 = arith.index_cast %rem3A_270 : i32 to index
        %get3A_327 = arith.index_cast %get3A_325 : i32 to index
        %get3A_328 = arith.index_cast %add3A_294 : i32 to index
        %get3A_329 = arith.constant 0 : index
        %get3A_330 = tpu.vector_load %arg14[%get3A_326, %get3A_327, %get3A_328, %get3A_329] {strides = array<i32>} : memref<2x2x512x16xf32, #tpu.memory_space<vmem>>, vector<1x1x1x16xf32>,
        %get3A_331 = vector.shape_cast %get3A_330 : vector<1x1x1x16xf32> to vector<16xf32>
        %lt3A_332 = arith.constant 0 : i32
        %lt3A_333 = vector.broadcast %lt3A_332 : i32 to vector<16xi32>
        %lt3A_334 = arith.cmpi slt, %gather3A_303, %lt3A_333 : vector<16xi32>
        %add3A_335 = arith.constant 16 : i32
        %add3A_336 = vector.broadcast %add3A_335 : i32 to vector<16xi32>
        %add3A_337 = arith.addi %gather3A_303, %add3A_336 : vector<16xi32>
        %select_n3A_338 = arith.select %lt3A_334, %add3A_337, %gather3A_303 : vector<16xi1>, vector<16xi32>
        %broadcast_in_dim3A_339 = vector.shape_cast %select_n3A_338 : vector<16xi32> to vector<16x1xi32>
        %gather3A_340 = vector.shape_cast %broadcast_in_dim3A_339 : vector<16x1xi32> to vector<16xi32>
        %gather3A_341 = tpu.dynamic_gather %get3A_324[%gather3A_340] in [0] : vector<16xf32>, vector<16xi32> -> vector<16xf32>
        %lt3A_342 = arith.constant 0 : i32
        %lt3A_343 = vector.broadcast %lt3A_342 : i32 to vector<16xi32>
        %lt3A_344 = arith.cmpi slt, %gather3A_315, %lt3A_343 : vector<16xi32>
        %add3A_345 = arith.constant 16 : i32
        %add3A_346 = vector.broadcast %add3A_345 : i32 to vector<16xi32>
        %add3A_347 = arith.addi %gather3A_315, %add3A_346 : vector<16xi32>
        %select_n3A_348 = arith.select %lt3A_344, %add3A_347, %gather3A_315 : vector<16xi1>, vector<16xi32>
        %broadcast_in_dim3A_349 = vector.shape_cast %select_n3A_348 : vector<16xi32> to vector<16x1xi32>
        %gather3A_350 = vector.shape_cast %broadcast_in_dim3A_349 : vector<16x1xi32> to vector<16xi32>
        %gather3A_351 = tpu.dynamic_gather %get3A_331[%gather3A_350] in [0] : vector<16xf32>, vector<16xi32> -> vector<16xf32>
        %mul3A_352 = arith.mulf %gather3A_341, %gather3A_351 : vector<16xf32>
        %add3A_353 = arith.addf %broadcast_in_dim3A_317, %mul3A_352 : vector<16xf32>
        %get3A_354 = arith.constant 1 : i32
        %get3A_355 = arith.index_cast %rem3A_270 : i32 to index
        %get3A_356 = arith.index_cast %get3A_354 : i32 to index
        %get3A_357 = arith.index_cast %add3A_294 : i32 to index
        %get3A_358 = arith.constant 0 : index
        %get3A_359 = tpu.vector_load %arg13[%get3A_355, %get3A_356, %get3A_357, %get3A_358] {strides = array<i32>} : memref<2x2x512x16xf32, #tpu.memory_space<vmem>>, vector<1x1x1x16xf32>,
        %get3A_360 = vector.shape_cast %get3A_359 : vector<1x1x1x16xf32> to vector<16xf32>
        %get3A_361 = arith.constant 1 : i32
        %get3A_362 = arith.index_cast %rem3A_270 : i32 to index
        %get3A_363 = arith.index_cast %get3A_361 : i32 to index
        %get3A_364 = arith.index_cast %add3A_294 : i32 to index
        %get3A_365 = arith.constant 0 : index
        %get3A_366 = tpu.vector_load %arg14[%get3A_362, %get3A_363, %get3A_364, %get3A_365] {strides = array<i32>} : memref<2x2x512x16xf32, #tpu.memory_space<vmem>>, vector<1x1x1x16xf32>,
        %get3A_367 = vector.shape_cast %get3A_366 : vector<1x1x1x16xf32> to vector<16xf32>
        %lt3A_368 = arith.constant 0 : i32
        %lt3A_369 = vector.broadcast %lt3A_368 : i32 to vector<16xi32>
        %lt3A_370 = arith.cmpi slt, %gather3A_303, %lt3A_369 : vector<16xi32>
        %add3A_371 = arith.constant 16 : i32
        %add3A_372 = vector.broadcast %add3A_371 : i32 to vector<16xi32>
        %add3A_373 = arith.addi %gather3A_303, %add3A_372 : vector<16xi32>
        %select_n3A_374 = arith.select %lt3A_370, %add3A_373, %gather3A_303 : vector<16xi1>, vector<16xi32>
        %broadcast_in_dim3A_375 = vector.shape_cast %select_n3A_374 : vector<16xi32> to vector<16x1xi32>
        %gather3A_376 = vector.shape_cast %broadcast_in_dim3A_375 : vector<16x1xi32> to vector<16xi32>
        %gather3A_377 = tpu.dynamic_gather %get3A_360[%gather3A_376] in [0] : vector<16xf32>, vector<16xi32> -> vector<16xf32>
        %lt3A_378 = arith.constant 0 : i32
        %lt3A_379 = vector.broadcast %lt3A_378 : i32 to vector<16xi32>
        %lt3A_380 = arith.cmpi slt, %gather3A_315, %lt3A_379 : vector<16xi32>
        %add3A_381 = arith.constant 16 : i32
        %add3A_382 = vector.broadcast %add3A_381 : i32 to vector<16xi32>
        %add3A_383 = arith.addi %gather3A_315, %add3A_382 : vector<16xi32>
        %select_n3A_384 = arith.select %lt3A_380, %add3A_383, %gather3A_315 : vector<16xi1>, vector<16xi32>
        %broadcast_in_dim3A_385 = vector.shape_cast %select_n3A_384 : vector<16xi32> to vector<16x1xi32>
        %gather3A_386 = vector.shape_cast %broadcast_in_dim3A_385 : vector<16x1xi32> to vector<16xi32>
        %gather3A_387 = tpu.dynamic_gather %get3A_367[%gather3A_386] in [0] : vector<16xf32>, vector<16xi32> -> vector<16xf32>
        %mul3A_388 = arith.mulf %gather3A_377, %gather3A_387 : vector<16xf32>
        %add3A_389 = arith.addf %add3A_353, %mul3A_388 : vector<16xf32>
        %eq3A_390 = arith.constant 0 : i32
        %eq3A_391 = vector.broadcast %eq3A_390 : i32 to vector<16xi32>
        %eq3A_392 = arith.cmpi eq, %iota3A, %eq3A_391 : vector<16xi32>
        %add3A_393 = arith.addf %get3A_290, %add3A_389 : vector<16xf32>
        %select_n3A_394 = arith.select %eq3A_392, %add3A_393, %get3A_290 : vector<16xi1>, vector<16xf32>
        %mul3A_395 = arith.constant 16 : i32
        %mul3A_396 = arith.muli %scan3A_279, %mul3A_395 : i32
        %add3A_397 = arith.constant 1 : i32
        %add3A_398 = arith.addi %mul3A_396, %add3A_397 : i32
        %broadcast_in_dim3A_399 = arith.constant 1 : i32
        %broadcast_in_dim3A_400 = vector.broadcast %broadcast_in_dim3A_399 : i32 to vector<16xi32>
        %lt3A_401 = arith.constant 0 : i32
        %lt3A_402 = vector.broadcast %lt3A_401 : i32 to vector<16xi32>
        %lt3A_403 = arith.cmpi slt, %broadcast_in_dim3A_400, %lt3A_402 : vector<16xi32>
        %add3A_404 = arith.constant 16 : i32
        %add3A_405 = vector.broadcast %add3A_404 : i32 to vector<16xi32>
        %add3A_406 = arith.addi %broadcast_in_dim3A_400, %add3A_405 : vector<16xi32>
        %select_n3A_407 = arith.select %lt3A_403, %add3A_406, %broadcast_in_dim3A_400 : vector<16xi1>, vector<16xi32>
        %broadcast_in_dim3A_408 = vector.shape_cast %select_n3A_407 : vector<16xi32> to vector<16x1xi32>
        %gather3A_409 = vector.shape_cast %broadcast_in_dim3A_408 : vector<16x1xi32> to vector<16xi32>
        %gather3A_410 = tpu.dynamic_gather %get3A_284[%gather3A_409] in [0] : vector<16xi32>, vector<16xi32> -> vector<16xi32>
        %broadcast_in_dim3A_411 = arith.constant 1 : i32
        %broadcast_in_dim3A_412 = vector.broadcast %broadcast_in_dim3A_411 : i32 to vector<16xi32>
        %lt3A_413 = arith.constant 0 : i32
        %lt3A_414 = vector.broadcast %lt3A_413 : i32 to vector<16xi32>
        %lt3A_415 = arith.cmpi slt, %broadcast_in_dim3A_412, %lt3A_414 : vector<16xi32>
        %add3A_416 = arith.constant 16 : i32
        %add3A_417 = vector.broadcast %add3A_416 : i32 to vector<16xi32>
        %add3A_418 = arith.addi %broadcast_in_dim3A_412, %add3A_417 : vector<16xi32>
        %select_n3A_419 = arith.select %lt3A_415, %add3A_418, %broadcast_in_dim3A_412 : vector<16xi1>, vector<16xi32>
        %broadcast_in_dim3A_420 = vector.shape_cast %select_n3A_419 : vector<16xi32> to vector<16x1xi32>
        %gather3A_421 = vector.shape_cast %broadcast_in_dim3A_420 : vector<16x1xi32> to vector<16xi32>
        %gather3A_422 = tpu.dynamic_gather %get3A_287[%gather3A_421] in [0] : vector<16xi32>, vector<16xi32> -> vector<16xi32>
        %broadcast_in_dim3A_423 = arith.constant 0.000000e+00 : f32
        %broadcast_in_dim3A_424 = vector.broadcast %broadcast_in_dim3A_423 : f32 to vector<16xf32>
        %get3A_425 = arith.constant 0 : i32
        %get3A_426 = arith.index_cast %rem3A_270 : i32 to index
        %get3A_427 = arith.index_cast %get3A_425 : i32 to index
        %get3A_428 = arith.index_cast %add3A_398 : i32 to index
        %get3A_429 = arith.constant 0 : index
        %get3A_430 = tpu.vector_load %arg13[%get3A_426, %get3A_427, %get3A_428, %get3A_429] {strides = array<i32>} : memref<2x2x512x16xf32, #tpu.memory_space<vmem>>, vector<1x1x1x16xf32>,
        %get3A_431 = vector.shape_cast %get3A_430 : vector<1x1x1x16xf32> to vector<16xf32>
        %get3A_432 = arith.constant 0 : i32
        %get3A_433 = arith.index_cast %rem3A_270 : i32 to index
        %get3A_434 = arith.index_cast %get3A_432 : i32 to index
        %get3A_435 = arith.index_cast %add3A_398 : i32 to index
        %get3A_436 = arith.constant 0 : index
        %get3A_437 = tpu.vector_load %arg14[%get3A_433, %get3A_434, %get3A_435, %get3A_436] {strides = array<i32>} : memref<2x2x512x16xf32, #tpu.memory_space<vmem>>, vector<1x1x1x16xf32>,
        %get3A_438 = vector.shape_cast %get3A_437 : vector<1x1x1x16xf32> to vector<16xf32>
        %lt3A_439 = arith.constant 0 : i32
        %lt3A_440 = vector.broadcast %lt3A_439 : i32 to vector<16xi32>
        %lt3A_441 = arith.cmpi slt, %gather3A_410, %lt3A_440 : vector<16xi32>
        %add3A_442 = arith.constant 16 : i32
        %add3A_443 = vector.broadcast %add3A_442 : i32 to vector<16xi32>
        %add3A_444 = arith.addi %gather3A_410, %add3A_443 : vector<16xi32>
        %select_n3A_445 = arith.select %lt3A_441, %add3A_444, %gather3A_410 : vector<16xi1>, vector<16xi32>
        %broadcast_in_dim3A_446 = vector.shape_cast %select_n3A_445 : vector<16xi32> to vector<16x1xi32>
        %gather3A_447 = vector.shape_cast %broadcast_in_dim3A_446 : vector<16x1xi32> to vector<16xi32>
        %gather3A_448 = tpu.dynamic_gather %get3A_431[%gather3A_447] in [0] : vector<16xf32>, vector<16xi32> -> vector<16xf32>
        %lt3A_449 = arith.constant 0 : i32
        %lt3A_450 = vector.broadcast %lt3A_449 : i32 to vector<16xi32>
        %lt3A_451 = arith.cmpi slt, %gather3A_422, %lt3A_450 : vector<16xi32>
        %add3A_452 = arith.constant 16 : i32
        %add3A_453 = vector.broadcast %add3A_452 : i32 to vector<16xi32>
        %add3A_454 = arith.addi %gather3A_422, %add3A_453 : vector<16xi32>
        %select_n3A_455 = arith.select %lt3A_451, %add3A_454, %gather3A_422 : vector<16xi1>, vector<16xi32>
        %broadcast_in_dim3A_456 = vector.shape_cast %select_n3A_455 : vector<16xi32> to vector<16x1xi32>
        %gather3A_457 = vector.shape_cast %broadcast_in_dim3A_456 : vector<16x1xi32> to vector<16xi32>
        %gather3A_458 = tpu.dynamic_gather %get3A_438[%gather3A_457] in [0] : vector<16xf32>, vector<16xi32> -> vector<16xf32>
        %mul3A_459 = arith.mulf %gather3A_448, %gather3A_458 : vector<16xf32>
        %add3A_460 = arith.addf %broadcast_in_dim3A_424, %mul3A_459 : vector<16xf32>
        %get3A_461 = arith.constant 1 : i32
        %get3A_462 = arith.index_cast %rem3A_270 : i32 to index
        %get3A_463 = arith.index_cast %get3A_461 : i32 to index
        %get3A_464 = arith.index_cast %add3A_398 : i32 to index
        %get3A_465 = arith.constant 0 : index
        %get3A_466 = tpu.vector_load %arg13[%get3A_462, %get3A_463, %get3A_464, %get3A_465] {strides = array<i32>} : memref<2x2x512x16xf32, #tpu.memory_space<vmem>>, vector<1x1x1x16xf32>,
        %get3A_467 = vector.shape_cast %get3A_466 : vector<1x1x1x16xf32> to vector<16xf32>
        %get3A_468 = arith.constant 1 : i32
        %get3A_469 = arith.index_cast %rem3A_270 : i32 to index
        %get3A_470 = arith.index_cast %get3A_468 : i32 to index
        %get3A_471 = arith.index_cast %add3A_398 : i32 to index
        %get3A_472 = arith.constant 0 : index
        %get3A_473 = tpu.vector_load %arg14[%get3A_469, %get3A_470, %get3A_471, %get3A_472] {strides = array<i32>} : memref<2x2x512x16xf32, #tpu.memory_space<vmem>>, vector<1x1x1x16xf32>,
        %get3A_474 = vector.shape_cast %get3A_473 : vector<1x1x1x16xf32> to vector<16xf32>
        %lt3A_475 = arith.constant 0 : i32
        %lt3A_476 = vector.broadcast %lt3A_475 : i32 to vector<16xi32>
        %lt3A_477 = arith.cmpi slt, %gather3A_410, %lt3A_476 : vector<16xi32>
        %add3A_478 = arith.constant 16 : i32
        %add3A_479 = vector.broadcast %add3A_478 : i32 to vector<16xi32>
        %add3A_480 = arith.addi %gather3A_410, %add3A_479 : vector<16xi32>
        %select_n3A_481 = arith.select %lt3A_477, %add3A_480, %gather3A_410 : vector<16xi1>, vector<16xi32>
        %broadcast_in_dim3A_482 = vector.shape_cast %select_n3A_481 : vector<16xi32> to vector<16x1xi32>
        %gather3A_483 = vector.shape_cast %broadcast_in_dim3A_482 : vector<16x1xi32> to vector<16xi32>
        %gather3A_484 = tpu.dynamic_gather %get3A_467[%gather3A_483] in [0] : vector<16xf32>, vector<16xi32> -> vector<16xf32>
        %lt3A_485 = arith.constant 0 : i32
        %lt3A_486 = vector.broadcast %lt3A_485 : i32 to vector<16xi32>
        %lt3A_487 = arith.cmpi slt, %gather3A_422, %lt3A_486 : vector<16xi32>
        %add3A_488 = arith.constant 16 : i32
        %add3A_489 = vector.broadcast %add3A_488 : i32 to vector<16xi32>
        %add3A_490 = arith.addi %gather3A_422, %add3A_489 : vector<16xi32>
        %select_n3A_491 = arith.select %lt3A_487, %add3A_490, %gather3A_422 : vector<16xi1>, vector<16xi32>
        %broadcast_in_dim3A_492 = vector.shape_cast %select_n3A_491 : vector<16xi32> to vector<16x1xi32>
        %gather3A_493 = vector.shape_cast %broadcast_in_dim3A_492 : vector<16x1xi32> to vector<16xi32>
        %gather3A_494 = tpu.dynamic_gather %get3A_474[%gather3A_493] in [0] : vector<16xf32>, vector<16xi32> -> vector<16xf32>
        %mul3A_495 = arith.mulf %gather3A_484, %gather3A_494 : vector<16xf32>
        %add3A_496 = arith.addf %add3A_460, %mul3A_495 : vector<16xf32>
        %eq3A_497 = arith.constant 1 : i32
        %eq3A_498 = vector.broadcast %eq3A_497 : i32 to vector<16xi32>
        %eq3A_499 = arith.cmpi eq, %iota3A, %eq3A_498 : vector<16xi32>
        %add3A_500 = arith.addf %select_n3A_394, %add3A_496 : vector<16xf32>
        %select_n3A_501 = arith.select %eq3A_499, %add3A_500, %select_n3A_394 : vector<16xi1>, vector<16xf32>
        %mul3A_502 = arith.constant 16 : i32
        %mul3A_503 = arith.muli %scan3A_279, %mul3A_502 : i32
        %add3A_504 = arith.constant 2 : i32
        %add3A_505 = arith.addi %mul3A_503, %add3A_504 : i32
        %broadcast_in_dim3A_506 = arith.constant 2 : i32
        %broadcast_in_dim3A_507 = vector.broadcast %broadcast_in_dim3A_506 : i32 to vector<16xi32>
        %lt3A_508 = arith.constant 0 : i32
        %lt3A_509 = vector.broadcast %lt3A_508 : i32 to vector<16xi32>
        %lt3A_510 = arith.cmpi slt, %broadcast_in_dim3A_507, %lt3A_509 : vector<16xi32>
        %add3A_511 = arith.constant 16 : i32
        %add3A_512 = vector.broadcast %add3A_511 : i32 to vector<16xi32>
        %add3A_513 = arith.addi %broadcast_in_dim3A_507, %add3A_512 : vector<16xi32>
        %select_n3A_514 = arith.select %lt3A_510, %add3A_513, %broadcast_in_dim3A_507 : vector<16xi1>, vector<16xi32>
        %broadcast_in_dim3A_515 = vector.shape_cast %select_n3A_514 : vector<16xi32> to vector<16x1xi32>
        %gather3A_516 = vector.shape_cast %broadcast_in_dim3A_515 : vector<16x1xi32> to vector<16xi32>
        %gather3A_517 = tpu.dynamic_gather %get3A_284[%gather3A_516] in [0] : vector<16xi32>, vector<16xi32> -> vector<16xi32>
        %broadcast_in_dim3A_518 = arith.constant 2 : i32
        %broadcast_in_dim3A_519 = vector.broadcast %broadcast_in_dim3A_518 : i32 to vector<16xi32>
        %lt3A_520 = arith.constant 0 : i32
        %lt3A_521 = vector.broadcast %lt3A_520 : i32 to vector<16xi32>
        %lt3A_522 = arith.cmpi slt, %broadcast_in_dim3A_519, %lt3A_521 : vector<16xi32>
        %add3A_523 = arith.constant 16 : i32
        %add3A_524 = vector.broadcast %add3A_523 : i32 to vector<16xi32>
        %add3A_525 = arith.addi %broadcast_in_dim3A_519, %add3A_524 : vector<16xi32>
        %select_n3A_526 = arith.select %lt3A_522, %add3A_525, %broadcast_in_dim3A_519 : vector<16xi1>, vector<16xi32>
        %broadcast_in_dim3A_527 = vector.shape_cast %select_n3A_526 : vector<16xi32> to vector<16x1xi32>
        %gather3A_528 = vector.shape_cast %broadcast_in_dim3A_527 : vector<16x1xi32> to vector<16xi32>
        %gather3A_529 = tpu.dynamic_gather %get3A_287[%gather3A_528] in [0] : vector<16xi32>, vector<16xi32> -> vector<16xi32>
        %broadcast_in_dim3A_530 = arith.constant 0.000000e+00 : f32
        %broadcast_in_dim3A_531 = vector.broadcast %broadcast_in_dim3A_530 : f32 to vector<16xf32>
        %get3A_532 = arith.constant 0 : i32
        %get3A_533 = arith.index_cast %rem3A_270 : i32 to index
        %get3A_534 = arith.index_cast %get3A_532 : i32 to index
        %get3A_535 = arith.index_cast %add3A_505 : i32 to index
        %get3A_536 = arith.constant 0 : index
        %get3A_537 = tpu.vector_load %arg13[%get3A_533, %get3A_534, %get3A_535, %get3A_536] {strides = array<i32>} : memref<2x2x512x16xf32, #tpu.memory_space<vmem>>, vector<1x1x1x16xf32>,
        %get3A_538 = vector.shape_cast %get3A_537 : vector<1x1x1x16xf32> to vector<16xf32>
        %get3A_539 = arith.constant 0 : i32
        %get3A_540 = arith.index_cast %rem3A_270 : i32 to index
        %get3A_541 = arith.index_cast %get3A_539 : i32 to index
        %get3A_542 = arith.index_cast %add3A_505 : i32 to index
        %get3A_543 = arith.constant 0 : index
        %get3A_544 = tpu.vector_load %arg14[%get3A_540, %get3A_541, %get3A_542, %get3A_543] {strides = array<i32>} : memref<2x2x512x16xf32, #tpu.memory_space<vmem>>, vector<1x1x1x16xf32>,
        %get3A_545 = vector.shape_cast %get3A_544 : vector<1x1x1x16xf32> to vector<16xf32>
        %lt3A_546 = arith.constant 0 : i32
        %lt3A_547 = vector.broadcast %lt3A_546 : i32 to vector<16xi32>
        %lt3A_548 = arith.cmpi slt, %gather3A_517, %lt3A_547 : vector<16xi32>
        %add3A_549 = arith.constant 16 : i32
        %add3A_550 = vector.broadcast %add3A_549 : i32 to vector<16xi32>
        %add3A_551 = arith.addi %gather3A_517, %add3A_550 : vector<16xi32>
        %select_n3A_552 = arith.select %lt3A_548, %add3A_551, %gather3A_517 : vector<16xi1>, vector<16xi32>
        %broadcast_in_dim3A_553 = vector.shape_cast %select_n3A_552 : vector<16xi32> to vector<16x1xi32>
        %gather3A_554 = vector.shape_cast %broadcast_in_dim3A_553 : vector<16x1xi32> to vector<16xi32>
        %gather3A_555 = tpu.dynamic_gather %get3A_538[%gather3A_554] in [0] : vector<16xf32>, vector<16xi32> -> vector<16xf32>
        %lt3A_556 = arith.constant 0 : i32
        %lt3A_557 = vector.broadcast %lt3A_556 : i32 to vector<16xi32>
        %lt3A_558 = arith.cmpi slt, %gather3A_529, %lt3A_557 : vector<16xi32>
        %add3A_559 = arith.constant 16 : i32
        %add3A_560 = vector.broadcast %add3A_559 : i32 to vector<16xi32>
        %add3A_561 = arith.addi %gather3A_529, %add3A_560 : vector<16xi32>
        %select_n3A_562 = arith.select %lt3A_558, %add3A_561, %gather3A_529 : vector<16xi1>, vector<16xi32>
        %broadcast_in_dim3A_563 = vector.shape_cast %select_n3A_562 : vector<16xi32> to vector<16x1xi32>
        %gather3A_564 = vector.shape_cast %broadcast_in_dim3A_563 : vector<16x1xi32> to vector<16xi32>
        %gather3A_565 = tpu.dynamic_gather %get3A_545[%gather3A_564] in [0] : vector<16xf32>, vector<16xi32> -> vector<16xf32>
        %mul3A_566 = arith.mulf %gather3A_555, %gather3A_565 : vector<16xf32>
        %add3A_567 = arith.addf %broadcast_in_dim3A_531, %mul3A_566 : vector<16xf32>
        %get3A_568 = arith.constant 1 : i32
        %get3A_569 = arith.index_cast %rem3A_270 : i32 to index
        %get3A_570 = arith.index_cast %get3A_568 : i32 to index
        %get3A_571 = arith.index_cast %add3A_505 : i32 to index
        %get3A_572 = arith.constant 0 : index
        %get3A_573 = tpu.vector_load %arg13[%get3A_569, %get3A_570, %get3A_571, %get3A_572] {strides = array<i32>} : memref<2x2x512x16xf32, #tpu.memory_space<vmem>>, vector<1x1x1x16xf32>,
        %get3A_574 = vector.shape_cast %get3A_573 : vector<1x1x1x16xf32> to vector<16xf32>
        %get3A_575 = arith.constant 1 : i32
        %get3A_576 = arith.index_cast %rem3A_270 : i32 to index
        %get3A_577 = arith.index_cast %get3A_575 : i32 to index
        %get3A_578 = arith.index_cast %add3A_505 : i32 to index
        %get3A_579 = arith.constant 0 : index
        %get3A_580 = tpu.vector_load %arg14[%get3A_576, %get3A_577, %get3A_578, %get3A_579] {strides = array<i32>} : memref<2x2x512x16xf32, #tpu.memory_space<vmem>>, vector<1x1x1x16xf32>,
        %get3A_581 = vector.shape_cast %get3A_580 : vector<1x1x1x16xf32> to vector<16xf32>
        %lt3A_582 = arith.constant 0 : i32
        %lt3A_583 = vector.broadcast %lt3A_582 : i32 to vector<16xi32>
        %lt3A_584 = arith.cmpi slt, %gather3A_517, %lt3A_583 : vector<16xi32>
        %add3A_585 = arith.constant 16 : i32
        %add3A_586 = vector.broadcast %add3A_585 : i32 to vector<16xi32>
        %add3A_587 = arith.addi %gather3A_517, %add3A_586 : vector<16xi32>
        %select_n3A_588 = arith.select %lt3A_584, %add3A_587, %gather3A_517 : vector<16xi1>, vector<16xi32>
        %broadcast_in_dim3A_589 = vector.shape_cast %select_n3A_588 : vector<16xi32> to vector<16x1xi32>
        %gather3A_590 = vector.shape_cast %broadcast_in_dim3A_589 : vector<16x1xi32> to vector<16xi32>
        %gather3A_591 = tpu.dynamic_gather %get3A_574[%gather3A_590] in [0] : vector<16xf32>, vector<16xi32> -> vector<16xf32>
        %lt3A_592 = arith.constant 0 : i32
        %lt3A_593 = vector.broadcast %lt3A_592 : i32 to vector<16xi32>
        %lt3A_594 = arith.cmpi slt, %gather3A_529, %lt3A_593 : vector<16xi32>
        %add3A_595 = arith.constant 16 : i32
        %add3A_596 = vector.broadcast %add3A_595 : i32 to vector<16xi32>
        %add3A_597 = arith.addi %gather3A_529, %add3A_596 : vector<16xi32>
        %select_n3A_598 = arith.select %lt3A_594, %add3A_597, %gather3A_529 : vector<16xi1>, vector<16xi32>
        %broadcast_in_dim3A_599 = vector.shape_cast %select_n3A_598 : vector<16xi32> to vector<16x1xi32>
        %gather3A_600 = vector.shape_cast %broadcast_in_dim3A_599 : vector<16x1xi32> to vector<16xi32>
        %gather3A_601 = tpu.dynamic_gather %get3A_581[%gather3A_600] in [0] : vector<16xf32>, vector<16xi32> -> vector<16xf32>
        %mul3A_602 = arith.mulf %gather3A_591, %gather3A_601 : vector<16xf32>
        %add3A_603 = arith.addf %add3A_567, %mul3A_602 : vector<16xf32>
        %eq3A_604 = arith.constant 2 : i32
        %eq3A_605 = vector.broadcast %eq3A_604 : i32 to vector<16xi32>
        %eq3A_606 = arith.cmpi eq, %iota3A, %eq3A_605 : vector<16xi32>
        %add3A_607 = arith.addf %select_n3A_501, %add3A_603 : vector<16xf32>
        %select_n3A_608 = arith.select %eq3A_606, %add3A_607, %select_n3A_501 : vector<16xi1>, vector<16xf32>
        %mul3A_609 = arith.constant 16 : i32
        %mul3A_610 = arith.muli %scan3A_279, %mul3A_609 : i32
        %add3A_611 = arith.constant 3 : i32
        %add3A_612 = arith.addi %mul3A_610, %add3A_611 : i32
        %broadcast_in_dim3A_613 = arith.constant 3 : i32
        %broadcast_in_dim3A_614 = vector.broadcast %broadcast_in_dim3A_613 : i32 to vector<16xi32>
        %lt3A_615 = arith.constant 0 : i32
        %lt3A_616 = vector.broadcast %lt3A_615 : i32 to vector<16xi32>
        %lt3A_617 = arith.cmpi slt, %broadcast_in_dim3A_614, %lt3A_616 : vector<16xi32>
        %add3A_618 = arith.constant 16 : i32
        %add3A_619 = vector.broadcast %add3A_618 : i32 to vector<16xi32>
        %add3A_620 = arith.addi %broadcast_in_dim3A_614, %add3A_619 : vector<16xi32>
        %select_n3A_621 = arith.select %lt3A_617, %add3A_620, %broadcast_in_dim3A_614 : vector<16xi1>, vector<16xi32>
        %broadcast_in_dim3A_622 = vector.shape_cast %select_n3A_621 : vector<16xi32> to vector<16x1xi32>
        %gather3A_623 = vector.shape_cast %broadcast_in_dim3A_622 : vector<16x1xi32> to vector<16xi32>
        %gather3A_624 = tpu.dynamic_gather %get3A_284[%gather3A_623] in [0] : vector<16xi32>, vector<16xi32> -> vector<16xi32>
        %broadcast_in_dim3A_625 = arith.constant 3 : i32
        %broadcast_in_dim3A_626 = vector.broadcast %broadcast_in_dim3A_625 : i32 to vector<16xi32>
        %lt3A_627 = arith.constant 0 : i32
        %lt3A_628 = vector.broadcast %lt3A_627 : i32 to vector<16xi32>
        %lt3A_629 = arith.cmpi slt, %broadcast_in_dim3A_626, %lt3A_628 : vector<16xi32>
        %add3A_630 = arith.constant 16 : i32
        %add3A_631 = vector.broadcast %add3A_630 : i32 to vector<16xi32>
        %add3A_632 = arith.addi %broadcast_in_dim3A_626, %add3A_631 : vector<16xi32>
        %select_n3A_633 = arith.select %lt3A_629, %add3A_632, %broadcast_in_dim3A_626 : vector<16xi1>, vector<16xi32>
        %broadcast_in_dim3A_634 = vector.shape_cast %select_n3A_633 : vector<16xi32> to vector<16x1xi32>
        %gather3A_635 = vector.shape_cast %broadcast_in_dim3A_634 : vector<16x1xi32> to vector<16xi32>
        %gather3A_636 = tpu.dynamic_gather %get3A_287[%gather3A_635] in [0] : vector<16xi32>, vector<16xi32> -> vector<16xi32>
        %broadcast_in_dim3A_637 = arith.constant 0.000000e+00 : f32
        %broadcast_in_dim3A_638 = vector.broadcast %broadcast_in_dim3A_637 : f32 to vector<16xf32>
        %get3A_639 = arith.constant 0 : i32
        %get3A_640 = arith.index_cast %rem3A_270 : i32 to index
        %get3A_641 = arith.index_cast %get3A_639 : i32 to index
        %get3A_642 = arith.index_cast %add3A_612 : i32 to index
        %get3A_643 = arith.constant 0 : index
        %get3A_644 = tpu.vector_load %arg13[%get3A_640, %get3A_641, %get3A_642, %get3A_643] {strides = array<i32>} : memref<2x2x512x16xf32, #tpu.memory_space<vmem>>, vector<1x1x1x16xf32>,
        %get3A_645 = vector.shape_cast %get3A_644 : vector<1x1x1x16xf32> to vector<16xf32>
        %get3A_646 = arith.constant 0 : i32
        %get3A_647 = arith.index_cast %rem3A_270 : i32 to index
        %get3A_648 = arith.index_cast %get3A_646 : i32 to index
        %get3A_649 = arith.index_cast %add3A_612 : i32 to index
        %get3A_650 = arith.constant 0 : index
        %get3A_651 = tpu.vector_load %arg14[%get3A_647, %get3A_648, %get3A_649, %get3A_650] {strides = array<i32>} : memref<2x2x512x16xf32, #tpu.memory_space<vmem>>, vector<1x1x1x16xf32>,
        %get3A_652 = vector.shape_cast %get3A_651 : vector<1x1x1x16xf32> to vector<16xf32>
        %lt3A_653 = arith.constant 0 : i32
        %lt3A_654 = vector.broadcast %lt3A_653 : i32 to vector<16xi32>
        %lt3A_655 = arith.cmpi slt, %gather3A_624, %lt3A_654 : vector<16xi32>
        %add3A_656 = arith.constant 16 : i32
        %add3A_657 = vector.broadcast %add3A_656 : i32 to vector<16xi32>
        %add3A_658 = arith.addi %gather3A_624, %add3A_657 : vector<16xi32>
        %select_n3A_659 = arith.select %lt3A_655, %add3A_658, %gather3A_624 : vector<16xi1>, vector<16xi32>
        %broadcast_in_dim3A_660 = vector.shape_cast %select_n3A_659 : vector<16xi32> to vector<16x1xi32>
        %gather3A_661 = vector.shape_cast %broadcast_in_dim3A_660 : vector<16x1xi32> to vector<16xi32>
        %gather3A_662 = tpu.dynamic_gather %get3A_645[%gather3A_661] in [0] : vector<16xf32>, vector<16xi32> -> vector<16xf32>
        %lt3A_663 = arith.constant 0 : i32
        %lt3A_664 = vector.broadcast %lt3A_663 : i32 to vector<16xi32>
        %lt3A_665 = arith.cmpi slt, %gather3A_636, %lt3A_664 : vector<16xi32>
        %add3A_666 = arith.constant 16 : i32
        %add3A_667 = vector.broadcast %add3A_666 : i32 to vector<16xi32>
        %add3A_668 = arith.addi %gather3A_636, %add3A_667 : vector<16xi32>
        %select_n3A_669 = arith.select %lt3A_665, %add3A_668, %gather3A_636 : vector<16xi1>, vector<16xi32>
        %broadcast_in_dim3A_670 = vector.shape_cast %select_n3A_669 : vector<16xi32> to vector<16x1xi32>
        %gather3A_671 = vector.shape_cast %broadcast_in_dim3A_670 : vector<16x1xi32> to vector<16xi32>
        %gather3A_672 = tpu.dynamic_gather %get3A_652[%gather3A_671] in [0] : vector<16xf32>, vector<16xi32> -> vector<16xf32>
        %mul3A_673 = arith.mulf %gather3A_662, %gather3A_672 : vector<16xf32>
        %add3A_674 = arith.addf %broadcast_in_dim3A_638, %mul3A_673 : vector<16xf32>
        %get3A_675 = arith.constant 1 : i32
        %get3A_676 = arith.index_cast %rem3A_270 : i32 to index
        %get3A_677 = arith.index_cast %get3A_675 : i32 to index
        %get3A_678 = arith.index_cast %add3A_612 : i32 to index
        %get3A_679 = arith.constant 0 : index
        %get3A_680 = tpu.vector_load %arg13[%get3A_676, %get3A_677, %get3A_678, %get3A_679] {strides = array<i32>} : memref<2x2x512x16xf32, #tpu.memory_space<vmem>>, vector<1x1x1x16xf32>,
        %get3A_681 = vector.shape_cast %get3A_680 : vector<1x1x1x16xf32> to vector<16xf32>
        %get3A_682 = arith.constant 1 : i32
        %get3A_683 = arith.index_cast %rem3A_270 : i32 to index
        %get3A_684 = arith.index_cast %get3A_682 : i32 to index
        %get3A_685 = arith.index_cast %add3A_612 : i32 to index
        %get3A_686 = arith.constant 0 : index
        %get3A_687 = tpu.vector_load %arg14[%get3A_683, %get3A_684, %get3A_685, %get3A_686] {strides = array<i32>} : memref<2x2x512x16xf32, #tpu.memory_space<vmem>>, vector<1x1x1x16xf32>,
        %get3A_688 = vector.shape_cast %get3A_687 : vector<1x1x1x16xf32> to vector<16xf32>
        %lt3A_689 = arith.constant 0 : i32
        %lt3A_690 = vector.broadcast %lt3A_689 : i32 to vector<16xi32>
        %lt3A_691 = arith.cmpi slt, %gather3A_624, %lt3A_690 : vector<16xi32>
        %add3A_692 = arith.constant 16 : i32
        %add3A_693 = vector.broadcast %add3A_692 : i32 to vector<16xi32>
        %add3A_694 = arith.addi %gather3A_624, %add3A_693 : vector<16xi32>
        %select_n3A_695 = arith.select %lt3A_691, %add3A_694, %gather3A_624 : vector<16xi1>, vector<16xi32>
        %broadcast_in_dim3A_696 = vector.shape_cast %select_n3A_695 : vector<16xi32> to vector<16x1xi32>
        %gather3A_697 = vector.shape_cast %broadcast_in_dim3A_696 : vector<16x1xi32> to vector<16xi32>
        %gather3A_698 = tpu.dynamic_gather %get3A_681[%gather3A_697] in [0] : vector<16xf32>, vector<16xi32> -> vector<16xf32>
        %lt3A_699 = arith.constant 0 : i32
        %lt3A_700 = vector.broadcast %lt3A_699 : i32 to vector<16xi32>
        %lt3A_701 = arith.cmpi slt, %gather3A_636, %lt3A_700 : vector<16xi32>
        %add3A_702 = arith.constant 16 : i32
        %add3A_703 = vector.broadcast %add3A_702 : i32 to vector<16xi32>
        %add3A_704 = arith.addi %gather3A_636, %add3A_703 : vector<16xi32>
        %select_n3A_705 = arith.select %lt3A_701, %add3A_704, %gather3A_636 : vector<16xi1>, vector<16xi32>
        %broadcast_in_dim3A_706 = vector.shape_cast %select_n3A_705 : vector<16xi32> to vector<16x1xi32>
        %gather3A_707 = vector.shape_cast %broadcast_in_dim3A_706 : vector<16x1xi32> to vector<16xi32>
        %gather3A_708 = tpu.dynamic_gather %get3A_688[%gather3A_707] in [0] : vector<16xf32>, vector<16xi32> -> vector<16xf32>
        %mul3A_709 = arith.mulf %gather3A_698, %gather3A_708 : vector<16xf32>
        %add3A_710 = arith.addf %add3A_674, %mul3A_709 : vector<16xf32>
        %eq3A_711 = arith.constant 3 : i32
        %eq3A_712 = vector.broadcast %eq3A_711 : i32 to vector<16xi32>
        %eq3A_713 = arith.cmpi eq, %iota3A, %eq3A_712 : vector<16xi32>
        %add3A_714 = arith.addf %select_n3A_608, %add3A_710 : vector<16xf32>
        %select_n3A_715 = arith.select %eq3A_713, %add3A_714, %select_n3A_608 : vector<16xi1>, vector<16xf32>
        %mul3A_716 = arith.constant 16 : i32
        %mul3A_717 = arith.muli %scan3A_279, %mul3A_716 : i32
        %add3A_718 = arith.constant 4 : i32
        %add3A_719 = arith.addi %mul3A_717, %add3A_718 : i32
        %broadcast_in_dim3A_720 = arith.constant 4 : i32
        %broadcast_in_dim3A_721 = vector.broadcast %broadcast_in_dim3A_720 : i32 to vector<16xi32>
        %lt3A_722 = arith.constant 0 : i32
        %lt3A_723 = vector.broadcast %lt3A_722 : i32 to vector<16xi32>
        %lt3A_724 = arith.cmpi slt, %broadcast_in_dim3A_721, %lt3A_723 : vector<16xi32>
        %add3A_725 = arith.constant 16 : i32
        %add3A_726 = vector.broadcast %add3A_725 : i32 to vector<16xi32>
        %add3A_727 = arith.addi %broadcast_in_dim3A_721, %add3A_726 : vector<16xi32>
        %select_n3A_728 = arith.select %lt3A_724, %add3A_727, %broadcast_in_dim3A_721 : vector<16xi1>, vector<16xi32>
        %broadcast_in_dim3A_729 = vector.shape_cast %select_n3A_728 : vector<16xi32> to vector<16x1xi32>
        %gather3A_730 = vector.shape_cast %broadcast_in_dim3A_729 : vector<16x1xi32> to vector<16xi32>
        %gather3A_731 = tpu.dynamic_gather %get3A_284[%gather3A_730] in [0] : vector<16xi32>, vector<16xi32> -> vector<16xi32>
        %broadcast_in_dim3A_732 = arith.constant 4 : i32
        %broadcast_in_dim3A_733 = vector.broadcast %broadcast_in_dim3A_732 : i32 to vector<16xi32>
        %lt3A_734 = arith.constant 0 : i32
        %lt3A_735 = vector.broadcast %lt3A_734 : i32 to vector<16xi32>
        %lt3A_736 = arith.cmpi slt, %broadcast_in_dim3A_733, %lt3A_735 : vector<16xi32>
        %add3A_737 = arith.constant 16 : i32
        %add3A_738 = vector.broadcast %add3A_737 : i32 to vector<16xi32>
        %add3A_739 = arith.addi %broadcast_in_dim3A_733, %add3A_738 : vector<16xi32>
        %select_n3A_740 = arith.select %lt3A_736, %add3A_739, %broadcast_in_dim3A_733 : vector<16xi1>, vector<16xi32>
        %broadcast_in_dim3A_741 = vector.shape_cast %select_n3A_740 : vector<16xi32> to vector<16x1xi32>
        %gather3A_742 = vector.shape_cast %broadcast_in_dim3A_741 : vector<16x1xi32> to vector<16xi32>
        %gather3A_743 = tpu.dynamic_gather %get3A_287[%gather3A_742] in [0] : vector<16xi32>, vector<16xi32> -> vector<16xi32>
        %broadcast_in_dim3A_744 = arith.constant 0.000000e+00 : f32
        %broadcast_in_dim3A_745 = vector.broadcast %broadcast_in_dim3A_744 : f32 to vector<16xf32>
        %get3A_746 = arith.constant 0 : i32
        %get3A_747 = arith.index_cast %rem3A_270 : i32 to index
        %get3A_748 = arith.index_cast %get3A_746 : i32 to index
        %get3A_749 = arith.index_cast %add3A_719 : i32 to index
        %get3A_750 = arith.constant 0 : index
        %get3A_751 = tpu.vector_load %arg13[%get3A_747, %get3A_748, %get3A_749, %get3A_750] {strides = array<i32>} : memref<2x2x512x16xf32, #tpu.memory_space<vmem>>, vector<1x1x1x16xf32>,
        %get3A_752 = vector.shape_cast %get3A_751 : vector<1x1x1x16xf32> to vector<16xf32>
        %get3A_753 = arith.constant 0 : i32
        %get3A_754 = arith.index_cast %rem3A_270 : i32 to index
        %get3A_755 = arith.index_cast %get3A_753 : i32 to index
        %get3A_756 = arith.index_cast %add3A_719 : i32 to index
        %get3A_757 = arith.constant 0 : index
        %get3A_758 = tpu.vector_load %arg14[%get3A_754, %get3A_755, %get3A_756, %get3A_757] {strides = array<i32>} : memref<2x2x512x16xf32, #tpu.memory_space<vmem>>, vector<1x1x1x16xf32>,
        %get3A_759 = vector.shape_cast %get3A_758 : vector<1x1x1x16xf32> to vector<16xf32>
        %lt3A_760 = arith.constant 0 : i32
        %lt3A_761 = vector.broadcast %lt3A_760 : i32 to vector<16xi32>
        %lt3A_762 = arith.cmpi slt, %gather3A_731, %lt3A_761 : vector<16xi32>
        %add3A_763 = arith.constant 16 : i32
        %add3A_764 = vector.broadcast %add3A_763 : i32 to vector<16xi32>
        %add3A_765 = arith.addi %gather3A_731, %add3A_764 : vector<16xi32>
        %select_n3A_766 = arith.select %lt3A_762, %add3A_765, %gather3A_731 : vector<16xi1>, vector<16xi32>
        %broadcast_in_dim3A_767 = vector.shape_cast %select_n3A_766 : vector<16xi32> to vector<16x1xi32>
        %gather3A_768 = vector.shape_cast %broadcast_in_dim3A_767 : vector<16x1xi32> to vector<16xi32>
        %gather3A_769 = tpu.dynamic_gather %get3A_752[%gather3A_768] in [0] : vector<16xf32>, vector<16xi32> -> vector<16xf32>
        %lt3A_770 = arith.constant 0 : i32
        %lt3A_771 = vector.broadcast %lt3A_770 : i32 to vector<16xi32>
        %lt3A_772 = arith.cmpi slt, %gather3A_743, %lt3A_771 : vector<16xi32>
        %add3A_773 = arith.constant 16 : i32
        %add3A_774 = vector.broadcast %add3A_773 : i32 to vector<16xi32>
        %add3A_775 = arith.addi %gather3A_743, %add3A_774 : vector<16xi32>
        %select_n3A_776 = arith.select %lt3A_772, %add3A_775, %gather3A_743 : vector<16xi1>, vector<16xi32>
        %broadcast_in_dim3A_777 = vector.shape_cast %select_n3A_776 : vector<16xi32> to vector<16x1xi32>
        %gather3A_778 = vector.shape_cast %broadcast_in_dim3A_777 : vector<16x1xi32> to vector<16xi32>
        %gather3A_779 = tpu.dynamic_gather %get3A_759[%gather3A_778] in [0] : vector<16xf32>, vector<16xi32> -> vector<16xf32>
        %mul3A_780 = arith.mulf %gather3A_769, %gather3A_779 : vector<16xf32>
        %add3A_781 = arith.addf %broadcast_in_dim3A_745, %mul3A_780 : vector<16xf32>
        %get3A_782 = arith.constant 1 : i32
        %get3A_783 = arith.index_cast %rem3A_270 : i32 to index
        %get3A_784 = arith.index_cast %get3A_782 : i32 to index
        %get3A_785 = arith.index_cast %add3A_719 : i32 to index
        %get3A_786 = arith.constant 0 : index
        %get3A_787 = tpu.vector_load %arg13[%get3A_783, %get3A_784, %get3A_785, %get3A_786] {strides = array<i32>} : memref<2x2x512x16xf32, #tpu.memory_space<vmem>>, vector<1x1x1x16xf32>,
        %get3A_788 = vector.shape_cast %get3A_787 : vector<1x1x1x16xf32> to vector<16xf32>
        %get3A_789 = arith.constant 1 : i32
        %get3A_790 = arith.index_cast %rem3A_270 : i32 to index
        %get3A_791 = arith.index_cast %get3A_789 : i32 to index
        %get3A_792 = arith.index_cast %add3A_719 : i32 to index
        %get3A_793 = arith.constant 0 : index
        %get3A_794 = tpu.vector_load %arg14[%get3A_790, %get3A_791, %get3A_792, %get3A_793] {strides = array<i32>} : memref<2x2x512x16xf32, #tpu.memory_space<vmem>>, vector<1x1x1x16xf32>,
        %get3A_795 = vector.shape_cast %get3A_794 : vector<1x1x1x16xf32> to vector<16xf32>
        %lt3A_796 = arith.constant 0 : i32
        %lt3A_797 = vector.broadcast %lt3A_796 : i32 to vector<16xi32>
        %lt3A_798 = arith.cmpi slt, %gather3A_731, %lt3A_797 : vector<16xi32>
        %add3A_799 = arith.constant 16 : i32
        %add3A_800 = vector.broadcast %add3A_799 : i32 to vector<16xi32>
        %add3A_801 = arith.addi %gather3A_731, %add3A_800 : vector<16xi32>
        %select_n3A_802 = arith.select %lt3A_798, %add3A_801, %gather3A_731 : vector<16xi1>, vector<16xi32>
        %broadcast_in_dim3A_803 = vector.shape_cast %select_n3A_802 : vector<16xi32> to vector<16x1xi32>
        %gather3A_804 = vector.shape_cast %broadcast_in_dim3A_803 : vector<16x1xi32> to vector<16xi32>
        %gather3A_805 = tpu.dynamic_gather %get3A_788[%gather3A_804] in [0] : vector<16xf32>, vector<16xi32> -> vector<16xf32>
        %lt3A_806 = arith.constant 0 : i32
        %lt3A_807 = vector.broadcast %lt3A_806 : i32 to vector<16xi32>
        %lt3A_808 = arith.cmpi slt, %gather3A_743, %lt3A_807 : vector<16xi32>
        %add3A_809 = arith.constant 16 : i32
        %add3A_810 = vector.broadcast %add3A_809 : i32 to vector<16xi32>
        %add3A_811 = arith.addi %gather3A_743, %add3A_810 : vector<16xi32>
        %select_n3A_812 = arith.select %lt3A_808, %add3A_811, %gather3A_743 : vector<16xi1>, vector<16xi32>
        %broadcast_in_dim3A_813 = vector.shape_cast %select_n3A_812 : vector<16xi32> to vector<16x1xi32>
        %gather3A_814 = vector.shape_cast %broadcast_in_dim3A_813 : vector<16x1xi32> to vector<16xi32>
        %gather3A_815 = tpu.dynamic_gather %get3A_795[%gather3A_814] in [0] : vector<16xf32>, vector<16xi32> -> vector<16xf32>
        %mul3A_816 = arith.mulf %gather3A_805, %gather3A_815 : vector<16xf32>
        %add3A_817 = arith.addf %add3A_781, %mul3A_816 : vector<16xf32>
        %eq3A_818 = arith.constant 4 : i32
        %eq3A_819 = vector.broadcast %eq3A_818 : i32 to vector<16xi32>
        %eq3A_820 = arith.cmpi eq, %iota3A, %eq3A_819 : vector<16xi32>
        %add3A_821 = arith.addf %select_n3A_715, %add3A_817 : vector<16xf32>
        %select_n3A_822 = arith.select %eq3A_820, %add3A_821, %select_n3A_715 : vector<16xi1>, vector<16xf32>
        %mul3A_823 = arith.constant 16 : i32
        %mul3A_824 = arith.muli %scan3A_279, %mul3A_823 : i32
        %add3A_825 = arith.constant 5 : i32
        %add3A_826 = arith.addi %mul3A_824, %add3A_825 : i32
        %broadcast_in_dim3A_827 = arith.constant 5 : i32
        %broadcast_in_dim3A_828 = vector.broadcast %broadcast_in_dim3A_827 : i32 to vector<16xi32>
        %lt3A_829 = arith.constant 0 : i32
        %lt3A_830 = vector.broadcast %lt3A_829 : i32 to vector<16xi32>
        %lt3A_831 = arith.cmpi slt, %broadcast_in_dim3A_828, %lt3A_830 : vector<16xi32>
        %add3A_832 = arith.constant 16 : i32
        %add3A_833 = vector.broadcast %add3A_832 : i32 to vector<16xi32>
        %add3A_834 = arith.addi %broadcast_in_dim3A_828, %add3A_833 : vector<16xi32>
        %select_n3A_835 = arith.select %lt3A_831, %add3A_834, %broadcast_in_dim3A_828 : vector<16xi1>, vector<16xi32>
        %broadcast_in_dim3A_836 = vector.shape_cast %select_n3A_835 : vector<16xi32> to vector<16x1xi32>
        %gather3A_837 = vector.shape_cast %broadcast_in_dim3A_836 : vector<16x1xi32> to vector<16xi32>
        %gather3A_838 = tpu.dynamic_gather %get3A_284[%gather3A_837] in [0] : vector<16xi32>, vector<16xi32> -> vector<16xi32>
        %broadcast_in_dim3A_839 = arith.constant 5 : i32
        %broadcast_in_dim3A_840 = vector.broadcast %broadcast_in_dim3A_839 : i32 to vector<16xi32>
        %lt3A_841 = arith.constant 0 : i32
        %lt3A_842 = vector.broadcast %lt3A_841 : i32 to vector<16xi32>
        %lt3A_843 = arith.cmpi slt, %broadcast_in_dim3A_840, %lt3A_842 : vector<16xi32>
        %add3A_844 = arith.constant 16 : i32
        %add3A_845 = vector.broadcast %add3A_844 : i32 to vector<16xi32>
        %add3A_846 = arith.addi %broadcast_in_dim3A_840, %add3A_845 : vector<16xi32>
        %select_n3A_847 = arith.select %lt3A_843, %add3A_846, %broadcast_in_dim3A_840 : vector<16xi1>, vector<16xi32>
        %broadcast_in_dim3A_848 = vector.shape_cast %select_n3A_847 : vector<16xi32> to vector<16x1xi32>
        %gather3A_849 = vector.shape_cast %broadcast_in_dim3A_848 : vector<16x1xi32> to vector<16xi32>
        %gather3A_850 = tpu.dynamic_gather %get3A_287[%gather3A_849] in [0] : vector<16xi32>, vector<16xi32> -> vector<16xi32>
        %broadcast_in_dim3A_851 = arith.constant 0.000000e+00 : f32
        %broadcast_in_dim3A_852 = vector.broadcast %broadcast_in_dim3A_851 : f32 to vector<16xf32>
        %get3A_853 = arith.constant 0 : i32
        %get3A_854 = arith.index_cast %rem3A_270 : i32 to index
        %get3A_855 = arith.index_cast %get3A_853 : i32 to index
        %get3A_856 = arith.index_cast %add3A_826 : i32 to index
        %get3A_857 = arith.constant 0 : index
        %get3A_858 = tpu.vector_load %arg13[%get3A_854, %get3A_855, %get3A_856, %get3A_857] {strides = array<i32>} : memref<2x2x512x16xf32, #tpu.memory_space<vmem>>, vector<1x1x1x16xf32>,
        %get3A_859 = vector.shape_cast %get3A_858 : vector<1x1x1x16xf32> to vector<16xf32>
        %get3A_860 = arith.constant 0 : i32
        %get3A_861 = arith.index_cast %rem3A_270 : i32 to index
        %get3A_862 = arith.index_cast %get3A_860 : i32 to index
        %get3A_863 = arith.index_cast %add3A_826 : i32 to index
        %get3A_864 = arith.constant 0 : index
        %get3A_865 = tpu.vector_load %arg14[%get3A_861, %get3A_862, %get3A_863, %get3A_864] {strides = array<i32>} : memref<2x2x512x16xf32, #tpu.memory_space<vmem>>, vector<1x1x1x16xf32>,
        %get3A_866 = vector.shape_cast %get3A_865 : vector<1x1x1x16xf32> to vector<16xf32>
        %lt3A_867 = arith.constant 0 : i32
        %lt3A_868 = vector.broadcast %lt3A_867 : i32 to vector<16xi32>
        %lt3A_869 = arith.cmpi slt, %gather3A_838, %lt3A_868 : vector<16xi32>
        %add3A_870 = arith.constant 16 : i32
        %add3A_871 = vector.broadcast %add3A_870 : i32 to vector<16xi32>
        %add3A_872 = arith.addi %gather3A_838, %add3A_871 : vector<16xi32>
        %select_n3A_873 = arith.select %lt3A_869, %add3A_872, %gather3A_838 : vector<16xi1>, vector<16xi32>
        %broadcast_in_dim3A_874 = vector.shape_cast %select_n3A_873 : vector<16xi32> to vector<16x1xi32>
        %gather3A_875 = vector.shape_cast %broadcast_in_dim3A_874 : vector<16x1xi32> to vector<16xi32>
        %gather3A_876 = tpu.dynamic_gather %get3A_859[%gather3A_875] in [0] : vector<16xf32>, vector<16xi32> -> vector<16xf32>
        %lt3A_877 = arith.constant 0 : i32
        %lt3A_878 = vector.broadcast %lt3A_877 : i32 to vector<16xi32>
        %lt3A_879 = arith.cmpi slt, %gather3A_850, %lt3A_878 : vector<16xi32>
        %add3A_880 = arith.constant 16 : i32
        %add3A_881 = vector.broadcast %add3A_880 : i32 to vector<16xi32>
        %add3A_882 = arith.addi %gather3A_850, %add3A_881 : vector<16xi32>
        %select_n3A_883 = arith.select %lt3A_879, %add3A_882, %gather3A_850 : vector<16xi1>, vector<16xi32>
        %broadcast_in_dim3A_884 = vector.shape_cast %select_n3A_883 : vector<16xi32> to vector<16x1xi32>
        %gather3A_885 = vector.shape_cast %broadcast_in_dim3A_884 : vector<16x1xi32> to vector<16xi32>
        %gather3A_886 = tpu.dynamic_gather %get3A_866[%gather3A_885] in [0] : vector<16xf32>, vector<16xi32> -> vector<16xf32>
        %mul3A_887 = arith.mulf %gather3A_876, %gather3A_886 : vector<16xf32>
        %add3A_888 = arith.addf %broadcast_in_dim3A_852, %mul3A_887 : vector<16xf32>
        %get3A_889 = arith.constant 1 : i32
        %get3A_890 = arith.index_cast %rem3A_270 : i32 to index
        %get3A_891 = arith.index_cast %get3A_889 : i32 to index
        %get3A_892 = arith.index_cast %add3A_826 : i32 to index
        %get3A_893 = arith.constant 0 : index
        %get3A_894 = tpu.vector_load %arg13[%get3A_890, %get3A_891, %get3A_892, %get3A_893] {strides = array<i32>} : memref<2x2x512x16xf32, #tpu.memory_space<vmem>>, vector<1x1x1x16xf32>,
        %get3A_895 = vector.shape_cast %get3A_894 : vector<1x1x1x16xf32> to vector<16xf32>
        %get3A_896 = arith.constant 1 : i32
        %get3A_897 = arith.index_cast %rem3A_270 : i32 to index
        %get3A_898 = arith.index_cast %get3A_896 : i32 to index
        %get3A_899 = arith.index_cast %add3A_826 : i32 to index
        %get3A_900 = arith.constant 0 : index
        %get3A_901 = tpu.vector_load %arg14[%get3A_897, %get3A_898, %get3A_899, %get3A_900] {strides = array<i32>} : memref<2x2x512x16xf32, #tpu.memory_space<vmem>>, vector<1x1x1x16xf32>,
        %get3A_902 = vector.shape_cast %get3A_901 : vector<1x1x1x16xf32> to vector<16xf32>
        %lt3A_903 = arith.constant 0 : i32
        %lt3A_904 = vector.broadcast %lt3A_903 : i32 to vector<16xi32>
        %lt3A_905 = arith.cmpi slt, %gather3A_838, %lt3A_904 : vector<16xi32>
        %add3A_906 = arith.constant 16 : i32
        %add3A_907 = vector.broadcast %add3A_906 : i32 to vector<16xi32>
        %add3A_908 = arith.addi %gather3A_838, %add3A_907 : vector<16xi32>
        %select_n3A_909 = arith.select %lt3A_905, %add3A_908, %gather3A_838 : vector<16xi1>, vector<16xi32>
        %broadcast_in_dim3A_910 = vector.shape_cast %select_n3A_909 : vector<16xi32> to vector<16x1xi32>
        %gather3A_911 = vector.shape_cast %broadcast_in_dim3A_910 : vector<16x1xi32> to vector<16xi32>
        %gather3A_912 = tpu.dynamic_gather %get3A_895[%gather3A_911] in [0] : vector<16xf32>, vector<16xi32> -> vector<16xf32>
        %lt3A_913 = arith.constant 0 : i32
        %lt3A_914 = vector.broadcast %lt3A_913 : i32 to vector<16xi32>
        %lt3A_915 = arith.cmpi slt, %gather3A_850, %lt3A_914 : vector<16xi32>
        %add3A_916 = arith.constant 16 : i32
        %add3A_917 = vector.broadcast %add3A_916 : i32 to vector<16xi32>
        %add3A_918 = arith.addi %gather3A_850, %add3A_917 : vector<16xi32>
        %select_n3A_919 = arith.select %lt3A_915, %add3A_918, %gather3A_850 : vector<16xi1>, vector<16xi32>
        %broadcast_in_dim3A_920 = vector.shape_cast %select_n3A_919 : vector<16xi32> to vector<16x1xi32>
        %gather3A_921 = vector.shape_cast %broadcast_in_dim3A_920 : vector<16x1xi32> to vector<16xi32>
        %gather3A_922 = tpu.dynamic_gather %get3A_902[%gather3A_921] in [0] : vector<16xf32>, vector<16xi32> -> vector<16xf32>
        %mul3A_923 = arith.mulf %gather3A_912, %gather3A_922 : vector<16xf32>
        %add3A_924 = arith.addf %add3A_888, %mul3A_923 : vector<16xf32>
        %eq3A_925 = arith.constant 5 : i32
        %eq3A_926 = vector.broadcast %eq3A_925 : i32 to vector<16xi32>
        %eq3A_927 = arith.cmpi eq, %iota3A, %eq3A_926 : vector<16xi32>
        %add3A_928 = arith.addf %select_n3A_822, %add3A_924 : vector<16xf32>
        %select_n3A_929 = arith.select %eq3A_927, %add3A_928, %select_n3A_822 : vector<16xi1>, vector<16xf32>
        %mul3A_930 = arith.constant 16 : i32
        %mul3A_931 = arith.muli %scan3A_279, %mul3A_930 : i32
        %add3A_932 = arith.constant 6 : i32
        %add3A_933 = arith.addi %mul3A_931, %add3A_932 : i32
        %broadcast_in_dim3A_934 = arith.constant 6 : i32
        %broadcast_in_dim3A_935 = vector.broadcast %broadcast_in_dim3A_934 : i32 to vector<16xi32>
        %lt3A_936 = arith.constant 0 : i32
        %lt3A_937 = vector.broadcast %lt3A_936 : i32 to vector<16xi32>
        %lt3A_938 = arith.cmpi slt, %broadcast_in_dim3A_935, %lt3A_937 : vector<16xi32>
        %add3A_939 = arith.constant 16 : i32
        %add3A_940 = vector.broadcast %add3A_939 : i32 to vector<16xi32>
        %add3A_941 = arith.addi %broadcast_in_dim3A_935, %add3A_940 : vector<16xi32>
        %select_n3A_942 = arith.select %lt3A_938, %add3A_941, %broadcast_in_dim3A_935 : vector<16xi1>, vector<16xi32>
        %broadcast_in_dim3A_943 = vector.shape_cast %select_n3A_942 : vector<16xi32> to vector<16x1xi32>
        %gather3A_944 = vector.shape_cast %broadcast_in_dim3A_943 : vector<16x1xi32> to vector<16xi32>
        %gather3A_945 = tpu.dynamic_gather %get3A_284[%gather3A_944] in [0] : vector<16xi32>, vector<16xi32> -> vector<16xi32>
        %broadcast_in_dim3A_946 = arith.constant 6 : i32
        %broadcast_in_dim3A_947 = vector.broadcast %broadcast_in_dim3A_946 : i32 to vector<16xi32>
        %lt3A_948 = arith.constant 0 : i32
        %lt3A_949 = vector.broadcast %lt3A_948 : i32 to vector<16xi32>
        %lt3A_950 = arith.cmpi slt, %broadcast_in_dim3A_947, %lt3A_949 : vector<16xi32>
        %add3A_951 = arith.constant 16 : i32
        %add3A_952 = vector.broadcast %add3A_951 : i32 to vector<16xi32>
        %add3A_953 = arith.addi %broadcast_in_dim3A_947, %add3A_952 : vector<16xi32>
        %select_n3A_954 = arith.select %lt3A_950, %add3A_953, %broadcast_in_dim3A_947 : vector<16xi1>, vector<16xi32>
        %broadcast_in_dim3A_955 = vector.shape_cast %select_n3A_954 : vector<16xi32> to vector<16x1xi32>
        %gather3A_956 = vector.shape_cast %broadcast_in_dim3A_955 : vector<16x1xi32> to vector<16xi32>
        %gather3A_957 = tpu.dynamic_gather %get3A_287[%gather3A_956] in [0] : vector<16xi32>, vector<16xi32> -> vector<16xi32>
        %broadcast_in_dim3A_958 = arith.constant 0.000000e+00 : f32
        %broadcast_in_dim3A_959 = vector.broadcast %broadcast_in_dim3A_958 : f32 to vector<16xf32>
        %get3A_960 = arith.constant 0 : i32
        %get3A_961 = arith.index_cast %rem3A_270 : i32 to index
        %get3A_962 = arith.index_cast %get3A_960 : i32 to index
        %get3A_963 = arith.index_cast %add3A_933 : i32 to index
        %get3A_964 = arith.constant 0 : index
        %get3A_965 = tpu.vector_load %arg13[%get3A_961, %get3A_962, %get3A_963, %get3A_964] {strides = array<i32>} : memref<2x2x512x16xf32, #tpu.memory_space<vmem>>, vector<1x1x1x16xf32>,
        %get3A_966 = vector.shape_cast %get3A_965 : vector<1x1x1x16xf32> to vector<16xf32>
        %get3A_967 = arith.constant 0 : i32
        %get3A_968 = arith.index_cast %rem3A_270 : i32 to index
        %get3A_969 = arith.index_cast %get3A_967 : i32 to index
        %get3A_970 = arith.index_cast %add3A_933 : i32 to index
        %get3A_971 = arith.constant 0 : index
        %get3A_972 = tpu.vector_load %arg14[%get3A_968, %get3A_969, %get3A_970, %get3A_971] {strides = array<i32>} : memref<2x2x512x16xf32, #tpu.memory_space<vmem>>, vector<1x1x1x16xf32>,
        %get3A_973 = vector.shape_cast %get3A_972 : vector<1x1x1x16xf32> to vector<16xf32>
        %lt3A_974 = arith.constant 0 : i32
        %lt3A_975 = vector.broadcast %lt3A_974 : i32 to vector<16xi32>
        %lt3A_976 = arith.cmpi slt, %gather3A_945, %lt3A_975 : vector<16xi32>
        %add3A_977 = arith.constant 16 : i32
        %add3A_978 = vector.broadcast %add3A_977 : i32 to vector<16xi32>
        %add3A_979 = arith.addi %gather3A_945, %add3A_978 : vector<16xi32>
        %select_n3A_980 = arith.select %lt3A_976, %add3A_979, %gather3A_945 : vector<16xi1>, vector<16xi32>
        %broadcast_in_dim3A_981 = vector.shape_cast %select_n3A_980 : vector<16xi32> to vector<16x1xi32>
        %gather3A_982 = vector.shape_cast %broadcast_in_dim3A_981 : vector<16x1xi32> to vector<16xi32>
        %gather3A_983 = tpu.dynamic_gather %get3A_966[%gather3A_982] in [0] : vector<16xf32>, vector<16xi32> -> vector<16xf32>
        %lt3A_984 = arith.constant 0 : i32
        %lt3A_985 = vector.broadcast %lt3A_984 : i32 to vector<16xi32>
        %lt3A_986 = arith.cmpi slt, %gather3A_957, %lt3A_985 : vector<16xi32>
        %add3A_987 = arith.constant 16 : i32
        %add3A_988 = vector.broadcast %add3A_987 : i32 to vector<16xi32>
        %add3A_989 = arith.addi %gather3A_957, %add3A_988 : vector<16xi32>
        %select_n3A_990 = arith.select %lt3A_986, %add3A_989, %gather3A_957 : vector<16xi1>, vector<16xi32>
        %broadcast_in_dim3A_991 = vector.shape_cast %select_n3A_990 : vector<16xi32> to vector<16x1xi32>
        %gather3A_992 = vector.shape_cast %broadcast_in_dim3A_991 : vector<16x1xi32> to vector<16xi32>
        %gather3A_993 = tpu.dynamic_gather %get3A_973[%gather3A_992] in [0] : vector<16xf32>, vector<16xi32> -> vector<16xf32>
        %mul3A_994 = arith.mulf %gather3A_983, %gather3A_993 : vector<16xf32>
        %add3A_995 = arith.addf %broadcast_in_dim3A_959, %mul3A_994 : vector<16xf32>
        %get3A_996 = arith.constant 1 : i32
        %get3A_997 = arith.index_cast %rem3A_270 : i32 to index
        %get3A_998 = arith.index_cast %get3A_996 : i32 to index
        %get3A_999 = arith.index_cast %add3A_933 : i32 to index
        %get3A_1000 = arith.constant 0 : index
        %get3A_1001 = tpu.vector_load %arg13[%get3A_997, %get3A_998, %get3A_999, %get3A_1000] {strides = array<i32>} : memref<2x2x512x16xf32, #tpu.memory_space<vmem>>, vector<1x1x1x16xf32>,
        %get3A_1002 = vector.shape_cast %get3A_1001 : vector<1x1x1x16xf32> to vector<16xf32>
        %get3A_1003 = arith.constant 1 : i32
        %get3A_1004 = arith.index_cast %rem3A_270 : i32 to index
        %get3A_1005 = arith.index_cast %get3A_1003 : i32 to index
        %get3A_1006 = arith.index_cast %add3A_933 : i32 to index
        %get3A_1007 = arith.constant 0 : index
        %get3A_1008 = tpu.vector_load %arg14[%get3A_1004, %get3A_1005, %get3A_1006, %get3A_1007] {strides = array<i32>} : memref<2x2x512x16xf32, #tpu.memory_space<vmem>>, vector<1x1x1x16xf32>,
        %get3A_1009 = vector.shape_cast %get3A_1008 : vector<1x1x1x16xf32> to vector<16xf32>
        %lt3A_1010 = arith.constant 0 : i32
        %lt3A_1011 = vector.broadcast %lt3A_1010 : i32 to vector<16xi32>
        %lt3A_1012 = arith.cmpi slt, %gather3A_945, %lt3A_1011 : vector<16xi32>
        %add3A_1013 = arith.constant 16 : i32
        %add3A_1014 = vector.broadcast %add3A_1013 : i32 to vector<16xi32>
        %add3A_1015 = arith.addi %gather3A_945, %add3A_1014 : vector<16xi32>
        %select_n3A_1016 = arith.select %lt3A_1012, %add3A_1015, %gather3A_945 : vector<16xi1>, vector<16xi32>
        %broadcast_in_dim3A_1017 = vector.shape_cast %select_n3A_1016 : vector<16xi32> to vector<16x1xi32>
        %gather3A_1018 = vector.shape_cast %broadcast_in_dim3A_1017 : vector<16x1xi32> to vector<16xi32>
        %gather3A_1019 = tpu.dynamic_gather %get3A_1002[%gather3A_1018] in [0] : vector<16xf32>, vector<16xi32> -> vector<16xf32>
        %lt3A_1020 = arith.constant 0 : i32
        %lt3A_1021 = vector.broadcast %lt3A_1020 : i32 to vector<16xi32>
        %lt3A_1022 = arith.cmpi slt, %gather3A_957, %lt3A_1021 : vector<16xi32>
        %add3A_1023 = arith.constant 16 : i32
        %add3A_1024 = vector.broadcast %add3A_1023 : i32 to vector<16xi32>
        %add3A_1025 = arith.addi %gather3A_957, %add3A_1024 : vector<16xi32>
        %select_n3A_1026 = arith.select %lt3A_1022, %add3A_1025, %gather3A_957 : vector<16xi1>, vector<16xi32>
        %broadcast_in_dim3A_1027 = vector.shape_cast %select_n3A_1026 : vector<16xi32> to vector<16x1xi32>
        %gather3A_1028 = vector.shape_cast %broadcast_in_dim3A_1027 : vector<16x1xi32> to vector<16xi32>
        %gather3A_1029 = tpu.dynamic_gather %get3A_1009[%gather3A_1028] in [0] : vector<16xf32>, vector<16xi32> -> vector<16xf32>
        %mul3A_1030 = arith.mulf %gather3A_1019, %gather3A_1029 : vector<16xf32>
        %add3A_1031 = arith.addf %add3A_995, %mul3A_1030 : vector<16xf32>
        %eq3A_1032 = arith.constant 6 : i32
        %eq3A_1033 = vector.broadcast %eq3A_1032 : i32 to vector<16xi32>
        %eq3A_1034 = arith.cmpi eq, %iota3A, %eq3A_1033 : vector<16xi32>
        %add3A_1035 = arith.addf %select_n3A_929, %add3A_1031 : vector<16xf32>
        %select_n3A_1036 = arith.select %eq3A_1034, %add3A_1035, %select_n3A_929 : vector<16xi1>, vector<16xf32>
        %mul3A_1037 = arith.constant 16 : i32
        %mul3A_1038 = arith.muli %scan3A_279, %mul3A_1037 : i32
        %add3A_1039 = arith.constant 7 : i32
        %add3A_1040 = arith.addi %mul3A_1038, %add3A_1039 : i32
        %broadcast_in_dim3A_1041 = arith.constant 7 : i32
        %broadcast_in_dim3A_1042 = vector.broadcast %broadcast_in_dim3A_1041 : i32 to vector<16xi32>
        %lt3A_1043 = arith.constant 0 : i32
        %lt3A_1044 = vector.broadcast %lt3A_1043 : i32 to vector<16xi32>
        %lt3A_1045 = arith.cmpi slt, %broadcast_in_dim3A_1042, %lt3A_1044 : vector<16xi32>
        %add3A_1046 = arith.constant 16 : i32
        %add3A_1047 = vector.broadcast %add3A_1046 : i32 to vector<16xi32>
        %add3A_1048 = arith.addi %broadcast_in_dim3A_1042, %add3A_1047 : vector<16xi32>
        %select_n3A_1049 = arith.select %lt3A_1045, %add3A_1048, %broadcast_in_dim3A_1042 : vector<16xi1>, vector<16xi32>
        %broadcast_in_dim3A_1050 = vector.shape_cast %select_n3A_1049 : vector<16xi32> to vector<16x1xi32>
        %gather3A_1051 = vector.shape_cast %broadcast_in_dim3A_1050 : vector<16x1xi32> to vector<16xi32>
        %gather3A_1052 = tpu.dynamic_gather %get3A_284[%gather3A_1051] in [0] : vector<16xi32>, vector<16xi32> -> vector<16xi32>
        %broadcast_in_dim3A_1053 = arith.constant 7 : i32
        %broadcast_in_dim3A_1054 = vector.broadcast %broadcast_in_dim3A_1053 : i32 to vector<16xi32>
        %lt3A_1055 = arith.constant 0 : i32
        %lt3A_1056 = vector.broadcast %lt3A_1055 : i32 to vector<16xi32>
        %lt3A_1057 = arith.cmpi slt, %broadcast_in_dim3A_1054, %lt3A_1056 : vector<16xi32>
        %add3A_1058 = arith.constant 16 : i32
        %add3A_1059 = vector.broadcast %add3A_1058 : i32 to vector<16xi32>
        %add3A_1060 = arith.addi %broadcast_in_dim3A_1054, %add3A_1059 : vector<16xi32>
        %select_n3A_1061 = arith.select %lt3A_1057, %add3A_1060, %broadcast_in_dim3A_1054 : vector<16xi1>, vector<16xi32>
        %broadcast_in_dim3A_1062 = vector.shape_cast %select_n3A_1061 : vector<16xi32> to vector<16x1xi32>
        %gather3A_1063 = vector.shape_cast %broadcast_in_dim3A_1062 : vector<16x1xi32> to vector<16xi32>
        %gather3A_1064 = tpu.dynamic_gather %get3A_287[%gather3A_1063] in [0] : vector<16xi32>, vector<16xi32> -> vector<16xi32>
        %broadcast_in_dim3A_1065 = arith.constant 0.000000e+00 : f32
        %broadcast_in_dim3A_1066 = vector.broadcast %broadcast_in_dim3A_1065 : f32 to vector<16xf32>
        %get3A_1067 = arith.constant 0 : i32
        %get3A_1068 = arith.index_cast %rem3A_270 : i32 to index
        %get3A_1069 = arith.index_cast %get3A_1067 : i32 to index
        %get3A_1070 = arith.index_cast %add3A_1040 : i32 to index
        %get3A_1071 = arith.constant 0 : index
        %get3A_1072 = tpu.vector_load %arg13[%get3A_1068, %get3A_1069, %get3A_1070, %get3A_1071] {strides = array<i32>} : memref<2x2x512x16xf32, #tpu.memory_space<vmem>>, vector<1x1x1x16xf32>,
        %get3A_1073 = vector.shape_cast %get3A_1072 : vector<1x1x1x16xf32> to vector<16xf32>
        %get3A_1074 = arith.constant 0 : i32
        %get3A_1075 = arith.index_cast %rem3A_270 : i32 to index
        %get3A_1076 = arith.index_cast %get3A_1074 : i32 to index
        %get3A_1077 = arith.index_cast %add3A_1040 : i32 to index
        %get3A_1078 = arith.constant 0 : index
        %get3A_1079 = tpu.vector_load %arg14[%get3A_1075, %get3A_1076, %get3A_1077, %get3A_1078] {strides = array<i32>} : memref<2x2x512x16xf32, #tpu.memory_space<vmem>>, vector<1x1x1x16xf32>,
        %get3A_1080 = vector.shape_cast %get3A_1079 : vector<1x1x1x16xf32> to vector<16xf32>
        %lt3A_1081 = arith.constant 0 : i32
        %lt3A_1082 = vector.broadcast %lt3A_1081 : i32 to vector<16xi32>
        %lt3A_1083 = arith.cmpi slt, %gather3A_1052, %lt3A_1082 : vector<16xi32>
        %add3A_1084 = arith.constant 16 : i32
        %add3A_1085 = vector.broadcast %add3A_1084 : i32 to vector<16xi32>
        %add3A_1086 = arith.addi %gather3A_1052, %add3A_1085 : vector<16xi32>
        %select_n3A_1087 = arith.select %lt3A_1083, %add3A_1086, %gather3A_1052 : vector<16xi1>, vector<16xi32>
        %broadcast_in_dim3A_1088 = vector.shape_cast %select_n3A_1087 : vector<16xi32> to vector<16x1xi32>
        %gather3A_1089 = vector.shape_cast %broadcast_in_dim3A_1088 : vector<16x1xi32> to vector<16xi32>
        %gather3A_1090 = tpu.dynamic_gather %get3A_1073[%gather3A_1089] in [0] : vector<16xf32>, vector<16xi32> -> vector<16xf32>
        %lt3A_1091 = arith.constant 0 : i32
        %lt3A_1092 = vector.broadcast %lt3A_1091 : i32 to vector<16xi32>
        %lt3A_1093 = arith.cmpi slt, %gather3A_1064, %lt3A_1092 : vector<16xi32>
        %add3A_1094 = arith.constant 16 : i32
        %add3A_1095 = vector.broadcast %add3A_1094 : i32 to vector<16xi32>
        %add3A_1096 = arith.addi %gather3A_1064, %add3A_1095 : vector<16xi32>
        %select_n3A_1097 = arith.select %lt3A_1093, %add3A_1096, %gather3A_1064 : vector<16xi1>, vector<16xi32>
        %broadcast_in_dim3A_1098 = vector.shape_cast %select_n3A_1097 : vector<16xi32> to vector<16x1xi32>
        %gather3A_1099 = vector.shape_cast %broadcast_in_dim3A_1098 : vector<16x1xi32> to vector<16xi32>
        %gather3A_1100 = tpu.dynamic_gather %get3A_1080[%gather3A_1099] in [0] : vector<16xf32>, vector<16xi32> -> vector<16xf32>
        %mul3A_1101 = arith.mulf %gather3A_1090, %gather3A_1100 : vector<16xf32>
        %add3A_1102 = arith.addf %broadcast_in_dim3A_1066, %mul3A_1101 : vector<16xf32>
        %get3A_1103 = arith.constant 1 : i32
        %get3A_1104 = arith.index_cast %rem3A_270 : i32 to index
        %get3A_1105 = arith.index_cast %get3A_1103 : i32 to index
        %get3A_1106 = arith.index_cast %add3A_1040 : i32 to index
        %get3A_1107 = arith.constant 0 : index
        %get3A_1108 = tpu.vector_load %arg13[%get3A_1104, %get3A_1105, %get3A_1106, %get3A_1107] {strides = array<i32>} : memref<2x2x512x16xf32, #tpu.memory_space<vmem>>, vector<1x1x1x16xf32>,
        %get3A_1109 = vector.shape_cast %get3A_1108 : vector<1x1x1x16xf32> to vector<16xf32>
        %get3A_1110 = arith.constant 1 : i32
        %get3A_1111 = arith.index_cast %rem3A_270 : i32 to index
        %get3A_1112 = arith.index_cast %get3A_1110 : i32 to index
        %get3A_1113 = arith.index_cast %add3A_1040 : i32 to index
        %get3A_1114 = arith.constant 0 : index
        %get3A_1115 = tpu.vector_load %arg14[%get3A_1111, %get3A_1112, %get3A_1113, %get3A_1114] {strides = array<i32>} : memref<2x2x512x16xf32, #tpu.memory_space<vmem>>, vector<1x1x1x16xf32>,
        %get3A_1116 = vector.shape_cast %get3A_1115 : vector<1x1x1x16xf32> to vector<16xf32>
        %lt3A_1117 = arith.constant 0 : i32
        %lt3A_1118 = vector.broadcast %lt3A_1117 : i32 to vector<16xi32>
        %lt3A_1119 = arith.cmpi slt, %gather3A_1052, %lt3A_1118 : vector<16xi32>
        %add3A_1120 = arith.constant 16 : i32
        %add3A_1121 = vector.broadcast %add3A_1120 : i32 to vector<16xi32>
        %add3A_1122 = arith.addi %gather3A_1052, %add3A_1121 : vector<16xi32>
        %select_n3A_1123 = arith.select %lt3A_1119, %add3A_1122, %gather3A_1052 : vector<16xi1>, vector<16xi32>
        %broadcast_in_dim3A_1124 = vector.shape_cast %select_n3A_1123 : vector<16xi32> to vector<16x1xi32>
        %gather3A_1125 = vector.shape_cast %broadcast_in_dim3A_1124 : vector<16x1xi32> to vector<16xi32>
        %gather3A_1126 = tpu.dynamic_gather %get3A_1109[%gather3A_1125] in [0] : vector<16xf32>, vector<16xi32> -> vector<16xf32>
        %lt3A_1127 = arith.constant 0 : i32
        %lt3A_1128 = vector.broadcast %lt3A_1127 : i32 to vector<16xi32>
        %lt3A_1129 = arith.cmpi slt, %gather3A_1064, %lt3A_1128 : vector<16xi32>
        %add3A_1130 = arith.constant 16 : i32
        %add3A_1131 = vector.broadcast %add3A_1130 : i32 to vector<16xi32>
        %add3A_1132 = arith.addi %gather3A_1064, %add3A_1131 : vector<16xi32>
        %select_n3A_1133 = arith.select %lt3A_1129, %add3A_1132, %gather3A_1064 : vector<16xi1>, vector<16xi32>
        %broadcast_in_dim3A_1134 = vector.shape_cast %select_n3A_1133 : vector<16xi32> to vector<16x1xi32>
        %gather3A_1135 = vector.shape_cast %broadcast_in_dim3A_1134 : vector<16x1xi32> to vector<16xi32>
        %gather3A_1136 = tpu.dynamic_gather %get3A_1116[%gather3A_1135] in [0] : vector<16xf32>, vector<16xi32> -> vector<16xf32>
        %mul3A_1137 = arith.mulf %gather3A_1126, %gather3A_1136 : vector<16xf32>
        %add3A_1138 = arith.addf %add3A_1102, %mul3A_1137 : vector<16xf32>
        %eq3A_1139 = arith.constant 7 : i32
        %eq3A_1140 = vector.broadcast %eq3A_1139 : i32 to vector<16xi32>
        %eq3A_1141 = arith.cmpi eq, %iota3A, %eq3A_1140 : vector<16xi32>
        %add3A_1142 = arith.addf %select_n3A_1036, %add3A_1138 : vector<16xf32>
        %select_n3A_1143 = arith.select %eq3A_1141, %add3A_1142, %select_n3A_1036 : vector<16xi1>, vector<16xf32>
        %mul3A_1144 = arith.constant 16 : i32
        %mul3A_1145 = arith.muli %scan3A_279, %mul3A_1144 : i32
        %add3A_1146 = arith.constant 8 : i32
        %add3A_1147 = arith.addi %mul3A_1145, %add3A_1146 : i32
        %broadcast_in_dim3A_1148 = arith.constant 8 : i32
        %broadcast_in_dim3A_1149 = vector.broadcast %broadcast_in_dim3A_1148 : i32 to vector<16xi32>
        %lt3A_1150 = arith.constant 0 : i32
        %lt3A_1151 = vector.broadcast %lt3A_1150 : i32 to vector<16xi32>
        %lt3A_1152 = arith.cmpi slt, %broadcast_in_dim3A_1149, %lt3A_1151 : vector<16xi32>
        %add3A_1153 = arith.constant 16 : i32
        %add3A_1154 = vector.broadcast %add3A_1153 : i32 to vector<16xi32>
        %add3A_1155 = arith.addi %broadcast_in_dim3A_1149, %add3A_1154 : vector<16xi32>
        %select_n3A_1156 = arith.select %lt3A_1152, %add3A_1155, %broadcast_in_dim3A_1149 : vector<16xi1>, vector<16xi32>
        %broadcast_in_dim3A_1157 = vector.shape_cast %select_n3A_1156 : vector<16xi32> to vector<16x1xi32>
        %gather3A_1158 = vector.shape_cast %broadcast_in_dim3A_1157 : vector<16x1xi32> to vector<16xi32>
        %gather3A_1159 = tpu.dynamic_gather %get3A_284[%gather3A_1158] in [0] : vector<16xi32>, vector<16xi32> -> vector<16xi32>
        %broadcast_in_dim3A_1160 = arith.constant 8 : i32
        %broadcast_in_dim3A_1161 = vector.broadcast %broadcast_in_dim3A_1160 : i32 to vector<16xi32>
        %lt3A_1162 = arith.constant 0 : i32
        %lt3A_1163 = vector.broadcast %lt3A_1162 : i32 to vector<16xi32>
        %lt3A_1164 = arith.cmpi slt, %broadcast_in_dim3A_1161, %lt3A_1163 : vector<16xi32>
        %add3A_1165 = arith.constant 16 : i32
        %add3A_1166 = vector.broadcast %add3A_1165 : i32 to vector<16xi32>
        %add3A_1167 = arith.addi %broadcast_in_dim3A_1161, %add3A_1166 : vector<16xi32>
        %select_n3A_1168 = arith.select %lt3A_1164, %add3A_1167, %broadcast_in_dim3A_1161 : vector<16xi1>, vector<16xi32>
        %broadcast_in_dim3A_1169 = vector.shape_cast %select_n3A_1168 : vector<16xi32> to vector<16x1xi32>
        %gather3A_1170 = vector.shape_cast %broadcast_in_dim3A_1169 : vector<16x1xi32> to vector<16xi32>
        %gather3A_1171 = tpu.dynamic_gather %get3A_287[%gather3A_1170] in [0] : vector<16xi32>, vector<16xi32> -> vector<16xi32>
        %broadcast_in_dim3A_1172 = arith.constant 0.000000e+00 : f32
        %broadcast_in_dim3A_1173 = vector.broadcast %broadcast_in_dim3A_1172 : f32 to vector<16xf32>
        %get3A_1174 = arith.constant 0 : i32
        %get3A_1175 = arith.index_cast %rem3A_270 : i32 to index
        %get3A_1176 = arith.index_cast %get3A_1174 : i32 to index
        %get3A_1177 = arith.index_cast %add3A_1147 : i32 to index
        %get3A_1178 = arith.constant 0 : index
        %get3A_1179 = tpu.vector_load %arg13[%get3A_1175, %get3A_1176, %get3A_1177, %get3A_1178] {strides = array<i32>} : memref<2x2x512x16xf32, #tpu.memory_space<vmem>>, vector<1x1x1x16xf32>,
        %get3A_1180 = vector.shape_cast %get3A_1179 : vector<1x1x1x16xf32> to vector<16xf32>
        %get3A_1181 = arith.constant 0 : i32
        %get3A_1182 = arith.index_cast %rem3A_270 : i32 to index
        %get3A_1183 = arith.index_cast %get3A_1181 : i32 to index
        %get3A_1184 = arith.index_cast %add3A_1147 : i32 to index
        %get3A_1185 = arith.constant 0 : index
        %get3A_1186 = tpu.vector_load %arg14[%get3A_1182, %get3A_1183, %get3A_1184, %get3A_1185] {strides = array<i32>} : memref<2x2x512x16xf32, #tpu.memory_space<vmem>>, vector<1x1x1x16xf32>,
        %get3A_1187 = vector.shape_cast %get3A_1186 : vector<1x1x1x16xf32> to vector<16xf32>
        %lt3A_1188 = arith.constant 0 : i32
        %lt3A_1189 = vector.broadcast %lt3A_1188 : i32 to vector<16xi32>
        %lt3A_1190 = arith.cmpi slt, %gather3A_1159, %lt3A_1189 : vector<16xi32>
        %add3A_1191 = arith.constant 16 : i32
        %add3A_1192 = vector.broadcast %add3A_1191 : i32 to vector<16xi32>
        %add3A_1193 = arith.addi %gather3A_1159, %add3A_1192 : vector<16xi32>
        %select_n3A_1194 = arith.select %lt3A_1190, %add3A_1193, %gather3A_1159 : vector<16xi1>, vector<16xi32>
        %broadcast_in_dim3A_1195 = vector.shape_cast %select_n3A_1194 : vector<16xi32> to vector<16x1xi32>
        %gather3A_1196 = vector.shape_cast %broadcast_in_dim3A_1195 : vector<16x1xi32> to vector<16xi32>
        %gather3A_1197 = tpu.dynamic_gather %get3A_1180[%gather3A_1196] in [0] : vector<16xf32>, vector<16xi32> -> vector<16xf32>
        %lt3A_1198 = arith.constant 0 : i32
        %lt3A_1199 = vector.broadcast %lt3A_1198 : i32 to vector<16xi32>
        %lt3A_1200 = arith.cmpi slt, %gather3A_1171, %lt3A_1199 : vector<16xi32>
        %add3A_1201 = arith.constant 16 : i32
        %add3A_1202 = vector.broadcast %add3A_1201 : i32 to vector<16xi32>
        %add3A_1203 = arith.addi %gather3A_1171, %add3A_1202 : vector<16xi32>
        %select_n3A_1204 = arith.select %lt3A_1200, %add3A_1203, %gather3A_1171 : vector<16xi1>, vector<16xi32>
        %broadcast_in_dim3A_1205 = vector.shape_cast %select_n3A_1204 : vector<16xi32> to vector<16x1xi32>
        %gather3A_1206 = vector.shape_cast %broadcast_in_dim3A_1205 : vector<16x1xi32> to vector<16xi32>
        %gather3A_1207 = tpu.dynamic_gather %get3A_1187[%gather3A_1206] in [0] : vector<16xf32>, vector<16xi32> -> vector<16xf32>
        %mul3A_1208 = arith.mulf %gather3A_1197, %gather3A_1207 : vector<16xf32>
        %add3A_1209 = arith.addf %broadcast_in_dim3A_1173, %mul3A_1208 : vector<16xf32>
        %get3A_1210 = arith.constant 1 : i32
        %get3A_1211 = arith.index_cast %rem3A_270 : i32 to index
        %get3A_1212 = arith.index_cast %get3A_1210 : i32 to index
        %get3A_1213 = arith.index_cast %add3A_1147 : i32 to index
        %get3A_1214 = arith.constant 0 : index
        %get3A_1215 = tpu.vector_load %arg13[%get3A_1211, %get3A_1212, %get3A_1213, %get3A_1214] {strides = array<i32>} : memref<2x2x512x16xf32, #tpu.memory_space<vmem>>, vector<1x1x1x16xf32>,
        %get3A_1216 = vector.shape_cast %get3A_1215 : vector<1x1x1x16xf32> to vector<16xf32>
        %get3A_1217 = arith.constant 1 : i32
        %get3A_1218 = arith.index_cast %rem3A_270 : i32 to index
        %get3A_1219 = arith.index_cast %get3A_1217 : i32 to index
        %get3A_1220 = arith.index_cast %add3A_1147 : i32 to index
        %get3A_1221 = arith.constant 0 : index
        %get3A_1222 = tpu.vector_load %arg14[%get3A_1218, %get3A_1219, %get3A_1220, %get3A_1221] {strides = array<i32>} : memref<2x2x512x16xf32, #tpu.memory_space<vmem>>, vector<1x1x1x16xf32>,
        %get3A_1223 = vector.shape_cast %get3A_1222 : vector<1x1x1x16xf32> to vector<16xf32>
        %lt3A_1224 = arith.constant 0 : i32
        %lt3A_1225 = vector.broadcast %lt3A_1224 : i32 to vector<16xi32>
        %lt3A_1226 = arith.cmpi slt, %gather3A_1159, %lt3A_1225 : vector<16xi32>
        %add3A_1227 = arith.constant 16 : i32
        %add3A_1228 = vector.broadcast %add3A_1227 : i32 to vector<16xi32>
        %add3A_1229 = arith.addi %gather3A_1159, %add3A_1228 : vector<16xi32>
        %select_n3A_1230 = arith.select %lt3A_1226, %add3A_1229, %gather3A_1159 : vector<16xi1>, vector<16xi32>
        %broadcast_in_dim3A_1231 = vector.shape_cast %select_n3A_1230 : vector<16xi32> to vector<16x1xi32>
        %gather3A_1232 = vector.shape_cast %broadcast_in_dim3A_1231 : vector<16x1xi32> to vector<16xi32>
        %gather3A_1233 = tpu.dynamic_gather %get3A_1216[%gather3A_1232] in [0] : vector<16xf32>, vector<16xi32> -> vector<16xf32>
        %lt3A_1234 = arith.constant 0 : i32
        %lt3A_1235 = vector.broadcast %lt3A_1234 : i32 to vector<16xi32>
        %lt3A_1236 = arith.cmpi slt, %gather3A_1171, %lt3A_1235 : vector<16xi32>
        %add3A_1237 = arith.constant 16 : i32
        %add3A_1238 = vector.broadcast %add3A_1237 : i32 to vector<16xi32>
        %add3A_1239 = arith.addi %gather3A_1171, %add3A_1238 : vector<16xi32>
        %select_n3A_1240 = arith.select %lt3A_1236, %add3A_1239, %gather3A_1171 : vector<16xi1>, vector<16xi32>
        %broadcast_in_dim3A_1241 = vector.shape_cast %select_n3A_1240 : vector<16xi32> to vector<16x1xi32>
        %gather3A_1242 = vector.shape_cast %broadcast_in_dim3A_1241 : vector<16x1xi32> to vector<16xi32>
        %gather3A_1243 = tpu.dynamic_gather %get3A_1223[%gather3A_1242] in [0] : vector<16xf32>, vector<16xi32> -> vector<16xf32>
        %mul3A_1244 = arith.mulf %gather3A_1233, %gather3A_1243 : vector<16xf32>
        %add3A_1245 = arith.addf %add3A_1209, %mul3A_1244 : vector<16xf32>
        %eq3A_1246 = arith.constant 8 : i32
        %eq3A_1247 = vector.broadcast %eq3A_1246 : i32 to vector<16xi32>
        %eq3A_1248 = arith.cmpi eq, %iota3A, %eq3A_1247 : vector<16xi32>
        %add3A_1249 = arith.addf %select_n3A_1143, %add3A_1245 : vector<16xf32>
        %select_n3A_1250 = arith.select %eq3A_1248, %add3A_1249, %select_n3A_1143 : vector<16xi1>, vector<16xf32>
        %mul3A_1251 = arith.constant 16 : i32
        %mul3A_1252 = arith.muli %scan3A_279, %mul3A_1251 : i32
        %add3A_1253 = arith.constant 9 : i32
        %add3A_1254 = arith.addi %mul3A_1252, %add3A_1253 : i32
        %broadcast_in_dim3A_1255 = arith.constant 9 : i32
        %broadcast_in_dim3A_1256 = vector.broadcast %broadcast_in_dim3A_1255 : i32 to vector<16xi32>
        %lt3A_1257 = arith.constant 0 : i32
        %lt3A_1258 = vector.broadcast %lt3A_1257 : i32 to vector<16xi32>
        %lt3A_1259 = arith.cmpi slt, %broadcast_in_dim3A_1256, %lt3A_1258 : vector<16xi32>
        %add3A_1260 = arith.constant 16 : i32
        %add3A_1261 = vector.broadcast %add3A_1260 : i32 to vector<16xi32>
        %add3A_1262 = arith.addi %broadcast_in_dim3A_1256, %add3A_1261 : vector<16xi32>
        %select_n3A_1263 = arith.select %lt3A_1259, %add3A_1262, %broadcast_in_dim3A_1256 : vector<16xi1>, vector<16xi32>
        %broadcast_in_dim3A_1264 = vector.shape_cast %select_n3A_1263 : vector<16xi32> to vector<16x1xi32>
        %gather3A_1265 = vector.shape_cast %broadcast_in_dim3A_1264 : vector<16x1xi32> to vector<16xi32>
        %gather3A_1266 = tpu.dynamic_gather %get3A_284[%gather3A_1265] in [0] : vector<16xi32>, vector<16xi32> -> vector<16xi32>
        %broadcast_in_dim3A_1267 = arith.constant 9 : i32
        %broadcast_in_dim3A_1268 = vector.broadcast %broadcast_in_dim3A_1267 : i32 to vector<16xi32>
        %lt3A_1269 = arith.constant 0 : i32
        %lt3A_1270 = vector.broadcast %lt3A_1269 : i32 to vector<16xi32>
        %lt3A_1271 = arith.cmpi slt, %broadcast_in_dim3A_1268, %lt3A_1270 : vector<16xi32>
        %add3A_1272 = arith.constant 16 : i32
        %add3A_1273 = vector.broadcast %add3A_1272 : i32 to vector<16xi32>
        %add3A_1274 = arith.addi %broadcast_in_dim3A_1268, %add3A_1273 : vector<16xi32>
        %select_n3A_1275 = arith.select %lt3A_1271, %add3A_1274, %broadcast_in_dim3A_1268 : vector<16xi1>, vector<16xi32>
        %broadcast_in_dim3A_1276 = vector.shape_cast %select_n3A_1275 : vector<16xi32> to vector<16x1xi32>
        %gather3A_1277 = vector.shape_cast %broadcast_in_dim3A_1276 : vector<16x1xi32> to vector<16xi32>
        %gather3A_1278 = tpu.dynamic_gather %get3A_287[%gather3A_1277] in [0] : vector<16xi32>, vector<16xi32> -> vector<16xi32>
        %broadcast_in_dim3A_1279 = arith.constant 0.000000e+00 : f32
        %broadcast_in_dim3A_1280 = vector.broadcast %broadcast_in_dim3A_1279 : f32 to vector<16xf32>
        %get3A_1281 = arith.constant 0 : i32
        %get3A_1282 = arith.index_cast %rem3A_270 : i32 to index
        %get3A_1283 = arith.index_cast %get3A_1281 : i32 to index
        %get3A_1284 = arith.index_cast %add3A_1254 : i32 to index
        %get3A_1285 = arith.constant 0 : index
        %get3A_1286 = tpu.vector_load %arg13[%get3A_1282, %get3A_1283, %get3A_1284, %get3A_1285] {strides = array<i32>} : memref<2x2x512x16xf32, #tpu.memory_space<vmem>>, vector<1x1x1x16xf32>,
        %get3A_1287 = vector.shape_cast %get3A_1286 : vector<1x1x1x16xf32> to vector<16xf32>
        %get3A_1288 = arith.constant 0 : i32
        %get3A_1289 = arith.index_cast %rem3A_270 : i32 to index
        %get3A_1290 = arith.index_cast %get3A_1288 : i32 to index
        %get3A_1291 = arith.index_cast %add3A_1254 : i32 to index
        %get3A_1292 = arith.constant 0 : index
        %get3A_1293 = tpu.vector_load %arg14[%get3A_1289, %get3A_1290, %get3A_1291, %get3A_1292] {strides = array<i32>} : memref<2x2x512x16xf32, #tpu.memory_space<vmem>>, vector<1x1x1x16xf32>,
        %get3A_1294 = vector.shape_cast %get3A_1293 : vector<1x1x1x16xf32> to vector<16xf32>
        %lt3A_1295 = arith.constant 0 : i32
        %lt3A_1296 = vector.broadcast %lt3A_1295 : i32 to vector<16xi32>
        %lt3A_1297 = arith.cmpi slt, %gather3A_1266, %lt3A_1296 : vector<16xi32>
        %add3A_1298 = arith.constant 16 : i32
        %add3A_1299 = vector.broadcast %add3A_1298 : i32 to vector<16xi32>
        %add3A_1300 = arith.addi %gather3A_1266, %add3A_1299 : vector<16xi32>
        %select_n3A_1301 = arith.select %lt3A_1297, %add3A_1300, %gather3A_1266 : vector<16xi1>, vector<16xi32>
        %broadcast_in_dim3A_1302 = vector.shape_cast %select_n3A_1301 : vector<16xi32> to vector<16x1xi32>
        %gather3A_1303 = vector.shape_cast %broadcast_in_dim3A_1302 : vector<16x1xi32> to vector<16xi32>
        %gather3A_1304 = tpu.dynamic_gather %get3A_1287[%gather3A_1303] in [0] : vector<16xf32>, vector<16xi32> -> vector<16xf32>
        %lt3A_1305 = arith.constant 0 : i32
        %lt3A_1306 = vector.broadcast %lt3A_1305 : i32 to vector<16xi32>
        %lt3A_1307 = arith.cmpi slt, %gather3A_1278, %lt3A_1306 : vector<16xi32>
        %add3A_1308 = arith.constant 16 : i32
        %add3A_1309 = vector.broadcast %add3A_1308 : i32 to vector<16xi32>
        %add3A_1310 = arith.addi %gather3A_1278, %add3A_1309 : vector<16xi32>
        %select_n3A_1311 = arith.select %lt3A_1307, %add3A_1310, %gather3A_1278 : vector<16xi1>, vector<16xi32>
        %broadcast_in_dim3A_1312 = vector.shape_cast %select_n3A_1311 : vector<16xi32> to vector<16x1xi32>
        %gather3A_1313 = vector.shape_cast %broadcast_in_dim3A_1312 : vector<16x1xi32> to vector<16xi32>
        %gather3A_1314 = tpu.dynamic_gather %get3A_1294[%gather3A_1313] in [0] : vector<16xf32>, vector<16xi32> -> vector<16xf32>
        %mul3A_1315 = arith.mulf %gather3A_1304, %gather3A_1314 : vector<16xf32>
        %add3A_1316 = arith.addf %broadcast_in_dim3A_1280, %mul3A_1315 : vector<16xf32>
        %get3A_1317 = arith.constant 1 : i32
        %get3A_1318 = arith.index_cast %rem3A_270 : i32 to index
        %get3A_1319 = arith.index_cast %get3A_1317 : i32 to index
        %get3A_1320 = arith.index_cast %add3A_1254 : i32 to index
        %get3A_1321 = arith.constant 0 : index
        %get3A_1322 = tpu.vector_load %arg13[%get3A_1318, %get3A_1319, %get3A_1320, %get3A_1321] {strides = array<i32>} : memref<2x2x512x16xf32, #tpu.memory_space<vmem>>, vector<1x1x1x16xf32>,
        %get3A_1323 = vector.shape_cast %get3A_1322 : vector<1x1x1x16xf32> to vector<16xf32>
        %get3A_1324 = arith.constant 1 : i32
        %get3A_1325 = arith.index_cast %rem3A_270 : i32 to index
        %get3A_1326 = arith.index_cast %get3A_1324 : i32 to index
        %get3A_1327 = arith.index_cast %add3A_1254 : i32 to index
        %get3A_1328 = arith.constant 0 : index
        %get3A_1329 = tpu.vector_load %arg14[%get3A_1325, %get3A_1326, %get3A_1327, %get3A_1328] {strides = array<i32>} : memref<2x2x512x16xf32, #tpu.memory_space<vmem>>, vector<1x1x1x16xf32>,
        %get3A_1330 = vector.shape_cast %get3A_1329 : vector<1x1x1x16xf32> to vector<16xf32>
        %lt3A_1331 = arith.constant 0 : i32
        %lt3A_1332 = vector.broadcast %lt3A_1331 : i32 to vector<16xi32>
        %lt3A_1333 = arith.cmpi slt, %gather3A_1266, %lt3A_1332 : vector<16xi32>
        %add3A_1334 = arith.constant 16 : i32
        %add3A_1335 = vector.broadcast %add3A_1334 : i32 to vector<16xi32>
        %add3A_1336 = arith.addi %gather3A_1266, %add3A_1335 : vector<16xi32>
        %select_n3A_1337 = arith.select %lt3A_1333, %add3A_1336, %gather3A_1266 : vector<16xi1>, vector<16xi32>
        %broadcast_in_dim3A_1338 = vector.shape_cast %select_n3A_1337 : vector<16xi32> to vector<16x1xi32>
        %gather3A_1339 = vector.shape_cast %broadcast_in_dim3A_1338 : vector<16x1xi32> to vector<16xi32>
        %gather3A_1340 = tpu.dynamic_gather %get3A_1323[%gather3A_1339] in [0] : vector<16xf32>, vector<16xi32> -> vector<16xf32>
        %lt3A_1341 = arith.constant 0 : i32
        %lt3A_1342 = vector.broadcast %lt3A_1341 : i32 to vector<16xi32>
        %lt3A_1343 = arith.cmpi slt, %gather3A_1278, %lt3A_1342 : vector<16xi32>
        %add3A_1344 = arith.constant 16 : i32
        %add3A_1345 = vector.broadcast %add3A_1344 : i32 to vector<16xi32>
        %add3A_1346 = arith.addi %gather3A_1278, %add3A_1345 : vector<16xi32>
        %select_n3A_1347 = arith.select %lt3A_1343, %add3A_1346, %gather3A_1278 : vector<16xi1>, vector<16xi32>
        %broadcast_in_dim3A_1348 = vector.shape_cast %select_n3A_1347 : vector<16xi32> to vector<16x1xi32>
        %gather3A_1349 = vector.shape_cast %broadcast_in_dim3A_1348 : vector<16x1xi32> to vector<16xi32>
        %gather3A_1350 = tpu.dynamic_gather %get3A_1330[%gather3A_1349] in [0] : vector<16xf32>, vector<16xi32> -> vector<16xf32>
        %mul3A_1351 = arith.mulf %gather3A_1340, %gather3A_1350 : vector<16xf32>
        %add3A_1352 = arith.addf %add3A_1316, %mul3A_1351 : vector<16xf32>
        %eq3A_1353 = arith.constant 9 : i32
        %eq3A_1354 = vector.broadcast %eq3A_1353 : i32 to vector<16xi32>
        %eq3A_1355 = arith.cmpi eq, %iota3A, %eq3A_1354 : vector<16xi32>
        %add3A_1356 = arith.addf %select_n3A_1250, %add3A_1352 : vector<16xf32>
        %select_n3A_1357 = arith.select %eq3A_1355, %add3A_1356, %select_n3A_1250 : vector<16xi1>, vector<16xf32>
        %mul3A_1358 = arith.constant 16 : i32
        %mul3A_1359 = arith.muli %scan3A_279, %mul3A_1358 : i32
        %add3A_1360 = arith.constant 10 : i32
        %add3A_1361 = arith.addi %mul3A_1359, %add3A_1360 : i32
        %broadcast_in_dim3A_1362 = arith.constant 10 : i32
        %broadcast_in_dim3A_1363 = vector.broadcast %broadcast_in_dim3A_1362 : i32 to vector<16xi32>
        %lt3A_1364 = arith.constant 0 : i32
        %lt3A_1365 = vector.broadcast %lt3A_1364 : i32 to vector<16xi32>
        %lt3A_1366 = arith.cmpi slt, %broadcast_in_dim3A_1363, %lt3A_1365 : vector<16xi32>
        %add3A_1367 = arith.constant 16 : i32
        %add3A_1368 = vector.broadcast %add3A_1367 : i32 to vector<16xi32>
        %add3A_1369 = arith.addi %broadcast_in_dim3A_1363, %add3A_1368 : vector<16xi32>
        %select_n3A_1370 = arith.select %lt3A_1366, %add3A_1369, %broadcast_in_dim3A_1363 : vector<16xi1>, vector<16xi32>
        %broadcast_in_dim3A_1371 = vector.shape_cast %select_n3A_1370 : vector<16xi32> to vector<16x1xi32>
        %gather3A_1372 = vector.shape_cast %broadcast_in_dim3A_1371 : vector<16x1xi32> to vector<16xi32>
        %gather3A_1373 = tpu.dynamic_gather %get3A_284[%gather3A_1372] in [0] : vector<16xi32>, vector<16xi32> -> vector<16xi32>
        %broadcast_in_dim3A_1374 = arith.constant 10 : i32
        %broadcast_in_dim3A_1375 = vector.broadcast %broadcast_in_dim3A_1374 : i32 to vector<16xi32>
        %lt3A_1376 = arith.constant 0 : i32
        %lt3A_1377 = vector.broadcast %lt3A_1376 : i32 to vector<16xi32>
        %lt3A_1378 = arith.cmpi slt, %broadcast_in_dim3A_1375, %lt3A_1377 : vector<16xi32>
        %add3A_1379 = arith.constant 16 : i32
        %add3A_1380 = vector.broadcast %add3A_1379 : i32 to vector<16xi32>
        %add3A_1381 = arith.addi %broadcast_in_dim3A_1375, %add3A_1380 : vector<16xi32>
        %select_n3A_1382 = arith.select %lt3A_1378, %add3A_1381, %broadcast_in_dim3A_1375 : vector<16xi1>, vector<16xi32>
        %broadcast_in_dim3A_1383 = vector.shape_cast %select_n3A_1382 : vector<16xi32> to vector<16x1xi32>
        %gather3A_1384 = vector.shape_cast %broadcast_in_dim3A_1383 : vector<16x1xi32> to vector<16xi32>
        %gather3A_1385 = tpu.dynamic_gather %get3A_287[%gather3A_1384] in [0] : vector<16xi32>, vector<16xi32> -> vector<16xi32>
        %broadcast_in_dim3A_1386 = arith.constant 0.000000e+00 : f32
        %broadcast_in_dim3A_1387 = vector.broadcast %broadcast_in_dim3A_1386 : f32 to vector<16xf32>
        %get3A_1388 = arith.constant 0 : i32
        %get3A_1389 = arith.index_cast %rem3A_270 : i32 to index
        %get3A_1390 = arith.index_cast %get3A_1388 : i32 to index
        %get3A_1391 = arith.index_cast %add3A_1361 : i32 to index
        %get3A_1392 = arith.constant 0 : index
        %get3A_1393 = tpu.vector_load %arg13[%get3A_1389, %get3A_1390, %get3A_1391, %get3A_1392] {strides = array<i32>} : memref<2x2x512x16xf32, #tpu.memory_space<vmem>>, vector<1x1x1x16xf32>,
        %get3A_1394 = vector.shape_cast %get3A_1393 : vector<1x1x1x16xf32> to vector<16xf32>
        %get3A_1395 = arith.constant 0 : i32
        %get3A_1396 = arith.index_cast %rem3A_270 : i32 to index
        %get3A_1397 = arith.index_cast %get3A_1395 : i32 to index
        %get3A_1398 = arith.index_cast %add3A_1361 : i32 to index
        %get3A_1399 = arith.constant 0 : index
        %get3A_1400 = tpu.vector_load %arg14[%get3A_1396, %get3A_1397, %get3A_1398, %get3A_1399] {strides = array<i32>} : memref<2x2x512x16xf32, #tpu.memory_space<vmem>>, vector<1x1x1x16xf32>,
        %get3A_1401 = vector.shape_cast %get3A_1400 : vector<1x1x1x16xf32> to vector<16xf32>
        %lt3A_1402 = arith.constant 0 : i32
        %lt3A_1403 = vector.broadcast %lt3A_1402 : i32 to vector<16xi32>
        %lt3A_1404 = arith.cmpi slt, %gather3A_1373, %lt3A_1403 : vector<16xi32>
        %add3A_1405 = arith.constant 16 : i32
        %add3A_1406 = vector.broadcast %add3A_1405 : i32 to vector<16xi32>
        %add3A_1407 = arith.addi %gather3A_1373, %add3A_1406 : vector<16xi32>
        %select_n3A_1408 = arith.select %lt3A_1404, %add3A_1407, %gather3A_1373 : vector<16xi1>, vector<16xi32>
        %broadcast_in_dim3A_1409 = vector.shape_cast %select_n3A_1408 : vector<16xi32> to vector<16x1xi32>
        %gather3A_1410 = vector.shape_cast %broadcast_in_dim3A_1409 : vector<16x1xi32> to vector<16xi32>
        %gather3A_1411 = tpu.dynamic_gather %get3A_1394[%gather3A_1410] in [0] : vector<16xf32>, vector<16xi32> -> vector<16xf32>
        %lt3A_1412 = arith.constant 0 : i32
        %lt3A_1413 = vector.broadcast %lt3A_1412 : i32 to vector<16xi32>
        %lt3A_1414 = arith.cmpi slt, %gather3A_1385, %lt3A_1413 : vector<16xi32>
        %add3A_1415 = arith.constant 16 : i32
        %add3A_1416 = vector.broadcast %add3A_1415 : i32 to vector<16xi32>
        %add3A_1417 = arith.addi %gather3A_1385, %add3A_1416 : vector<16xi32>
        %select_n3A_1418 = arith.select %lt3A_1414, %add3A_1417, %gather3A_1385 : vector<16xi1>, vector<16xi32>
        %broadcast_in_dim3A_1419 = vector.shape_cast %select_n3A_1418 : vector<16xi32> to vector<16x1xi32>
        %gather3A_1420 = vector.shape_cast %broadcast_in_dim3A_1419 : vector<16x1xi32> to vector<16xi32>
        %gather3A_1421 = tpu.dynamic_gather %get3A_1401[%gather3A_1420] in [0] : vector<16xf32>, vector<16xi32> -> vector<16xf32>
        %mul3A_1422 = arith.mulf %gather3A_1411, %gather3A_1421 : vector<16xf32>
        %add3A_1423 = arith.addf %broadcast_in_dim3A_1387, %mul3A_1422 : vector<16xf32>
        %get3A_1424 = arith.constant 1 : i32
        %get3A_1425 = arith.index_cast %rem3A_270 : i32 to index
        %get3A_1426 = arith.index_cast %get3A_1424 : i32 to index
        %get3A_1427 = arith.index_cast %add3A_1361 : i32 to index
        %get3A_1428 = arith.constant 0 : index
        %get3A_1429 = tpu.vector_load %arg13[%get3A_1425, %get3A_1426, %get3A_1427, %get3A_1428] {strides = array<i32>} : memref<2x2x512x16xf32, #tpu.memory_space<vmem>>, vector<1x1x1x16xf32>,
        %get3A_1430 = vector.shape_cast %get3A_1429 : vector<1x1x1x16xf32> to vector<16xf32>
        %get3A_1431 = arith.constant 1 : i32
        %get3A_1432 = arith.index_cast %rem3A_270 : i32 to index
        %get3A_1433 = arith.index_cast %get3A_1431 : i32 to index
        %get3A_1434 = arith.index_cast %add3A_1361 : i32 to index
        %get3A_1435 = arith.constant 0 : index
        %get3A_1436 = tpu.vector_load %arg14[%get3A_1432, %get3A_1433, %get3A_1434, %get3A_1435] {strides = array<i32>} : memref<2x2x512x16xf32, #tpu.memory_space<vmem>>, vector<1x1x1x16xf32>,
        %get3A_1437 = vector.shape_cast %get3A_1436 : vector<1x1x1x16xf32> to vector<16xf32>
        %lt3A_1438 = arith.constant 0 : i32
        %lt3A_1439 = vector.broadcast %lt3A_1438 : i32 to vector<16xi32>
        %lt3A_1440 = arith.cmpi slt, %gather3A_1373, %lt3A_1439 : vector<16xi32>
        %add3A_1441 = arith.constant 16 : i32
        %add3A_1442 = vector.broadcast %add3A_1441 : i32 to vector<16xi32>
        %add3A_1443 = arith.addi %gather3A_1373, %add3A_1442 : vector<16xi32>
        %select_n3A_1444 = arith.select %lt3A_1440, %add3A_1443, %gather3A_1373 : vector<16xi1>, vector<16xi32>
        %broadcast_in_dim3A_1445 = vector.shape_cast %select_n3A_1444 : vector<16xi32> to vector<16x1xi32>
        %gather3A_1446 = vector.shape_cast %broadcast_in_dim3A_1445 : vector<16x1xi32> to vector<16xi32>
        %gather3A_1447 = tpu.dynamic_gather %get3A_1430[%gather3A_1446] in [0] : vector<16xf32>, vector<16xi32> -> vector<16xf32>
        %lt3A_1448 = arith.constant 0 : i32
        %lt3A_1449 = vector.broadcast %lt3A_1448 : i32 to vector<16xi32>
        %lt3A_1450 = arith.cmpi slt, %gather3A_1385, %lt3A_1449 : vector<16xi32>
        %add3A_1451 = arith.constant 16 : i32
        %add3A_1452 = vector.broadcast %add3A_1451 : i32 to vector<16xi32>
        %add3A_1453 = arith.addi %gather3A_1385, %add3A_1452 : vector<16xi32>
        %select_n3A_1454 = arith.select %lt3A_1450, %add3A_1453, %gather3A_1385 : vector<16xi1>, vector<16xi32>
        %broadcast_in_dim3A_1455 = vector.shape_cast %select_n3A_1454 : vector<16xi32> to vector<16x1xi32>
        %gather3A_1456 = vector.shape_cast %broadcast_in_dim3A_1455 : vector<16x1xi32> to vector<16xi32>
        %gather3A_1457 = tpu.dynamic_gather %get3A_1437[%gather3A_1456] in [0] : vector<16xf32>, vector<16xi32> -> vector<16xf32>
        %mul3A_1458 = arith.mulf %gather3A_1447, %gather3A_1457 : vector<16xf32>
        %add3A_1459 = arith.addf %add3A_1423, %mul3A_1458 : vector<16xf32>
        %eq3A_1460 = arith.constant 10 : i32
        %eq3A_1461 = vector.broadcast %eq3A_1460 : i32 to vector<16xi32>
        %eq3A_1462 = arith.cmpi eq, %iota3A, %eq3A_1461 : vector<16xi32>
        %add3A_1463 = arith.addf %select_n3A_1357, %add3A_1459 : vector<16xf32>
        %select_n3A_1464 = arith.select %eq3A_1462, %add3A_1463, %select_n3A_1357 : vector<16xi1>, vector<16xf32>
        %mul3A_1465 = arith.constant 16 : i32
        %mul3A_1466 = arith.muli %scan3A_279, %mul3A_1465 : i32
        %add3A_1467 = arith.constant 11 : i32
        %add3A_1468 = arith.addi %mul3A_1466, %add3A_1467 : i32
        %broadcast_in_dim3A_1469 = arith.constant 11 : i32
        %broadcast_in_dim3A_1470 = vector.broadcast %broadcast_in_dim3A_1469 : i32 to vector<16xi32>
        %lt3A_1471 = arith.constant 0 : i32
        %lt3A_1472 = vector.broadcast %lt3A_1471 : i32 to vector<16xi32>
        %lt3A_1473 = arith.cmpi slt, %broadcast_in_dim3A_1470, %lt3A_1472 : vector<16xi32>
        %add3A_1474 = arith.constant 16 : i32
        %add3A_1475 = vector.broadcast %add3A_1474 : i32 to vector<16xi32>
        %add3A_1476 = arith.addi %broadcast_in_dim3A_1470, %add3A_1475 : vector<16xi32>
        %select_n3A_1477 = arith.select %lt3A_1473, %add3A_1476, %broadcast_in_dim3A_1470 : vector<16xi1>, vector<16xi32>
        %broadcast_in_dim3A_1478 = vector.shape_cast %select_n3A_1477 : vector<16xi32> to vector<16x1xi32>
        %gather3A_1479 = vector.shape_cast %broadcast_in_dim3A_1478 : vector<16x1xi32> to vector<16xi32>
        %gather3A_1480 = tpu.dynamic_gather %get3A_284[%gather3A_1479] in [0] : vector<16xi32>, vector<16xi32> -> vector<16xi32>
        %broadcast_in_dim3A_1481 = arith.constant 11 : i32
        %broadcast_in_dim3A_1482 = vector.broadcast %broadcast_in_dim3A_1481 : i32 to vector<16xi32>
        %lt3A_1483 = arith.constant 0 : i32
        %lt3A_1484 = vector.broadcast %lt3A_1483 : i32 to vector<16xi32>
        %lt3A_1485 = arith.cmpi slt, %broadcast_in_dim3A_1482, %lt3A_1484 : vector<16xi32>
        %add3A_1486 = arith.constant 16 : i32
        %add3A_1487 = vector.broadcast %add3A_1486 : i32 to vector<16xi32>
        %add3A_1488 = arith.addi %broadcast_in_dim3A_1482, %add3A_1487 : vector<16xi32>
        %select_n3A_1489 = arith.select %lt3A_1485, %add3A_1488, %broadcast_in_dim3A_1482 : vector<16xi1>, vector<16xi32>
        %broadcast_in_dim3A_1490 = vector.shape_cast %select_n3A_1489 : vector<16xi32> to vector<16x1xi32>
        %gather3A_1491 = vector.shape_cast %broadcast_in_dim3A_1490 : vector<16x1xi32> to vector<16xi32>
        %gather3A_1492 = tpu.dynamic_gather %get3A_287[%gather3A_1491] in [0] : vector<16xi32>, vector<16xi32> -> vector<16xi32>
        %broadcast_in_dim3A_1493 = arith.constant 0.000000e+00 : f32
        %broadcast_in_dim3A_1494 = vector.broadcast %broadcast_in_dim3A_1493 : f32 to vector<16xf32>
        %get3A_1495 = arith.constant 0 : i32
        %get3A_1496 = arith.index_cast %rem3A_270 : i32 to index
        %get3A_1497 = arith.index_cast %get3A_1495 : i32 to index
        %get3A_1498 = arith.index_cast %add3A_1468 : i32 to index
        %get3A_1499 = arith.constant 0 : index
        %get3A_1500 = tpu.vector_load %arg13[%get3A_1496, %get3A_1497, %get3A_1498, %get3A_1499] {strides = array<i32>} : memref<2x2x512x16xf32, #tpu.memory_space<vmem>>, vector<1x1x1x16xf32>,
        %get3A_1501 = vector.shape_cast %get3A_1500 : vector<1x1x1x16xf32> to vector<16xf32>
        %get3A_1502 = arith.constant 0 : i32
        %get3A_1503 = arith.index_cast %rem3A_270 : i32 to index
        %get3A_1504 = arith.index_cast %get3A_1502 : i32 to index
        %get3A_1505 = arith.index_cast %add3A_1468 : i32 to index
        %get3A_1506 = arith.constant 0 : index
        %get3A_1507 = tpu.vector_load %arg14[%get3A_1503, %get3A_1504, %get3A_1505, %get3A_1506] {strides = array<i32>} : memref<2x2x512x16xf32, #tpu.memory_space<vmem>>, vector<1x1x1x16xf32>,
        %get3A_1508 = vector.shape_cast %get3A_1507 : vector<1x1x1x16xf32> to vector<16xf32>
        %lt3A_1509 = arith.constant 0 : i32
        %lt3A_1510 = vector.broadcast %lt3A_1509 : i32 to vector<16xi32>
        %lt3A_1511 = arith.cmpi slt, %gather3A_1480, %lt3A_1510 : vector<16xi32>
        %add3A_1512 = arith.constant 16 : i32
        %add3A_1513 = vector.broadcast %add3A_1512 : i32 to vector<16xi32>
        %add3A_1514 = arith.addi %gather3A_1480, %add3A_1513 : vector<16xi32>
        %select_n3A_1515 = arith.select %lt3A_1511, %add3A_1514, %gather3A_1480 : vector<16xi1>, vector<16xi32>
        %broadcast_in_dim3A_1516 = vector.shape_cast %select_n3A_1515 : vector<16xi32> to vector<16x1xi32>
        %gather3A_1517 = vector.shape_cast %broadcast_in_dim3A_1516 : vector<16x1xi32> to vector<16xi32>
        %gather3A_1518 = tpu.dynamic_gather %get3A_1501[%gather3A_1517] in [0] : vector<16xf32>, vector<16xi32> -> vector<16xf32>
        %lt3A_1519 = arith.constant 0 : i32
        %lt3A_1520 = vector.broadcast %lt3A_1519 : i32 to vector<16xi32>
        %lt3A_1521 = arith.cmpi slt, %gather3A_1492, %lt3A_1520 : vector<16xi32>
        %add3A_1522 = arith.constant 16 : i32
        %add3A_1523 = vector.broadcast %add3A_1522 : i32 to vector<16xi32>
        %add3A_1524 = arith.addi %gather3A_1492, %add3A_1523 : vector<16xi32>
        %select_n3A_1525 = arith.select %lt3A_1521, %add3A_1524, %gather3A_1492 : vector<16xi1>, vector<16xi32>
        %broadcast_in_dim3A_1526 = vector.shape_cast %select_n3A_1525 : vector<16xi32> to vector<16x1xi32>
        %gather3A_1527 = vector.shape_cast %broadcast_in_dim3A_1526 : vector<16x1xi32> to vector<16xi32>
        %gather3A_1528 = tpu.dynamic_gather %get3A_1508[%gather3A_1527] in [0] : vector<16xf32>, vector<16xi32> -> vector<16xf32>
        %mul3A_1529 = arith.mulf %gather3A_1518, %gather3A_1528 : vector<16xf32>
        %add3A_1530 = arith.addf %broadcast_in_dim3A_1494, %mul3A_1529 : vector<16xf32>
        %get3A_1531 = arith.constant 1 : i32
        %get3A_1532 = arith.index_cast %rem3A_270 : i32 to index
        %get3A_1533 = arith.index_cast %get3A_1531 : i32 to index
        %get3A_1534 = arith.index_cast %add3A_1468 : i32 to index
        %get3A_1535 = arith.constant 0 : index
        %get3A_1536 = tpu.vector_load %arg13[%get3A_1532, %get3A_1533, %get3A_1534, %get3A_1535] {strides = array<i32>} : memref<2x2x512x16xf32, #tpu.memory_space<vmem>>, vector<1x1x1x16xf32>,
        %get3A_1537 = vector.shape_cast %get3A_1536 : vector<1x1x1x16xf32> to vector<16xf32>
        %get3A_1538 = arith.constant 1 : i32
        %get3A_1539 = arith.index_cast %rem3A_270 : i32 to index
        %get3A_1540 = arith.index_cast %get3A_1538 : i32 to index
        %get3A_1541 = arith.index_cast %add3A_1468 : i32 to index
        %get3A_1542 = arith.constant 0 : index
        %get3A_1543 = tpu.vector_load %arg14[%get3A_1539, %get3A_1540, %get3A_1541, %get3A_1542] {strides = array<i32>} : memref<2x2x512x16xf32, #tpu.memory_space<vmem>>, vector<1x1x1x16xf32>,
        %get3A_1544 = vector.shape_cast %get3A_1543 : vector<1x1x1x16xf32> to vector<16xf32>
        %lt3A_1545 = arith.constant 0 : i32
        %lt3A_1546 = vector.broadcast %lt3A_1545 : i32 to vector<16xi32>
        %lt3A_1547 = arith.cmpi slt, %gather3A_1480, %lt3A_1546 : vector<16xi32>
        %add3A_1548 = arith.constant 16 : i32
        %add3A_1549 = vector.broadcast %add3A_1548 : i32 to vector<16xi32>
        %add3A_1550 = arith.addi %gather3A_1480, %add3A_1549 : vector<16xi32>
        %select_n3A_1551 = arith.select %lt3A_1547, %add3A_1550, %gather3A_1480 : vector<16xi1>, vector<16xi32>
        %broadcast_in_dim3A_1552 = vector.shape_cast %select_n3A_1551 : vector<16xi32> to vector<16x1xi32>
        %gather3A_1553 = vector.shape_cast %broadcast_in_dim3A_1552 : vector<16x1xi32> to vector<16xi32>
        %gather3A_1554 = tpu.dynamic_gather %get3A_1537[%gather3A_1553] in [0] : vector<16xf32>, vector<16xi32> -> vector<16xf32>
        %lt3A_1555 = arith.constant 0 : i32
        %lt3A_1556 = vector.broadcast %lt3A_1555 : i32 to vector<16xi32>
        %lt3A_1557 = arith.cmpi slt, %gather3A_1492, %lt3A_1556 : vector<16xi32>
        %add3A_1558 = arith.constant 16 : i32
        %add3A_1559 = vector.broadcast %add3A_1558 : i32 to vector<16xi32>
        %add3A_1560 = arith.addi %gather3A_1492, %add3A_1559 : vector<16xi32>
        %select_n3A_1561 = arith.select %lt3A_1557, %add3A_1560, %gather3A_1492 : vector<16xi1>, vector<16xi32>
        %broadcast_in_dim3A_1562 = vector.shape_cast %select_n3A_1561 : vector<16xi32> to vector<16x1xi32>
        %gather3A_1563 = vector.shape_cast %broadcast_in_dim3A_1562 : vector<16x1xi32> to vector<16xi32>
        %gather3A_1564 = tpu.dynamic_gather %get3A_1544[%gather3A_1563] in [0] : vector<16xf32>, vector<16xi32> -> vector<16xf32>
        %mul3A_1565 = arith.mulf %gather3A_1554, %gather3A_1564 : vector<16xf32>
        %add3A_1566 = arith.addf %add3A_1530, %mul3A_1565 : vector<16xf32>
        %eq3A_1567 = arith.constant 11 : i32
        %eq3A_1568 = vector.broadcast %eq3A_1567 : i32 to vector<16xi32>
        %eq3A_1569 = arith.cmpi eq, %iota3A, %eq3A_1568 : vector<16xi32>
        %add3A_1570 = arith.addf %select_n3A_1464, %add3A_1566 : vector<16xf32>
        %select_n3A_1571 = arith.select %eq3A_1569, %add3A_1570, %select_n3A_1464 : vector<16xi1>, vector<16xf32>
        %mul3A_1572 = arith.constant 16 : i32
        %mul3A_1573 = arith.muli %scan3A_279, %mul3A_1572 : i32
        %add3A_1574 = arith.constant 12 : i32
        %add3A_1575 = arith.addi %mul3A_1573, %add3A_1574 : i32
        %broadcast_in_dim3A_1576 = arith.constant 12 : i32
        %broadcast_in_dim3A_1577 = vector.broadcast %broadcast_in_dim3A_1576 : i32 to vector<16xi32>
        %lt3A_1578 = arith.constant 0 : i32
        %lt3A_1579 = vector.broadcast %lt3A_1578 : i32 to vector<16xi32>
        %lt3A_1580 = arith.cmpi slt, %broadcast_in_dim3A_1577, %lt3A_1579 : vector<16xi32>
        %add3A_1581 = arith.constant 16 : i32
        %add3A_1582 = vector.broadcast %add3A_1581 : i32 to vector<16xi32>
        %add3A_1583 = arith.addi %broadcast_in_dim3A_1577, %add3A_1582 : vector<16xi32>
        %select_n3A_1584 = arith.select %lt3A_1580, %add3A_1583, %broadcast_in_dim3A_1577 : vector<16xi1>, vector<16xi32>
        %broadcast_in_dim3A_1585 = vector.shape_cast %select_n3A_1584 : vector<16xi32> to vector<16x1xi32>
        %gather3A_1586 = vector.shape_cast %broadcast_in_dim3A_1585 : vector<16x1xi32> to vector<16xi32>
        %gather3A_1587 = tpu.dynamic_gather %get3A_284[%gather3A_1586] in [0] : vector<16xi32>, vector<16xi32> -> vector<16xi32>
        %broadcast_in_dim3A_1588 = arith.constant 12 : i32
        %broadcast_in_dim3A_1589 = vector.broadcast %broadcast_in_dim3A_1588 : i32 to vector<16xi32>
        %lt3A_1590 = arith.constant 0 : i32
        %lt3A_1591 = vector.broadcast %lt3A_1590 : i32 to vector<16xi32>
        %lt3A_1592 = arith.cmpi slt, %broadcast_in_dim3A_1589, %lt3A_1591 : vector<16xi32>
        %add3A_1593 = arith.constant 16 : i32
        %add3A_1594 = vector.broadcast %add3A_1593 : i32 to vector<16xi32>
        %add3A_1595 = arith.addi %broadcast_in_dim3A_1589, %add3A_1594 : vector<16xi32>
        %select_n3A_1596 = arith.select %lt3A_1592, %add3A_1595, %broadcast_in_dim3A_1589 : vector<16xi1>, vector<16xi32>
        %broadcast_in_dim3A_1597 = vector.shape_cast %select_n3A_1596 : vector<16xi32> to vector<16x1xi32>
        %gather3A_1598 = vector.shape_cast %broadcast_in_dim3A_1597 : vector<16x1xi32> to vector<16xi32>
        %gather3A_1599 = tpu.dynamic_gather %get3A_287[%gather3A_1598] in [0] : vector<16xi32>, vector<16xi32> -> vector<16xi32>
        %broadcast_in_dim3A_1600 = arith.constant 0.000000e+00 : f32
        %broadcast_in_dim3A_1601 = vector.broadcast %broadcast_in_dim3A_1600 : f32 to vector<16xf32>
        %get3A_1602 = arith.constant 0 : i32
        %get3A_1603 = arith.index_cast %rem3A_270 : i32 to index
        %get3A_1604 = arith.index_cast %get3A_1602 : i32 to index
        %get3A_1605 = arith.index_cast %add3A_1575 : i32 to index
        %get3A_1606 = arith.constant 0 : index
        %get3A_1607 = tpu.vector_load %arg13[%get3A_1603, %get3A_1604, %get3A_1605, %get3A_1606] {strides = array<i32>} : memref<2x2x512x16xf32, #tpu.memory_space<vmem>>, vector<1x1x1x16xf32>,
        %get3A_1608 = vector.shape_cast %get3A_1607 : vector<1x1x1x16xf32> to vector<16xf32>
        %get3A_1609 = arith.constant 0 : i32
        %get3A_1610 = arith.index_cast %rem3A_270 : i32 to index
        %get3A_1611 = arith.index_cast %get3A_1609 : i32 to index
        %get3A_1612 = arith.index_cast %add3A_1575 : i32 to index
        %get3A_1613 = arith.constant 0 : index
        %get3A_1614 = tpu.vector_load %arg14[%get3A_1610, %get3A_1611, %get3A_1612, %get3A_1613] {strides = array<i32>} : memref<2x2x512x16xf32, #tpu.memory_space<vmem>>, vector<1x1x1x16xf32>,
        %get3A_1615 = vector.shape_cast %get3A_1614 : vector<1x1x1x16xf32> to vector<16xf32>
        %lt3A_1616 = arith.constant 0 : i32
        %lt3A_1617 = vector.broadcast %lt3A_1616 : i32 to vector<16xi32>
        %lt3A_1618 = arith.cmpi slt, %gather3A_1587, %lt3A_1617 : vector<16xi32>
        %add3A_1619 = arith.constant 16 : i32
        %add3A_1620 = vector.broadcast %add3A_1619 : i32 to vector<16xi32>
        %add3A_1621 = arith.addi %gather3A_1587, %add3A_1620 : vector<16xi32>
        %select_n3A_1622 = arith.select %lt3A_1618, %add3A_1621, %gather3A_1587 : vector<16xi1>, vector<16xi32>
        %broadcast_in_dim3A_1623 = vector.shape_cast %select_n3A_1622 : vector<16xi32> to vector<16x1xi32>
        %gather3A_1624 = vector.shape_cast %broadcast_in_dim3A_1623 : vector<16x1xi32> to vector<16xi32>
        %gather3A_1625 = tpu.dynamic_gather %get3A_1608[%gather3A_1624] in [0] : vector<16xf32>, vector<16xi32> -> vector<16xf32>
        %lt3A_1626 = arith.constant 0 : i32
        %lt3A_1627 = vector.broadcast %lt3A_1626 : i32 to vector<16xi32>
        %lt3A_1628 = arith.cmpi slt, %gather3A_1599, %lt3A_1627 : vector<16xi32>
        %add3A_1629 = arith.constant 16 : i32
        %add3A_1630 = vector.broadcast %add3A_1629 : i32 to vector<16xi32>
        %add3A_1631 = arith.addi %gather3A_1599, %add3A_1630 : vector<16xi32>
        %select_n3A_1632 = arith.select %lt3A_1628, %add3A_1631, %gather3A_1599 : vector<16xi1>, vector<16xi32>
        %broadcast_in_dim3A_1633 = vector.shape_cast %select_n3A_1632 : vector<16xi32> to vector<16x1xi32>
        %gather3A_1634 = vector.shape_cast %broadcast_in_dim3A_1633 : vector<16x1xi32> to vector<16xi32>
        %gather3A_1635 = tpu.dynamic_gather %get3A_1615[%gather3A_1634] in [0] : vector<16xf32>, vector<16xi32> -> vector<16xf32>
        %mul3A_1636 = arith.mulf %gather3A_1625, %gather3A_1635 : vector<16xf32>
        %add3A_1637 = arith.addf %broadcast_in_dim3A_1601, %mul3A_1636 : vector<16xf32>
        %get3A_1638 = arith.constant 1 : i32
        %get3A_1639 = arith.index_cast %rem3A_270 : i32 to index
        %get3A_1640 = arith.index_cast %get3A_1638 : i32 to index
        %get3A_1641 = arith.index_cast %add3A_1575 : i32 to index
        %get3A_1642 = arith.constant 0 : index
        %get3A_1643 = tpu.vector_load %arg13[%get3A_1639, %get3A_1640, %get3A_1641, %get3A_1642] {strides = array<i32>} : memref<2x2x512x16xf32, #tpu.memory_space<vmem>>, vector<1x1x1x16xf32>,
        %get3A_1644 = vector.shape_cast %get3A_1643 : vector<1x1x1x16xf32> to vector<16xf32>
        %get3A_1645 = arith.constant 1 : i32
        %get3A_1646 = arith.index_cast %rem3A_270 : i32 to index
        %get3A_1647 = arith.index_cast %get3A_1645 : i32 to index
        %get3A_1648 = arith.index_cast %add3A_1575 : i32 to index
        %get3A_1649 = arith.constant 0 : index
        %get3A_1650 = tpu.vector_load %arg14[%get3A_1646, %get3A_1647, %get3A_1648, %get3A_1649] {strides = array<i32>} : memref<2x2x512x16xf32, #tpu.memory_space<vmem>>, vector<1x1x1x16xf32>,
        %get3A_1651 = vector.shape_cast %get3A_1650 : vector<1x1x1x16xf32> to vector<16xf32>
        %lt3A_1652 = arith.constant 0 : i32
        %lt3A_1653 = vector.broadcast %lt3A_1652 : i32 to vector<16xi32>
        %lt3A_1654 = arith.cmpi slt, %gather3A_1587, %lt3A_1653 : vector<16xi32>
        %add3A_1655 = arith.constant 16 : i32
        %add3A_1656 = vector.broadcast %add3A_1655 : i32 to vector<16xi32>
        %add3A_1657 = arith.addi %gather3A_1587, %add3A_1656 : vector<16xi32>
        %select_n3A_1658 = arith.select %lt3A_1654, %add3A_1657, %gather3A_1587 : vector<16xi1>, vector<16xi32>
        %broadcast_in_dim3A_1659 = vector.shape_cast %select_n3A_1658 : vector<16xi32> to vector<16x1xi32>
        %gather3A_1660 = vector.shape_cast %broadcast_in_dim3A_1659 : vector<16x1xi32> to vector<16xi32>
        %gather3A_1661 = tpu.dynamic_gather %get3A_1644[%gather3A_1660] in [0] : vector<16xf32>, vector<16xi32> -> vector<16xf32>
        %lt3A_1662 = arith.constant 0 : i32
        %lt3A_1663 = vector.broadcast %lt3A_1662 : i32 to vector<16xi32>
        %lt3A_1664 = arith.cmpi slt, %gather3A_1599, %lt3A_1663 : vector<16xi32>
        %add3A_1665 = arith.constant 16 : i32
        %add3A_1666 = vector.broadcast %add3A_1665 : i32 to vector<16xi32>
        %add3A_1667 = arith.addi %gather3A_1599, %add3A_1666 : vector<16xi32>
        %select_n3A_1668 = arith.select %lt3A_1664, %add3A_1667, %gather3A_1599 : vector<16xi1>, vector<16xi32>
        %broadcast_in_dim3A_1669 = vector.shape_cast %select_n3A_1668 : vector<16xi32> to vector<16x1xi32>
        %gather3A_1670 = vector.shape_cast %broadcast_in_dim3A_1669 : vector<16x1xi32> to vector<16xi32>
        %gather3A_1671 = tpu.dynamic_gather %get3A_1651[%gather3A_1670] in [0] : vector<16xf32>, vector<16xi32> -> vector<16xf32>
        %mul3A_1672 = arith.mulf %gather3A_1661, %gather3A_1671 : vector<16xf32>
        %add3A_1673 = arith.addf %add3A_1637, %mul3A_1672 : vector<16xf32>
        %eq3A_1674 = arith.constant 12 : i32
        %eq3A_1675 = vector.broadcast %eq3A_1674 : i32 to vector<16xi32>
        %eq3A_1676 = arith.cmpi eq, %iota3A, %eq3A_1675 : vector<16xi32>
        %add3A_1677 = arith.addf %select_n3A_1571, %add3A_1673 : vector<16xf32>
        %select_n3A_1678 = arith.select %eq3A_1676, %add3A_1677, %select_n3A_1571 : vector<16xi1>, vector<16xf32>
        %mul3A_1679 = arith.constant 16 : i32
        %mul3A_1680 = arith.muli %scan3A_279, %mul3A_1679 : i32
        %add3A_1681 = arith.constant 13 : i32
        %add3A_1682 = arith.addi %mul3A_1680, %add3A_1681 : i32
        %broadcast_in_dim3A_1683 = arith.constant 13 : i32
        %broadcast_in_dim3A_1684 = vector.broadcast %broadcast_in_dim3A_1683 : i32 to vector<16xi32>
        %lt3A_1685 = arith.constant 0 : i32
        %lt3A_1686 = vector.broadcast %lt3A_1685 : i32 to vector<16xi32>
        %lt3A_1687 = arith.cmpi slt, %broadcast_in_dim3A_1684, %lt3A_1686 : vector<16xi32>
        %add3A_1688 = arith.constant 16 : i32
        %add3A_1689 = vector.broadcast %add3A_1688 : i32 to vector<16xi32>
        %add3A_1690 = arith.addi %broadcast_in_dim3A_1684, %add3A_1689 : vector<16xi32>
        %select_n3A_1691 = arith.select %lt3A_1687, %add3A_1690, %broadcast_in_dim3A_1684 : vector<16xi1>, vector<16xi32>
        %broadcast_in_dim3A_1692 = vector.shape_cast %select_n3A_1691 : vector<16xi32> to vector<16x1xi32>
        %gather3A_1693 = vector.shape_cast %broadcast_in_dim3A_1692 : vector<16x1xi32> to vector<16xi32>
        %gather3A_1694 = tpu.dynamic_gather %get3A_284[%gather3A_1693] in [0] : vector<16xi32>, vector<16xi32> -> vector<16xi32>
        %broadcast_in_dim3A_1695 = arith.constant 13 : i32
        %broadcast_in_dim3A_1696 = vector.broadcast %broadcast_in_dim3A_1695 : i32 to vector<16xi32>
        %lt3A_1697 = arith.constant 0 : i32
        %lt3A_1698 = vector.broadcast %lt3A_1697 : i32 to vector<16xi32>
        %lt3A_1699 = arith.cmpi slt, %broadcast_in_dim3A_1696, %lt3A_1698 : vector<16xi32>
        %add3A_1700 = arith.constant 16 : i32
        %add3A_1701 = vector.broadcast %add3A_1700 : i32 to vector<16xi32>
        %add3A_1702 = arith.addi %broadcast_in_dim3A_1696, %add3A_1701 : vector<16xi32>
        %select_n3A_1703 = arith.select %lt3A_1699, %add3A_1702, %broadcast_in_dim3A_1696 : vector<16xi1>, vector<16xi32>
        %broadcast_in_dim3A_1704 = vector.shape_cast %select_n3A_1703 : vector<16xi32> to vector<16x1xi32>
        %gather3A_1705 = vector.shape_cast %broadcast_in_dim3A_1704 : vector<16x1xi32> to vector<16xi32>
        %gather3A_1706 = tpu.dynamic_gather %get3A_287[%gather3A_1705] in [0] : vector<16xi32>, vector<16xi32> -> vector<16xi32>
        %broadcast_in_dim3A_1707 = arith.constant 0.000000e+00 : f32
        %broadcast_in_dim3A_1708 = vector.broadcast %broadcast_in_dim3A_1707 : f32 to vector<16xf32>
        %get3A_1709 = arith.constant 0 : i32
        %get3A_1710 = arith.index_cast %rem3A_270 : i32 to index
        %get3A_1711 = arith.index_cast %get3A_1709 : i32 to index
        %get3A_1712 = arith.index_cast %add3A_1682 : i32 to index
        %get3A_1713 = arith.constant 0 : index
        %get3A_1714 = tpu.vector_load %arg13[%get3A_1710, %get3A_1711, %get3A_1712, %get3A_1713] {strides = array<i32>} : memref<2x2x512x16xf32, #tpu.memory_space<vmem>>, vector<1x1x1x16xf32>,
        %get3A_1715 = vector.shape_cast %get3A_1714 : vector<1x1x1x16xf32> to vector<16xf32>
        %get3A_1716 = arith.constant 0 : i32
        %get3A_1717 = arith.index_cast %rem3A_270 : i32 to index
        %get3A_1718 = arith.index_cast %get3A_1716 : i32 to index
        %get3A_1719 = arith.index_cast %add3A_1682 : i32 to index
        %get3A_1720 = arith.constant 0 : index
        %get3A_1721 = tpu.vector_load %arg14[%get3A_1717, %get3A_1718, %get3A_1719, %get3A_1720] {strides = array<i32>} : memref<2x2x512x16xf32, #tpu.memory_space<vmem>>, vector<1x1x1x16xf32>,
        %get3A_1722 = vector.shape_cast %get3A_1721 : vector<1x1x1x16xf32> to vector<16xf32>
        %lt3A_1723 = arith.constant 0 : i32
        %lt3A_1724 = vector.broadcast %lt3A_1723 : i32 to vector<16xi32>
        %lt3A_1725 = arith.cmpi slt, %gather3A_1694, %lt3A_1724 : vector<16xi32>
        %add3A_1726 = arith.constant 16 : i32
        %add3A_1727 = vector.broadcast %add3A_1726 : i32 to vector<16xi32>
        %add3A_1728 = arith.addi %gather3A_1694, %add3A_1727 : vector<16xi32>
        %select_n3A_1729 = arith.select %lt3A_1725, %add3A_1728, %gather3A_1694 : vector<16xi1>, vector<16xi32>
        %broadcast_in_dim3A_1730 = vector.shape_cast %select_n3A_1729 : vector<16xi32> to vector<16x1xi32>
        %gather3A_1731 = vector.shape_cast %broadcast_in_dim3A_1730 : vector<16x1xi32> to vector<16xi32>
        %gather3A_1732 = tpu.dynamic_gather %get3A_1715[%gather3A_1731] in [0] : vector<16xf32>, vector<16xi32> -> vector<16xf32>
        %lt3A_1733 = arith.constant 0 : i32
        %lt3A_1734 = vector.broadcast %lt3A_1733 : i32 to vector<16xi32>
        %lt3A_1735 = arith.cmpi slt, %gather3A_1706, %lt3A_1734 : vector<16xi32>
        %add3A_1736 = arith.constant 16 : i32
        %add3A_1737 = vector.broadcast %add3A_1736 : i32 to vector<16xi32>
        %add3A_1738 = arith.addi %gather3A_1706, %add3A_1737 : vector<16xi32>
        %select_n3A_1739 = arith.select %lt3A_1735, %add3A_1738, %gather3A_1706 : vector<16xi1>, vector<16xi32>
        %broadcast_in_dim3A_1740 = vector.shape_cast %select_n3A_1739 : vector<16xi32> to vector<16x1xi32>
        %gather3A_1741 = vector.shape_cast %broadcast_in_dim3A_1740 : vector<16x1xi32> to vector<16xi32>
        %gather3A_1742 = tpu.dynamic_gather %get3A_1722[%gather3A_1741] in [0] : vector<16xf32>, vector<16xi32> -> vector<16xf32>
        %mul3A_1743 = arith.mulf %gather3A_1732, %gather3A_1742 : vector<16xf32>
        %add3A_1744 = arith.addf %broadcast_in_dim3A_1708, %mul3A_1743 : vector<16xf32>
        %get3A_1745 = arith.constant 1 : i32
        %get3A_1746 = arith.index_cast %rem3A_270 : i32 to index
        %get3A_1747 = arith.index_cast %get3A_1745 : i32 to index
        %get3A_1748 = arith.index_cast %add3A_1682 : i32 to index
        %get3A_1749 = arith.constant 0 : index
        %get3A_1750 = tpu.vector_load %arg13[%get3A_1746, %get3A_1747, %get3A_1748, %get3A_1749] {strides = array<i32>} : memref<2x2x512x16xf32, #tpu.memory_space<vmem>>, vector<1x1x1x16xf32>,
        %get3A_1751 = vector.shape_cast %get3A_1750 : vector<1x1x1x16xf32> to vector<16xf32>
        %get3A_1752 = arith.constant 1 : i32
        %get3A_1753 = arith.index_cast %rem3A_270 : i32 to index
        %get3A_1754 = arith.index_cast %get3A_1752 : i32 to index
        %get3A_1755 = arith.index_cast %add3A_1682 : i32 to index
        %get3A_1756 = arith.constant 0 : index
        %get3A_1757 = tpu.vector_load %arg14[%get3A_1753, %get3A_1754, %get3A_1755, %get3A_1756] {strides = array<i32>} : memref<2x2x512x16xf32, #tpu.memory_space<vmem>>, vector<1x1x1x16xf32>,
        %get3A_1758 = vector.shape_cast %get3A_1757 : vector<1x1x1x16xf32> to vector<16xf32>
        %lt3A_1759 = arith.constant 0 : i32
        %lt3A_1760 = vector.broadcast %lt3A_1759 : i32 to vector<16xi32>
        %lt3A_1761 = arith.cmpi slt, %gather3A_1694, %lt3A_1760 : vector<16xi32>
        %add3A_1762 = arith.constant 16 : i32
        %add3A_1763 = vector.broadcast %add3A_1762 : i32 to vector<16xi32>
        %add3A_1764 = arith.addi %gather3A_1694, %add3A_1763 : vector<16xi32>
        %select_n3A_1765 = arith.select %lt3A_1761, %add3A_1764, %gather3A_1694 : vector<16xi1>, vector<16xi32>
        %broadcast_in_dim3A_1766 = vector.shape_cast %select_n3A_1765 : vector<16xi32> to vector<16x1xi32>
        %gather3A_1767 = vector.shape_cast %broadcast_in_dim3A_1766 : vector<16x1xi32> to vector<16xi32>
        %gather3A_1768 = tpu.dynamic_gather %get3A_1751[%gather3A_1767] in [0] : vector<16xf32>, vector<16xi32> -> vector<16xf32>
        %lt3A_1769 = arith.constant 0 : i32
        %lt3A_1770 = vector.broadcast %lt3A_1769 : i32 to vector<16xi32>
        %lt3A_1771 = arith.cmpi slt, %gather3A_1706, %lt3A_1770 : vector<16xi32>
        %add3A_1772 = arith.constant 16 : i32
        %add3A_1773 = vector.broadcast %add3A_1772 : i32 to vector<16xi32>
        %add3A_1774 = arith.addi %gather3A_1706, %add3A_1773 : vector<16xi32>
        %select_n3A_1775 = arith.select %lt3A_1771, %add3A_1774, %gather3A_1706 : vector<16xi1>, vector<16xi32>
        %broadcast_in_dim3A_1776 = vector.shape_cast %select_n3A_1775 : vector<16xi32> to vector<16x1xi32>
        %gather3A_1777 = vector.shape_cast %broadcast_in_dim3A_1776 : vector<16x1xi32> to vector<16xi32>
        %gather3A_1778 = tpu.dynamic_gather %get3A_1758[%gather3A_1777] in [0] : vector<16xf32>, vector<16xi32> -> vector<16xf32>
        %mul3A_1779 = arith.mulf %gather3A_1768, %gather3A_1778 : vector<16xf32>
        %add3A_1780 = arith.addf %add3A_1744, %mul3A_1779 : vector<16xf32>
        %eq3A_1781 = arith.constant 13 : i32
        %eq3A_1782 = vector.broadcast %eq3A_1781 : i32 to vector<16xi32>
        %eq3A_1783 = arith.cmpi eq, %iota3A, %eq3A_1782 : vector<16xi32>
        %add3A_1784 = arith.addf %select_n3A_1678, %add3A_1780 : vector<16xf32>
        %select_n3A_1785 = arith.select %eq3A_1783, %add3A_1784, %select_n3A_1678 : vector<16xi1>, vector<16xf32>
        %mul3A_1786 = arith.constant 16 : i32
        %mul3A_1787 = arith.muli %scan3A_279, %mul3A_1786 : i32
        %add3A_1788 = arith.constant 14 : i32
        %add3A_1789 = arith.addi %mul3A_1787, %add3A_1788 : i32
        %broadcast_in_dim3A_1790 = arith.constant 14 : i32
        %broadcast_in_dim3A_1791 = vector.broadcast %broadcast_in_dim3A_1790 : i32 to vector<16xi32>
        %lt3A_1792 = arith.constant 0 : i32
        %lt3A_1793 = vector.broadcast %lt3A_1792 : i32 to vector<16xi32>
        %lt3A_1794 = arith.cmpi slt, %broadcast_in_dim3A_1791, %lt3A_1793 : vector<16xi32>
        %add3A_1795 = arith.constant 16 : i32
        %add3A_1796 = vector.broadcast %add3A_1795 : i32 to vector<16xi32>
        %add3A_1797 = arith.addi %broadcast_in_dim3A_1791, %add3A_1796 : vector<16xi32>
        %select_n3A_1798 = arith.select %lt3A_1794, %add3A_1797, %broadcast_in_dim3A_1791 : vector<16xi1>, vector<16xi32>
        %broadcast_in_dim3A_1799 = vector.shape_cast %select_n3A_1798 : vector<16xi32> to vector<16x1xi32>
        %gather3A_1800 = vector.shape_cast %broadcast_in_dim3A_1799 : vector<16x1xi32> to vector<16xi32>
        %gather3A_1801 = tpu.dynamic_gather %get3A_284[%gather3A_1800] in [0] : vector<16xi32>, vector<16xi32> -> vector<16xi32>
        %broadcast_in_dim3A_1802 = arith.constant 14 : i32
        %broadcast_in_dim3A_1803 = vector.broadcast %broadcast_in_dim3A_1802 : i32 to vector<16xi32>
        %lt3A_1804 = arith.constant 0 : i32
        %lt3A_1805 = vector.broadcast %lt3A_1804 : i32 to vector<16xi32>
        %lt3A_1806 = arith.cmpi slt, %broadcast_in_dim3A_1803, %lt3A_1805 : vector<16xi32>
        %add3A_1807 = arith.constant 16 : i32
        %add3A_1808 = vector.broadcast %add3A_1807 : i32 to vector<16xi32>
        %add3A_1809 = arith.addi %broadcast_in_dim3A_1803, %add3A_1808 : vector<16xi32>
        %select_n3A_1810 = arith.select %lt3A_1806, %add3A_1809, %broadcast_in_dim3A_1803 : vector<16xi1>, vector<16xi32>
        %broadcast_in_dim3A_1811 = vector.shape_cast %select_n3A_1810 : vector<16xi32> to vector<16x1xi32>
        %gather3A_1812 = vector.shape_cast %broadcast_in_dim3A_1811 : vector<16x1xi32> to vector<16xi32>
        %gather3A_1813 = tpu.dynamic_gather %get3A_287[%gather3A_1812] in [0] : vector<16xi32>, vector<16xi32> -> vector<16xi32>
        %broadcast_in_dim3A_1814 = arith.constant 0.000000e+00 : f32
        %broadcast_in_dim3A_1815 = vector.broadcast %broadcast_in_dim3A_1814 : f32 to vector<16xf32>
        %get3A_1816 = arith.constant 0 : i32
        %get3A_1817 = arith.index_cast %rem3A_270 : i32 to index
        %get3A_1818 = arith.index_cast %get3A_1816 : i32 to index
        %get3A_1819 = arith.index_cast %add3A_1789 : i32 to index
        %get3A_1820 = arith.constant 0 : index
        %get3A_1821 = tpu.vector_load %arg13[%get3A_1817, %get3A_1818, %get3A_1819, %get3A_1820] {strides = array<i32>} : memref<2x2x512x16xf32, #tpu.memory_space<vmem>>, vector<1x1x1x16xf32>,
        %get3A_1822 = vector.shape_cast %get3A_1821 : vector<1x1x1x16xf32> to vector<16xf32>
        %get3A_1823 = arith.constant 0 : i32
        %get3A_1824 = arith.index_cast %rem3A_270 : i32 to index
        %get3A_1825 = arith.index_cast %get3A_1823 : i32 to index
        %get3A_1826 = arith.index_cast %add3A_1789 : i32 to index
        %get3A_1827 = arith.constant 0 : index
        %get3A_1828 = tpu.vector_load %arg14[%get3A_1824, %get3A_1825, %get3A_1826, %get3A_1827] {strides = array<i32>} : memref<2x2x512x16xf32, #tpu.memory_space<vmem>>, vector<1x1x1x16xf32>,
        %get3A_1829 = vector.shape_cast %get3A_1828 : vector<1x1x1x16xf32> to vector<16xf32>
        %lt3A_1830 = arith.constant 0 : i32
        %lt3A_1831 = vector.broadcast %lt3A_1830 : i32 to vector<16xi32>
        %lt3A_1832 = arith.cmpi slt, %gather3A_1801, %lt3A_1831 : vector<16xi32>
        %add3A_1833 = arith.constant 16 : i32
        %add3A_1834 = vector.broadcast %add3A_1833 : i32 to vector<16xi32>
        %add3A_1835 = arith.addi %gather3A_1801, %add3A_1834 : vector<16xi32>
        %select_n3A_1836 = arith.select %lt3A_1832, %add3A_1835, %gather3A_1801 : vector<16xi1>, vector<16xi32>
        %broadcast_in_dim3A_1837 = vector.shape_cast %select_n3A_1836 : vector<16xi32> to vector<16x1xi32>
        %gather3A_1838 = vector.shape_cast %broadcast_in_dim3A_1837 : vector<16x1xi32> to vector<16xi32>
        %gather3A_1839 = tpu.dynamic_gather %get3A_1822[%gather3A_1838] in [0] : vector<16xf32>, vector<16xi32> -> vector<16xf32>
        %lt3A_1840 = arith.constant 0 : i32
        %lt3A_1841 = vector.broadcast %lt3A_1840 : i32 to vector<16xi32>
        %lt3A_1842 = arith.cmpi slt, %gather3A_1813, %lt3A_1841 : vector<16xi32>
        %add3A_1843 = arith.constant 16 : i32
        %add3A_1844 = vector.broadcast %add3A_1843 : i32 to vector<16xi32>
        %add3A_1845 = arith.addi %gather3A_1813, %add3A_1844 : vector<16xi32>
        %select_n3A_1846 = arith.select %lt3A_1842, %add3A_1845, %gather3A_1813 : vector<16xi1>, vector<16xi32>
        %broadcast_in_dim3A_1847 = vector.shape_cast %select_n3A_1846 : vector<16xi32> to vector<16x1xi32>
        %gather3A_1848 = vector.shape_cast %broadcast_in_dim3A_1847 : vector<16x1xi32> to vector<16xi32>
        %gather3A_1849 = tpu.dynamic_gather %get3A_1829[%gather3A_1848] in [0] : vector<16xf32>, vector<16xi32> -> vector<16xf32>
        %mul3A_1850 = arith.mulf %gather3A_1839, %gather3A_1849 : vector<16xf32>
        %add3A_1851 = arith.addf %broadcast_in_dim3A_1815, %mul3A_1850 : vector<16xf32>
        %get3A_1852 = arith.constant 1 : i32
        %get3A_1853 = arith.index_cast %rem3A_270 : i32 to index
        %get3A_1854 = arith.index_cast %get3A_1852 : i32 to index
        %get3A_1855 = arith.index_cast %add3A_1789 : i32 to index
        %get3A_1856 = arith.constant 0 : index
        %get3A_1857 = tpu.vector_load %arg13[%get3A_1853, %get3A_1854, %get3A_1855, %get3A_1856] {strides = array<i32>} : memref<2x2x512x16xf32, #tpu.memory_space<vmem>>, vector<1x1x1x16xf32>,
        %get3A_1858 = vector.shape_cast %get3A_1857 : vector<1x1x1x16xf32> to vector<16xf32>
        %get3A_1859 = arith.constant 1 : i32
        %get3A_1860 = arith.index_cast %rem3A_270 : i32 to index
        %get3A_1861 = arith.index_cast %get3A_1859 : i32 to index
        %get3A_1862 = arith.index_cast %add3A_1789 : i32 to index
        %get3A_1863 = arith.constant 0 : index
        %get3A_1864 = tpu.vector_load %arg14[%get3A_1860, %get3A_1861, %get3A_1862, %get3A_1863] {strides = array<i32>} : memref<2x2x512x16xf32, #tpu.memory_space<vmem>>, vector<1x1x1x16xf32>,
        %get3A_1865 = vector.shape_cast %get3A_1864 : vector<1x1x1x16xf32> to vector<16xf32>
        %lt3A_1866 = arith.constant 0 : i32
        %lt3A_1867 = vector.broadcast %lt3A_1866 : i32 to vector<16xi32>
        %lt3A_1868 = arith.cmpi slt, %gather3A_1801, %lt3A_1867 : vector<16xi32>
        %add3A_1869 = arith.constant 16 : i32
        %add3A_1870 = vector.broadcast %add3A_1869 : i32 to vector<16xi32>
        %add3A_1871 = arith.addi %gather3A_1801, %add3A_1870 : vector<16xi32>
        %select_n3A_1872 = arith.select %lt3A_1868, %add3A_1871, %gather3A_1801 : vector<16xi1>, vector<16xi32>
        %broadcast_in_dim3A_1873 = vector.shape_cast %select_n3A_1872 : vector<16xi32> to vector<16x1xi32>
        %gather3A_1874 = vector.shape_cast %broadcast_in_dim3A_1873 : vector<16x1xi32> to vector<16xi32>
        %gather3A_1875 = tpu.dynamic_gather %get3A_1858[%gather3A_1874] in [0] : vector<16xf32>, vector<16xi32> -> vector<16xf32>
        %lt3A_1876 = arith.constant 0 : i32
        %lt3A_1877 = vector.broadcast %lt3A_1876 : i32 to vector<16xi32>
        %lt3A_1878 = arith.cmpi slt, %gather3A_1813, %lt3A_1877 : vector<16xi32>
        %add3A_1879 = arith.constant 16 : i32
        %add3A_1880 = vector.broadcast %add3A_1879 : i32 to vector<16xi32>
        %add3A_1881 = arith.addi %gather3A_1813, %add3A_1880 : vector<16xi32>
        %select_n3A_1882 = arith.select %lt3A_1878, %add3A_1881, %gather3A_1813 : vector<16xi1>, vector<16xi32>
        %broadcast_in_dim3A_1883 = vector.shape_cast %select_n3A_1882 : vector<16xi32> to vector<16x1xi32>
        %gather3A_1884 = vector.shape_cast %broadcast_in_dim3A_1883 : vector<16x1xi32> to vector<16xi32>
        %gather3A_1885 = tpu.dynamic_gather %get3A_1865[%gather3A_1884] in [0] : vector<16xf32>, vector<16xi32> -> vector<16xf32>
        %mul3A_1886 = arith.mulf %gather3A_1875, %gather3A_1885 : vector<16xf32>
        %add3A_1887 = arith.addf %add3A_1851, %mul3A_1886 : vector<16xf32>
        %eq3A_1888 = arith.constant 14 : i32
        %eq3A_1889 = vector.broadcast %eq3A_1888 : i32 to vector<16xi32>
        %eq3A_1890 = arith.cmpi eq, %iota3A, %eq3A_1889 : vector<16xi32>
        %add3A_1891 = arith.addf %select_n3A_1785, %add3A_1887 : vector<16xf32>
        %select_n3A_1892 = arith.select %eq3A_1890, %add3A_1891, %select_n3A_1785 : vector<16xi1>, vector<16xf32>
        %mul3A_1893 = arith.constant 16 : i32
        %mul3A_1894 = arith.muli %scan3A_279, %mul3A_1893 : i32
        %add3A_1895 = arith.constant 15 : i32
        %add3A_1896 = arith.addi %mul3A_1894, %add3A_1895 : i32
        %broadcast_in_dim3A_1897 = arith.constant 15 : i32
        %broadcast_in_dim3A_1898 = vector.broadcast %broadcast_in_dim3A_1897 : i32 to vector<16xi32>
        %lt3A_1899 = arith.constant 0 : i32
        %lt3A_1900 = vector.broadcast %lt3A_1899 : i32 to vector<16xi32>
        %lt3A_1901 = arith.cmpi slt, %broadcast_in_dim3A_1898, %lt3A_1900 : vector<16xi32>
        %add3A_1902 = arith.constant 16 : i32
        %add3A_1903 = vector.broadcast %add3A_1902 : i32 to vector<16xi32>
        %add3A_1904 = arith.addi %broadcast_in_dim3A_1898, %add3A_1903 : vector<16xi32>
        %select_n3A_1905 = arith.select %lt3A_1901, %add3A_1904, %broadcast_in_dim3A_1898 : vector<16xi1>, vector<16xi32>
        %broadcast_in_dim3A_1906 = vector.shape_cast %select_n3A_1905 : vector<16xi32> to vector<16x1xi32>
        %gather3A_1907 = vector.shape_cast %broadcast_in_dim3A_1906 : vector<16x1xi32> to vector<16xi32>
        %gather3A_1908 = tpu.dynamic_gather %get3A_284[%gather3A_1907] in [0] : vector<16xi32>, vector<16xi32> -> vector<16xi32>
        %broadcast_in_dim3A_1909 = arith.constant 15 : i32
        %broadcast_in_dim3A_1910 = vector.broadcast %broadcast_in_dim3A_1909 : i32 to vector<16xi32>
        %lt3A_1911 = arith.constant 0 : i32
        %lt3A_1912 = vector.broadcast %lt3A_1911 : i32 to vector<16xi32>
        %lt3A_1913 = arith.cmpi slt, %broadcast_in_dim3A_1910, %lt3A_1912 : vector<16xi32>
        %add3A_1914 = arith.constant 16 : i32
        %add3A_1915 = vector.broadcast %add3A_1914 : i32 to vector<16xi32>
        %add3A_1916 = arith.addi %broadcast_in_dim3A_1910, %add3A_1915 : vector<16xi32>
        %select_n3A_1917 = arith.select %lt3A_1913, %add3A_1916, %broadcast_in_dim3A_1910 : vector<16xi1>, vector<16xi32>
        %broadcast_in_dim3A_1918 = vector.shape_cast %select_n3A_1917 : vector<16xi32> to vector<16x1xi32>
        %gather3A_1919 = vector.shape_cast %broadcast_in_dim3A_1918 : vector<16x1xi32> to vector<16xi32>
        %gather3A_1920 = tpu.dynamic_gather %get3A_287[%gather3A_1919] in [0] : vector<16xi32>, vector<16xi32> -> vector<16xi32>
        %broadcast_in_dim3A_1921 = arith.constant 0.000000e+00 : f32
        %broadcast_in_dim3A_1922 = vector.broadcast %broadcast_in_dim3A_1921 : f32 to vector<16xf32>
        %get3A_1923 = arith.constant 0 : i32
        %get3A_1924 = arith.index_cast %rem3A_270 : i32 to index
        %get3A_1925 = arith.index_cast %get3A_1923 : i32 to index
        %get3A_1926 = arith.index_cast %add3A_1896 : i32 to index
        %get3A_1927 = arith.constant 0 : index
        %get3A_1928 = tpu.vector_load %arg13[%get3A_1924, %get3A_1925, %get3A_1926, %get3A_1927] {strides = array<i32>} : memref<2x2x512x16xf32, #tpu.memory_space<vmem>>, vector<1x1x1x16xf32>,
        %get3A_1929 = vector.shape_cast %get3A_1928 : vector<1x1x1x16xf32> to vector<16xf32>
        %get3A_1930 = arith.constant 0 : i32
        %get3A_1931 = arith.index_cast %rem3A_270 : i32 to index
        %get3A_1932 = arith.index_cast %get3A_1930 : i32 to index
        %get3A_1933 = arith.index_cast %add3A_1896 : i32 to index
        %get3A_1934 = arith.constant 0 : index
        %get3A_1935 = tpu.vector_load %arg14[%get3A_1931, %get3A_1932, %get3A_1933, %get3A_1934] {strides = array<i32>} : memref<2x2x512x16xf32, #tpu.memory_space<vmem>>, vector<1x1x1x16xf32>,
        %get3A_1936 = vector.shape_cast %get3A_1935 : vector<1x1x1x16xf32> to vector<16xf32>
        %lt3A_1937 = arith.constant 0 : i32
        %lt3A_1938 = vector.broadcast %lt3A_1937 : i32 to vector<16xi32>
        %lt3A_1939 = arith.cmpi slt, %gather3A_1908, %lt3A_1938 : vector<16xi32>
        %add3A_1940 = arith.constant 16 : i32
        %add3A_1941 = vector.broadcast %add3A_1940 : i32 to vector<16xi32>
        %add3A_1942 = arith.addi %gather3A_1908, %add3A_1941 : vector<16xi32>
        %select_n3A_1943 = arith.select %lt3A_1939, %add3A_1942, %gather3A_1908 : vector<16xi1>, vector<16xi32>
        %broadcast_in_dim3A_1944 = vector.shape_cast %select_n3A_1943 : vector<16xi32> to vector<16x1xi32>
        %gather3A_1945 = vector.shape_cast %broadcast_in_dim3A_1944 : vector<16x1xi32> to vector<16xi32>
        %gather3A_1946 = tpu.dynamic_gather %get3A_1929[%gather3A_1945] in [0] : vector<16xf32>, vector<16xi32> -> vector<16xf32>
        %lt3A_1947 = arith.constant 0 : i32
        %lt3A_1948 = vector.broadcast %lt3A_1947 : i32 to vector<16xi32>
        %lt3A_1949 = arith.cmpi slt, %gather3A_1920, %lt3A_1948 : vector<16xi32>
        %add3A_1950 = arith.constant 16 : i32
        %add3A_1951 = vector.broadcast %add3A_1950 : i32 to vector<16xi32>
        %add3A_1952 = arith.addi %gather3A_1920, %add3A_1951 : vector<16xi32>
        %select_n3A_1953 = arith.select %lt3A_1949, %add3A_1952, %gather3A_1920 : vector<16xi1>, vector<16xi32>
        %broadcast_in_dim3A_1954 = vector.shape_cast %select_n3A_1953 : vector<16xi32> to vector<16x1xi32>
        %gather3A_1955 = vector.shape_cast %broadcast_in_dim3A_1954 : vector<16x1xi32> to vector<16xi32>
        %gather3A_1956 = tpu.dynamic_gather %get3A_1936[%gather3A_1955] in [0] : vector<16xf32>, vector<16xi32> -> vector<16xf32>
        %mul3A_1957 = arith.mulf %gather3A_1946, %gather3A_1956 : vector<16xf32>
        %add3A_1958 = arith.addf %broadcast_in_dim3A_1922, %mul3A_1957 : vector<16xf32>
        %get3A_1959 = arith.constant 1 : i32
        %get3A_1960 = arith.index_cast %rem3A_270 : i32 to index
        %get3A_1961 = arith.index_cast %get3A_1959 : i32 to index
        %get3A_1962 = arith.index_cast %add3A_1896 : i32 to index
        %get3A_1963 = arith.constant 0 : index
        %get3A_1964 = tpu.vector_load %arg13[%get3A_1960, %get3A_1961, %get3A_1962, %get3A_1963] {strides = array<i32>} : memref<2x2x512x16xf32, #tpu.memory_space<vmem>>, vector<1x1x1x16xf32>,
        %get3A_1965 = vector.shape_cast %get3A_1964 : vector<1x1x1x16xf32> to vector<16xf32>
        %get3A_1966 = arith.constant 1 : i32
        %get3A_1967 = arith.index_cast %rem3A_270 : i32 to index
        %get3A_1968 = arith.index_cast %get3A_1966 : i32 to index
        %get3A_1969 = arith.index_cast %add3A_1896 : i32 to index
        %get3A_1970 = arith.constant 0 : index
        %get3A_1971 = tpu.vector_load %arg14[%get3A_1967, %get3A_1968, %get3A_1969, %get3A_1970] {strides = array<i32>} : memref<2x2x512x16xf32, #tpu.memory_space<vmem>>, vector<1x1x1x16xf32>,
        %get3A_1972 = vector.shape_cast %get3A_1971 : vector<1x1x1x16xf32> to vector<16xf32>
        %lt3A_1973 = arith.constant 0 : i32
        %lt3A_1974 = vector.broadcast %lt3A_1973 : i32 to vector<16xi32>
        %lt3A_1975 = arith.cmpi slt, %gather3A_1908, %lt3A_1974 : vector<16xi32>
        %add3A_1976 = arith.constant 16 : i32
        %add3A_1977 = vector.broadcast %add3A_1976 : i32 to vector<16xi32>
        %add3A_1978 = arith.addi %gather3A_1908, %add3A_1977 : vector<16xi32>
        %select_n3A_1979 = arith.select %lt3A_1975, %add3A_1978, %gather3A_1908 : vector<16xi1>, vector<16xi32>
        %broadcast_in_dim3A_1980 = vector.shape_cast %select_n3A_1979 : vector<16xi32> to vector<16x1xi32>
        %gather3A_1981 = vector.shape_cast %broadcast_in_dim3A_1980 : vector<16x1xi32> to vector<16xi32>
        %gather3A_1982 = tpu.dynamic_gather %get3A_1965[%gather3A_1981] in [0] : vector<16xf32>, vector<16xi32> -> vector<16xf32>
        %lt3A_1983 = arith.constant 0 : i32
        %lt3A_1984 = vector.broadcast %lt3A_1983 : i32 to vector<16xi32>
        %lt3A_1985 = arith.cmpi slt, %gather3A_1920, %lt3A_1984 : vector<16xi32>
        %add3A_1986 = arith.constant 16 : i32
        %add3A_1987 = vector.broadcast %add3A_1986 : i32 to vector<16xi32>
        %add3A_1988 = arith.addi %gather3A_1920, %add3A_1987 : vector<16xi32>
        %select_n3A_1989 = arith.select %lt3A_1985, %add3A_1988, %gather3A_1920 : vector<16xi1>, vector<16xi32>
        %broadcast_in_dim3A_1990 = vector.shape_cast %select_n3A_1989 : vector<16xi32> to vector<16x1xi32>
        %gather3A_1991 = vector.shape_cast %broadcast_in_dim3A_1990 : vector<16x1xi32> to vector<16xi32>
        %gather3A_1992 = tpu.dynamic_gather %get3A_1972[%gather3A_1991] in [0] : vector<16xf32>, vector<16xi32> -> vector<16xf32>
        %mul3A_1993 = arith.mulf %gather3A_1982, %gather3A_1992 : vector<16xf32>
        %add3A_1994 = arith.addf %add3A_1958, %mul3A_1993 : vector<16xf32>
        %eq3A_1995 = arith.constant 15 : i32
        %eq3A_1996 = vector.broadcast %eq3A_1995 : i32 to vector<16xi32>
        %eq3A_1997 = arith.cmpi eq, %iota3A, %eq3A_1996 : vector<16xi32>
        %add3A_1998 = arith.addf %select_n3A_1892, %add3A_1994 : vector<16xf32>
        %select_n3A_1999 = arith.select %eq3A_1997, %add3A_1998, %select_n3A_1892 : vector<16xi1>, vector<16xf32>
        %swap3A = arith.index_cast %mul3A_282 : i32 to index
        %swap3A_2000 = tpu.vector_load %arg15[%swap3A] {strides = array<i32>} : memref<512xf32, #tpu.memory_space<vmem>>, vector<16xf32>,
        %swap3A_2001 = vector.shape_cast %swap3A_2000 : vector<16xf32> to vector<16xf32>
        %swap3A_2002 = vector.shape_cast %select_n3A_1999 : vector<16xf32> to vector<16xf32>
        tpu.vector_store %arg15[%swap3A], %swap3A_2002 {strides = array<i32>} : memref<512xf32, #tpu.memory_space<vmem>>, vector<16xf32>,
        %scan3A_2003 = arith.constant 0 : i32
        scf.yield %scan3A_2003 : i32
      }
      %scan3A_277 = arith.constant 32 : i32
      %scan3A_278 = arith.constant 0 : i32
      scf.yield %scan3A_278 : i32
    }
    %scan3A_251 = arith.constant 16 : i32
    "tpu.region"() ({
      %run_scoped3A = tpu.sem_alloc : memref<!tpu.dma_semaphore, #tpu.memory_space<semaphore_mem>>
      %dma_start3A_252 = arith.constant 0 : i32
      %dma_start3A_253 = tpu.memref_slice %arg8[%add3A, %dma_start3A_252] : memref<32x512xf32, #tpu.memory_space<hbm>> -> memref<1x512xf32, #tpu.memory_space<hbm>>
      %dma_start3A_254 = tpu.memref_squeeze %dma_start3A_253 : memref<1x512xf32, #tpu.memory_space<hbm>> -> memref<512xf32, #tpu.memory_space<hbm>>
      %dma_start3A_255 = arith.constant 0 : i32
      %dma_start3A_256 = tpu.memref_slice %arg8[%add3A, %dma_start3A_255] : memref<32x512xf32, #tpu.memory_space<hbm>> -> memref<1x512xf32, #tpu.memory_space<hbm>>
      %dma_start3A_257 = tpu.memref_squeeze %dma_start3A_256 : memref<1x512xf32, #tpu.memory_space<hbm>> -> memref<512xf32, #tpu.memory_space<hbm>>
      tpu.enqueue_dma source(%arg15 : memref<512xf32, #tpu.memory_space<vmem>>) target(%dma_start3A_257 : memref<512xf32, #tpu.memory_space<hbm>>) target_semaphore(%run_scoped3A : memref<!tpu.dma_semaphore, #tpu.memory_space<semaphore_mem>>)
      %dma_wait3A = arith.constant 0 : i32
      %dma_wait3A_258 = tpu.memref_slice %arg8[%add3A, %dma_wait3A] : memref<32x512xf32, #tpu.memory_space<hbm>> -> memref<1x512xf32, #tpu.memory_space<hbm>>
      %dma_wait3A_259 = tpu.memref_squeeze %dma_wait3A_258 : memref<1x512xf32, #tpu.memory_space<hbm>> -> memref<512xf32, #tpu.memory_space<hbm>>
      %dma_wait3A_260 = arith.constant 0 : i32
      %dma_wait3A_261 = tpu.memref_slice %arg8[%add3A, %dma_wait3A_260] : memref<32x512xf32, #tpu.memory_space<hbm>> -> memref<1x512xf32, #tpu.memory_space<hbm>>
      %dma_wait3A_262 = tpu.memref_squeeze %dma_wait3A_261 : memref<1x512xf32, #tpu.memory_space<hbm>> -> memref<512xf32, #tpu.memory_space<hbm>>
      tpu.wait_dma2 semaphore(%run_scoped3A : memref<!tpu.dma_semaphore, #tpu.memory_space<semaphore_mem>>) src(%arg15 : memref<512xf32, #tpu.memory_space<vmem>>) dst(%dma_wait3A_262 : memref<512xf32, #tpu.memory_space<hbm>>)
      tpu.yield
    }) : () -> ()
    return
  }
}

</mosaic_0001>

<sc_bundles>
// kernel: _mf_dot.3.cloned.1.call-start
scs
__scs_entry_jumppad:
0x0: {  	(pc) =	sbr.rel $0x88, $3  }
0x1: {  	(tag) =	ssettag $0x0;
	lr =	simm.s32 $0x1  }
0x2: {  	[smem:$0x3F9B] =	sst lr;
	_ =	strace $0xD0000000  }
0x3: {  	_ = 	snop  }
0x4: {  	_ = 	snop  }
0x5: {  	_ = 	snop  }
0x6: {  	_ = 	snop  }
0x7: {  	_ = 	snop  }
__scs_overlays_trampoline_lowered:
0x8: {  	[smem:$0x3FAA] =	sst s0  }
0x9: {  	[smem:$0x3FAB] =	sst s1  }
0xa: {  	[smem:$0x3FAC] =	sst s2  }
0xb: {  	[smem:$0x3FAD] =	sst s3  }
0xc: {  	[smem:$0x3FAE] =	sst s4  }
0xd: {  	[smem:$0x3FAF] =	sst s5  }
0xe: {  	[smem:$0x3FB0] =	sst s6  }
0xf: {  	[smem:$0x3FB1] =	sst s7  }
0x10: {  	[smem:$0x3FB2] =	sst s8  }
0x11: {  	[smem:$0x3FB3] =	sst s9;
	s0 =	simm.s32 @!p0 $0x0  }
0x12: {  	s1 =	sld [smem:$0x3F99];
	s0 =	simm.s32 @p0 $0x1  }
0x13: {  	[smem:$0x3FB4] =	sst s0;
	s0 =	simm.s32 @!p1 $0x0  }
0x14: {  	s2 =	sld [smem:$0x3F98];
	s0 =	simm.s32 @p1 $0x1  }
0x15: {  	[smem:$0x3FB5] =	sst s0;
	s0 =	simm.s32 @!p2 $0x0  }
0x16: {  	s3 =	sld [smem:$0x3FDB];
	s0 =	simm.s32 @p2 $0x1  }
0x17: {  	s4 =	simm.s32 $0x1BF5;
	[smem:$0x3FB7] =	sst s0  }
0x18: {  	s0 =	sld [smem:$0x3F9A];
	_ =	swait.ge [sflag:s4], $0x0  }
0x19: {  	s7 =	sld [smem:$0x3F9B]  }
0x1a: {  	s8 =	sadd.s32 $0xFFFFE003, lr  }
0x1b: {  	s9 =	sadd.s32 $0xFFFFFEF7, lr;
	s5 =	simm.s32 $0xFFFFFFFF;
	p2 =	slt.u32 s8, $0xFFFFF086  }
0x1c: {  	p1 =	slt.u32 s9, $0xF7A;
	s5 =	simm.s32 @!p2 $0x0  }
0x1d: {  	s5 =	simm.s32 @p1 $0x1;
	p0 =	seq.s32 s7, s2  }
0x1e: {  	s7 =	smul.u32 @!p0 $0xF7A, s2;
	p2 =	seq.s32 @!p0 s5, $0x0  }
0x1f: {  	s9 =	smul.u32 $0xF7A, s1;
	s8 =	simm.s32 @!p0 $0x1BF5;
	p2 =	por !p2, p0  }
0x20: {  	[sflag:s8] =	ssyncset.s32 @!p0 $0xFFFFF086;
	s6 =	sadd.s32 @!p0 s3, s7;
	s7 =	simm.s32 @!p0 $0x108  }
0x21: {  	s3 =	sadd.s32 s3, s9;
	s6 =	sadd.s32 @!p0 $0x88, s6;
	s7 =	simm.s32 @p2 $0x1082  }
0x22: {  	[simem:s7], [sflag:s8] =	dma.local @!p0 [hbm:s6], $0xF7A  }
0x23: {  	s9 =	sor.u32 $0xD0000000, s2;
	s6 =	simm.s32 $0x108;
	_ =	swait.ge @!p0 [sflag:s8], $0x0  }
0x24: {  	s3 =	sadd.s32 $0x88, s3;
	s6 =	simm.s32 @!p1 $0x1082;
	[sflag:s4] =	ssyncset.s32 $0xFFFFF086  }
0x25: {  	[simem:s6], [sflag:s4] =	dma.local [hbm:s3], $0xF7A  }
0x26: {  	[smem:$0x3F9B] =	sst s1;
	(tag) =	ssettag s2;
	_ =	strace s9  }
0x27: {  	s1 =	sld [smem:$0x3FAB]  }
0x28: {  	s2 =	sld [smem:$0x3FAC]  }
0x29: {  	s4 =	sld [smem:$0x3FAE]  }
0x2a: {  	p0 =	seq.s32 s5, $0x0;
	s5 =	sld [smem:$0x3FAF]  }
0x2b: {  	s6 =	sld [smem:$0x3FB0]  }
0x2c: {  	s7 =	sld [smem:$0x3FB1]  }
0x2d: {  	s3 =	simm.s32 $0x108;
	s8 =	sld [smem:$0x3FB2]  }
0x2e: {  	s3 =	simm.s32 @!p0 $0x1082;
	s9 =	sld [smem:$0x3FB3]  }
0x2f: {  	lr =	sadd.s32 s0, s3;
	s0 =	sld [smem:$0x3FAA]  }
0x30: {  	s3 =	sld [smem:$0x3FAD]  }
0x31: {  	[smem:$0x3FB6] =	sst s10  }
0x32: {  	s10 =	sld [smem:$0x3FB4];
	_ =	sdelay $0x3  }
0x33: {  	p0 =	seq.s32 s10, $0x1;
	s10 =	sld [smem:$0x3FB6];
	_ =	sdelay $0x3  }
0x34: {  	[smem:$0x3FB6] =	sst s10  }
0x35: {  	s10 =	sld [smem:$0x3FB5];
	_ =	sdelay $0x3  }
0x36: {  	p1 =	seq.s32 s10, $0x1;
	s10 =	sld [smem:$0x3FB6];
	_ =	sdelay $0x3  }
0x37: {  	[smem:$0x3FB6] =	sst s10  }
0x38: {  	s10 =	sld [smem:$0x3FB7]  }
0x39: {  	_ = 	snop;
	(pc) =	sbr.ind lr, $3  }
0x3a: {  	_ = 	snop  }
0x3b: {  	_ = 	snop  }
0x3c: {  	p2 =	seq.s32 s10, $0x1;
	s10 =	sld [smem:$0x3FB6]  }
0x3d: {  	_ =	shalt  }
0x3e: {  	_ =	shalt  }
0x3f: {  	_ =	shalt  }
0x40: {  	_ =	shalt  }
0x41: {  	_ =	shalt  }
0x42: {  	_ =	shalt  }
0x43: {  	_ =	shalt  }
0x44: {  	_ =	shalt  }
0x45: {  	_ =	shalt  }
0x46: {  	_ =	shalt  }
0x47: {  	_ =	shalt  }
0x48: {  	_ =	shalt  }
0x49: {  	_ =	shalt  }
0x4a: {  	_ =	shalt  }
0x4b: {  	_ =	shalt  }
0x4c: {  	_ =	shalt  }
0x4d: {  	_ =	shalt  }
0x4e: {  	_ =	shalt  }
0x4f: {  	_ =	shalt  }
0x50: {  	_ =	shalt  }
0x51: {  	_ =	shalt  }
0x52: {  	_ =	shalt  }
0x53: {  	_ =	shalt  }
0x54: {  	_ =	shalt  }
0x55: {  	_ =	shalt  }
0x56: {  	_ =	shalt  }
0x57: {  	_ =	shalt  }
0x58: {  	_ =	shalt  }
0x59: {  	_ =	shalt  }
0x5a: {  	_ =	shalt  }
0x5b: {  	_ =	shalt  }
0x5c: {  	_ =	shalt  }
0x5d: {  	_ =	shalt  }
0x5e: {  	_ =	shalt  }
0x5f: {  	_ =	shalt  }
0x60: {  	_ =	shalt  }
0x61: {  	_ =	shalt  }
0x62: {  	_ =	shalt  }
0x63: {  	_ =	shalt  }
0x64: {  	_ =	shalt  }
0x65: {  	_ =	shalt  }
0x66: {  	_ =	shalt  }
0x67: {  	_ =	shalt  }
0x68: {  	_ =	shalt  }
0x69: {  	_ =	shalt  }
0x6a: {  	_ =	shalt  }
0x6b: {  	_ =	shalt  }
0x6c: {  	_ =	shalt  }
0x6d: {  	_ =	shalt  }
0x6e: {  	_ =	shalt  }
0x6f: {  	_ =	shalt  }
0x70: {  	_ =	shalt  }
0x71: {  	_ =	shalt  }
0x72: {  	_ =	shalt  }
0x73: {  	_ =	shalt  }
0x74: {  	_ =	shalt  }
0x75: {  	_ =	shalt  }
0x76: {  	_ =	shalt  }
0x77: {  	_ =	shalt  }
0x78: {  	_ =	shalt  }
0x79: {  	_ =	shalt  }
0x7a: {  	_ =	shalt  }
0x7b: {  	_ =	shalt  }
0x7c: {  	_ =	shalt  }
0x7d: {  	_ =	shalt  }
0x7e: {  	_ =	shalt  }
0x7f: {  	_ =	shalt  }
0x80: {  	_ =	shalt  }
0x81: {  	_ =	shalt  }
0x82: {  	_ =	shalt  }
0x83: {  	_ =	shalt  }
0x84: {  	_ =	shalt  }
0x85: {  	_ =	shalt  }
0x86: {  	_ =	shalt  }
0x87: {  	_ =	shalt  }
.Lfunc_end0:
.L_simem_size_0:
called_computation_lowered:
.L_overlay_start_0:
0x88: {  	s2 =	sld [smem:$0x3FD9]  }
0x89: {  	s3 =	sld [smem:$0x3FFE];
	_ =	sdelay $0x1  }
0x8a: {  	s1 =	srdreg.scid  }
0x8b: {  	s0 =	sand.u32 $0x1, s1  }
0x8c: {  	s17 =	sshll.u32 s0, $0xA;
	s2 =	sadd.s32 s3, s2  }
0x8d: {  	s2 =	sadd.s32 s2, s17  }
0x8e: {  	[smem:$0x3FC2] =	sst s2  }
0x8f: {  	_ = 	snop  }
0x90: {  	s2 =	sld [smem:$0x3FD0];
	(tm) =	ssettm $0x1  }
0x91: {  	s18 =	sld [smem:$0x3FFB];
	_ =	sdelay $0x3  }
0x92: {  	_ =	strace s18  }
0x93: {  	s3 =	sld [smem:$0x3FFC];
	_ =	sdelay $0x3  }
0x94: {  	_ =	strace s3  }
0x95: {  	s3 =	sld [smem:$0x3FFD];
	_ =	sdelay $0x3  }
0x96: {  	_ =	strace s3  }
0x97: {  	_ =	strace $0x8FFFFFFF  }
0x98: {  	s19 =	sld [smem:$0x3FDB];
	_ =	sdelay $0x1  }
0x99: {  	s4 =	simm.s32 $_scs_section_size  }
0x9a: {  	s5 =	simm.s32 $_size__tile_overlayer_lowered;
	s6 =	simm.s32 $_tile_overlayer_lowered  }
0x9b: {  	s22 =	simm.s32 $0x1BFF;
	s21 =	sshll.u32 s6, $0x1;
	s3 =	sadd.s32 s4, s19  }
0x9c: {  	s7 =	simm.s32 $0x0;
	s20 =	sshll.u32 s5, $0x1;
	s5 =	sadd.s32 s21, s3  }
0x9d: {  	[timem:s7], [sflag:s22] =	dma.local [hbm:s5], s20  }
0x9e: {  	_ =	swait.ge [sflag:s22], s20  }
0x9f: {  	s4 =	ssub.s32 $0x0, s20;
	[sflag:s22] =	ssyncset.done $0x0  }
0xa0: {  	[sflag:s22] =	ssyncadd.s32 s4;
	_ =	sdelay $0x1  }
0xa1: {  	s23 =	simm.s32 $0x1B8B  }
0xa2: {  	_ =	swait.ge [sflag:s23], $0x1  }
0xa3: {  	[sflag:s23] =	ssyncset.done $0x0  }
0xa4: {  	s25 =	simm.s32 $0x1B8E;
	s24 =	sld [smem:$0x3FFE];
	[sflag:s23] =	ssyncadd.s32 $0xFFFFFFFF  }
0xa5: {  	s26 =	simm.s32 $execute0_lowered;
	[smem:$0x3FD2] =	sst s25  }
0xa6: {  	s5 =	sshll.u32 s26, $0x1;
	_ =	strace $0x80000046;
	[dreg:$0x1] =	wrdreg $0xFFFFFFFF  }
0xa7: {  	s28 =	simm.s32 $_size_execute0_lowered;
	s3 =	sadd.s32 s3, s5;
	[dreg:$0x0] =	wrdreg $0x0  }
0xa8: {  	s5 =	sshll.u32 s28, $0x1;
	[dreg:$0x2] =	wrdreg s3  }
0xa9: {  	[dreg:$0x3] =	wrdreg s5  }
0xaa: {  	[dreg:$0x4] =	wrdreg $0xC0  }
0xab: {  	_ =	task [dreg:s7], $0x5FFFF  }
0xac: {  	[dreg:$0x1] =	wrdreg $0xFFFFFFFF  }
0xad: {  	[dreg:$0x0] =	wrdreg $0x60  }
0xae: {  	[dreg:$0x2] =	wrdreg s24  }
0xaf: {  	[dreg:$0x3] =	wrdreg s2  }
0xb0: {  	[dreg:$0x4] =	wrdreg $0x9  }
0xb1: {  	_ =	task.clear_ibuf [dreg:s7], $0x5FFFF;
	_ =	strace $0x90000046  }
0xb2: {  	s29 =	simm.s32 $0x9;
	_ =	strace $0x80000048  }
0xb3: {  	_ =	swait.ge [sflag:s29], $0x1  }
0xb4: {  	[sflag:s29] =	ssyncadd.s32 $0xFFFFFFFF  }
0xb5: {  	_ =	strace $0x90000048  }
0xb6: {  	_ =	sfence  }
0xb7: {  	s30 =	sld [smem:$0x0];
	_ =	sdelay $0x2  }
0xb8: {  	s31 =	sshll.u32 s1, $0xD;
	s1 =	sshrl.u32 s1, $0x2  }
0xb9: {  	s3 =	sand.u32 $0x4000, s31;
	s1 =	sadd.s32 s1, s30  }
0xba: {  	s0 =	sor.u32 s3, s0;
	s1 =	sshll.u32 s1, $0x11  }
0xbb: {  	s0 =	sor.u32 s1, s0  }
0xbc: {  	s0 =	sadd.s32 $0x8F2B, s0  }
0xbd: {  	[sflag:s0] =	ssyncadd.remote.s32 $0x1  }
0xbe: {  	_ =	sfence.sel $0xFFFF  }
0xbf: {  	[dreg:$0x0] =	wrdreg $0xFFFFFFFF;
	(pc) =	sbr.abs _section_cstart, $3  }
0xc0: {  	[dreg:$0x1] =	wrdreg $0xFFFFFFFF  }
0xc1: {  	_ =	task.clear_ibuf [dreg:s7], $0x2FFFF;
	_ =	strace $0x9FFFFFFF  }
0xc2: {  	(tm) =	ssettm $0x7FFFFFFF  }
0xc3: {  	_ =	shalt  }
tec
execute0_lowered:
.L_overlay_start_1:
0x0: {  	(tag) =	ssettag $0x1  }
0x1: {  	s0 =	rddreg [dreg:$0x0]  }
0x2: {  	s1 =	srdreg.scid;
	s3 =	stileid.u32  }
0x3: {  	s2 =	rddreg [dreg:$0x1];
	s8 =	simm.s32 $0x0;
	s11 =	simm.s32 $0x5;
	v0 =	vimm.f32 $0.0e+00;
	v1 =	vimm.s32 $0x0;
	v2 =	vimm.s32 $0xF  }
0x4: {  	s15 =	simm.s32 $0x80;
	vm0 =	vmmov $0x1;
	v3 =	vimm.s32 $0x1;
	vm1 =	vcmask $0x30C;
	s30 =	simm.s32 $0x13400;
	s13 =	simm.s32 $0xBC00  }
0x5: {  	v4 =	vimm.s32 $0x2;
	vm2 =	vcmask $0xF0C;
	vm3 =	vcmask $0x714;
	s23 =	simm.s32 $0x13C00;
	s28 =	simm.s32 $0x1;
	s19 =	simm.s32 $0x4  }
0x6: {  	v5 =	vimm.s32 $0x3;
	v6 =	vimm.s32 $0x4;
	vm4 =	vcmask $0xF18;
	s1 =	sand.u32 $0x1, s1;
	s3 =	sshll.u32 s3, $0x1;
	[smem:$0x7FF] =	sst s8  }
0x7: {  	v7 =	vimm.s32 $0x5;
	vm5 =	vcmask $0x131C;
	vm6 =	vcmask $0x1F1C;
	s18 =	simm.s32 $0x3;
	s4 =	sor.u32 s1, s3;
	_ =	strace $0x80000047  }
0x8: {  	vm7 =	vcmask $0x1724;
	v8 =	vimm.s32 $0x6;
	v9 =	vimm.s32 $0x7;
	s1 =	ssub.s32 $0x2, s1;
	s3 =	sshll.u32 s4, $0xB;
	s6 =	sshll.u32 s4, $0x6  }
0x9: {  	v10 =	vimm.s32 $0x8;
	vm8 =	vcmask $0x1F28;
	v11 =	vimm.s32 $0x9;
	s4 =	sadd.s32 $0x1E85400, s0;
	s5 =	sadd.s32 s3, s0;
	s2 =	sadd.s32 s2, s6  }
0xa: {  	vm10 =	vcmask $0x2F2C;
	vm11 =	vcmask $0x2734;
	vm9 =	vcmask $0x232C;
	s3 =	sadd.s32 $0x2255E00, s0;
	s26 =	sadd.s32 $0x10C00, s5;
	[dreg:$0x5] =	wrdreg s2  }
0xb: {  	v12 =	vimm.s32 $0xA;
	v13 =	vimm.s32 $0xB;
	v14 =	vimm.s32 $0xC;
	s0 =	sadd.s32 s6, s0;
	s5 =	sadd.s32 $0xC00, s5;
	[dreg:$0x3] =	wrdreg s26  }
0xc: {  	vm12 =	vcmask $0x2F38;
	v15 =	vimm.s32 $0xD;
	vm13 =	vcmask $0x333C;
	s7 =	sshrl.u32 s1, $0x1;
	s29 =	sadd.s32 $0x20C00, s0;
	[dreg:$0x4] =	wrdreg s5  }
0xd: {  	v16 =	vimm.s32 $0xE;
	vm14 =	vmmov $0x3fff;
	vm15 =	vmmov $0x7fff;
	s1 =	ssub.s32 s1, s7;
	s0 =	sadd.s32 $0x21400, s0;
	[dreg:$0x6] =	wrdreg s29  }
0xe: {  	s20 =	simm.s32 $0x0;
	vm2 =	vmor vm3, vm2;
	vm3 =	vcmask $0xB14;
	vm6 =	vmor vm7, vm6;
	s31 =	smax.u32 s1, $0x1;
	[dreg:$0x7] =	wrdreg s0  }
0xf: {  	s25 =	simm.s32 $0xC400;
	vm7 =	vcmask $0x1B24;
	vm10 =	vmor vm11, vm10;
	vm11 =	vcmask $0x2B34;
	s1 =	simm.s32 $0x2;
	[dreg:$0x8] =	wrdreg s31  }
.LBB2_1:
0x10: {  	s0 =	rddreg [dreg:$0x3]  }
0x11: {  	[tilespmem:s8], [sflag:$0x5] =	stream.linear.gather [hbm4b:s0+s8], $0x4000, $0x38;
	[tilespmem:$0x18600] =	vst v63  }
0x12: {  	_ =	swait.ge [sflag:s11], $0x4000  }
0x13: {  	[sflag:s11] =	ssyncset.done $0x0  }
0x14: {  	s2 =	simm.s32 $0x4000;
	s7 =	rddreg [dreg:$0x4];
	[sflag:s11] =	ssyncadd.s32 $0xFFFFC000  }
0x15: {  	[tilespmem:s2], [sflag:$0x5] =	stream.linear.gather [hbm4b:s7+s8], $0x4000, $0x38;
	[tilespmem:$0x18600] =	vst v63  }
0x16: {  	_ =	swait.ge [sflag:s11], $0x4000  }
0x17: {  	[sflag:s11] =	ssyncset.done $0x0  }
0x18: {  	s5 =	simm.s32 $0x8000;
	s9 =	rddreg [dreg:$0x5];
	[sflag:s11] =	ssyncadd.s32 $0xFFFFC000  }
0x19: {  	[tilespmem:s5], [sflag:$0x5] =	stream.linear.gather [hbm4b:s9+s8], $0x200, $0x38;
	[tilespmem:$0x18600] =	vst v63  }
0x1a: {  	_ =	swait.ge [sflag:s11], $0x200  }
0x1b: {  	[sflag:s11] =	ssyncset.done $0x0  }
0x1c: {  	s12 =	simm.s32 $0x8200;
	s10 =	rddreg [dreg:$0x6];
	[sflag:s11] =	ssyncadd.s32 $0xFFFFFE00  }
0x1d: {  	[tilespmem:s12], [sflag:$0x5] =	stream.linear.gather [hbm4b:s10+s8], $0x200, $0x38;
	[tilespmem:$0x18600] =	vst v63  }
0x1e: {  	_ =	swait.ge [sflag:s11], $0x200  }
0x1f: {  	[sflag:s11] =	ssyncset.done $0x0  }
0x20: {  	[sflag:s11] =	ssyncadd.s32 $0xFFFFFE00  }
0x21: {  	[tilespmem:$0x18400] =	vst v0  }
0x22: {  	[tilespmem:$0x18410] =	vst v0  }
0x23: {  	[tilespmem:$0x18420] =	vst v0  }
0x24: {  	[tilespmem:$0x18430] =	vst v0  }
0x25: {  	[tilespmem:$0x18440] =	vst v0  }
0x26: {  	[tilespmem:$0x18450] =	vst v0  }
0x27: {  	[tilespmem:$0x18460] =	vst v0  }
0x28: {  	[tilespmem:$0x18470] =	vst v0  }
0x29: {  	[tilespmem:$0x18480] =	vst v0  }
0x2a: {  	[tilespmem:$0x18490] =	vst v0  }
0x2b: {  	[tilespmem:$0x184A0] =	vst v0  }
0x2c: {  	[tilespmem:$0x184B0] =	vst v0  }
0x2d: {  	[tilespmem:$0x184C0] =	vst v0  }
0x2e: {  	[tilespmem:$0x184D0] =	vst v0  }
0x2f: {  	[tilespmem:$0x184E0] =	vst v0  }
0x30: {  	[tilespmem:$0x184F0] =	vst v0  }
0x31: {  	[tilespmem:$0x18500] =	vst v0  }
0x32: {  	[tilespmem:$0x18510] =	vst v0  }
0x33: {  	[tilespmem:$0x18520] =	vst v0  }
0x34: {  	[tilespmem:$0x18530] =	vst v0  }
0x35: {  	[tilespmem:$0x18540] =	vst v0  }
0x36: {  	[tilespmem:$0x18550] =	vst v0  }
0x37: {  	[tilespmem:$0x18560] =	vst v0  }
0x38: {  	[tilespmem:$0x18570] =	vst v0  }
0x39: {  	[tilespmem:$0x18580] =	vst v0  }
0x3a: {  	[tilespmem:$0x18590] =	vst v0  }
0x3b: {  	[tilespmem:$0x185A0] =	vst v0  }
0x3c: {  	[tilespmem:$0x185B0] =	vst v0  }
0x3d: {  	[tilespmem:$0x185C0] =	vst v0  }
0x3e: {  	[tilespmem:$0x185D0] =	vst v0  }
0x3f: {  	[tilespmem:$0x185E0] =	vst v0  }
0x40: {  	s14 =	simm.s32 $0x8400;
	[tilespmem:$0x185F0] =	vst v0  }
0x41: {  	[tilespmem:s14], [sflag:$0x1] =	stream.indirect.gather [hbm4b:s3+s15], $0x10, s8, s15, $0xb8;
	[tilespmem:$0x18600] =	vst v63  }
0x42: {  	s16 =	simm.s32 $0x10400  }
0x43: {  	[tilespmem:s16], [sflag:$0x3] =	stream.indirect.gather [hbm4b:s4+s15], $0x10, s2, s15, $0xb8;
	[tilespmem:$0x18600] =	vst v63  }
0x44: {  	s17 =	simm.s32 $0x8C00  }
0x45: {  	[tilespmem:s17], [sflag:$0x1] =	stream.indirect.gather [hbm4b:s3+s15], $0x10, s15, s15, $0xb8;
	[tilespmem:$0x18600] =	vst v63  }
0x46: {  	s21 =	simm.s32 $0x4080;
	s22 =	simm.s32 $0x10C00  }
0x47: {  	[tilespmem:s22], [sflag:$0x3] =	stream.indirect.gather [hbm4b:s4+s15], $0x10, s21, s15, $0xb8;
	[tilespmem:$0x18600] =	vst v63  }
0x48: {  	s24 =	simm.s32 $0x100;
	s26 =	simm.s32 $0x9400  }
0x49: {  	[tilespmem:s26], [sflag:$0x1] =	stream.indirect.gather [hbm4b:s3+s15], $0x10, s24, s15, $0xb8;
	[tilespmem:$0x18600] =	vst v63  }
0x4a: {  	s29 =	simm.s32 $0x4100;
	s31 =	simm.s32 $0x11400  }
0x4b: {  	[tilespmem:s31], [sflag:$0x3] =	stream.indirect.gather [hbm4b:s4+s15], $0x10, s29, s15, $0xb8;
	[tilespmem:$0x18600] =	vst v63  }
0x4c: {  	s5 =	simm.s32 $0x9C00;
	s2 =	simm.s32 $0x180  }
0x4d: {  	[tilespmem:s5], [sflag:$0x1] =	stream.indirect.gather [hbm4b:s3+s15], $0x10, s2, s15, $0xb8;
	[tilespmem:$0x18600] =	vst v63  }
0x4e: {  	s6 =	simm.s32 $0x4180;
	s7 =	simm.s32 $0x11C00  }
0x4f: {  	[tilespmem:s7], [sflag:$0x3] =	stream.indirect.gather [hbm4b:s4+s15], $0x10, s6, s15, $0xb8;
	[tilespmem:$0x18600] =	vst v63  }
0x50: {  	s9 =	simm.s32 $0xA400;
	s8 =	simm.s32 $0x200  }
0x51: {  	[tilespmem:s9], [sflag:$0x1] =	stream.indirect.gather [hbm4b:s3+s15], $0x10, s8, s15, $0xb8;
	[tilespmem:$0x18600] =	vst v63  }
0x52: {  	s10 =	simm.s32 $0x4200;
	s12 =	simm.s32 $0x12400  }
0x53: {  	[tilespmem:s12], [sflag:$0x3] =	stream.indirect.gather [hbm4b:s4+s15], $0x10, s10, s15, $0xb8;
	[tilespmem:$0x18600] =	vst v63  }
0x54: {  	s14 =	simm.s32 $0x280;
	s16 =	simm.s32 $0xAC00  }
0x55: {  	[tilespmem:s16], [sflag:$0x1] =	stream.indirect.gather [hbm4b:s3+s15], $0x10, s14, s15, $0xb8;
	[tilespmem:$0x18600] =	vst v63  }
0x56: {  	s17 =	simm.s32 $0x4280;
	s21 =	simm.s32 $0x12C00  }
0x57: {  	[tilespmem:s21], [sflag:$0x3] =	stream.indirect.gather [hbm4b:s4+s15], $0x10, s17, s15, $0xb8;
	[tilespmem:$0x18600] =	vst v63  }
0x58: {  	s22 =	simm.s32 $0x300;
	s24 =	simm.s32 $0xB400  }
0x59: {  	[tilespmem:s24], [sflag:$0x1] =	stream.indirect.gather [hbm4b:s3+s15], $0x10, s22, s15, $0xb8;
	[tilespmem:$0x18600] =	vst v63  }
0x5a: {  	s26 =	simm.s32 $0x4300  }
0x5b: {  	[tilespmem:s30], [sflag:$0x3] =	stream.indirect.gather [hbm4b:s4+s15], $0x10, s26, s15, $0xb8;
	[tilespmem:$0x18600] =	vst v63  }
0x5c: {  	s29 =	simm.s32 $0x380  }
0x5d: {  	[tilespmem:s13], [sflag:$0x1] =	stream.indirect.gather [hbm4b:s3+s15], $0x10, s29, s15, $0xb8;
	[tilespmem:$0x18600] =	vst v63  }
0x5e: {  	p0 =	por $0x0, $0x0;
	s0 =	simm.s32 $0x0;
	s31 =	simm.s32 $0x4380  }
0x5f: {  	[tilespmem:s23], [sflag:$0x3] =	stream.indirect.gather [hbm4b:s4+s15], $0x10, s31, s15, $0xb8;
	[tilespmem:$0x18600] =	vst v63  }
.LBB2_3:
0x60: {  	p1 =	seq.s32 s0, $0xF  }
.Ltmp0:
0x61: {  	_ = 	snop;
	(pc) =	sbr.rel @p1 .LBB2_7-.Ltmp0, $2  }
0x62: {  	_ =	sdelay $0x2  }
0x63: {  	s10 =	sadd.s32 $0x1, s0  }
0x64: {  	s2 =	sand.u32 $0x1, s0;
	s21 =	sshll.u32 s10, $0xA  }
0x65: {  	p1 =	seq.s32 s2, $0x1;
	s14 =	sadd.s32 $0x4000, s21  }
.Ltmp1:
0x66: {  	s17 =	sor.u32 $0x80, s21;
	s0 =	sadd.s32 $0x4080, s21;
	(pc) =	sbr.rel @!p1 .LBB2_5-.Ltmp1, $4  }
0x67: {  	s9 =	sor.u32 $0x100, s21;
	s16 =	sadd.s32 $0x4100, s21;
	s8 =	sor.u32 $0x180, s21  }
0x68: {  	s31 =	sadd.s32 $0x4180, s21;
	s29 =	sor.u32 $0x200, s21;
	s7 =	sadd.s32 $0x4200, s21  }
0x69: {  	s6 =	sor.u32 $0x280, s21;
	s5 =	sadd.s32 $0x4280, s21;
	s26 =	sor.u32 $0x300, s21  }
0x6a: {  	s24 =	sadd.s32 $0x4300, s21;
	s22 =	sor.u32 $0x380, s21;
	s12 =	sadd.s32 $0x4380, s21  }
0x6b: {  	s2 =	simm.s32 $0x8400  }
0x6c: {  	[tilespmem:s2], [sflag:$0x1] =	stream.indirect.gather [hbm4b:s3+s15], $0x10, s21, s15, $0xb8;
	[tilespmem:$0x18600] =	vst v63  }
0x6d: {  	s21 =	simm.s32 $0x10400  }
0x6e: {  	[tilespmem:s21], [sflag:$0x3] =	stream.indirect.gather [hbm4b:s4+s15], $0x10, s14, s15, $0xb8;
	[tilespmem:$0x18600] =	vst v63  }
0x6f: {  	s14 =	simm.s32 $0x8C00  }
0x70: {  	[tilespmem:s14], [sflag:$0x1] =	stream.indirect.gather [hbm4b:s3+s15], $0x10, s17, s15, $0xb8;
	[tilespmem:$0x18600] =	vst v63  }
0x71: {  	s17 =	simm.s32 $0x10C00  }
0x72: {  	[tilespmem:s17], [sflag:$0x3] =	stream.indirect.gather [hbm4b:s4+s15], $0x10, s0, s15, $0xb8;
	[tilespmem:$0x18600] =	vst v63  }
0x73: {  	s21 =	simm.s32 $0x9400  }
0x74: {  	[tilespmem:s21], [sflag:$0x1] =	stream.indirect.gather [hbm4b:s3+s15], $0x10, s9, s15, $0xb8;
	[tilespmem:$0x18600] =	vst v63  }
0x75: {  	s2 =	simm.s32 $0x11400  }
0x76: {  	[tilespmem:s2], [sflag:$0x3] =	stream.indirect.gather [hbm4b:s4+s15], $0x10, s16, s15, $0xb8;
	[tilespmem:$0x18600] =	vst v63  }
0x77: {  	s9 =	simm.s32 $0x9C00  }
0x78: {  	[tilespmem:s9], [sflag:$0x1] =	stream.indirect.gather [hbm4b:s3+s15], $0x10, s8, s15, $0xb8;
	[tilespmem:$0x18600] =	vst v63  }
0x79: {  	s14 =	simm.s32 $0x11C00  }
0x7a: {  	[tilespmem:s14], [sflag:$0x3] =	stream.indirect.gather [hbm4b:s4+s15], $0x10, s31, s15, $0xb8;
	[tilespmem:$0x18600] =	vst v63  }
0x7b: {  	s16 =	simm.s32 $0xA400  }
0x7c: {  	[tilespmem:s16], [sflag:$0x1] =	stream.indirect.gather [hbm4b:s3+s15], $0x10, s29, s15, $0xb8;
	[tilespmem:$0x18600] =	vst v63  }
0x7d: {  	s17 =	simm.s32 $0x12400  }
0x7e: {  	[tilespmem:s17], [sflag:$0x3] =	stream.indirect.gather [hbm4b:s4+s15], $0x10, s7, s15, $0xb8;
	[tilespmem:$0x18600] =	vst v63  }
0x7f: {  	s21 =	simm.s32 $0xAC00  }
0x80: {  	[tilespmem:s21], [sflag:$0x1] =	stream.indirect.gather [hbm4b:s3+s15], $0x10, s6, s15, $0xb8;
	[tilespmem:$0x18600] =	vst v63  }
0x81: {  	s29 =	simm.s32 $0x12C00  }
0x82: {  	[tilespmem:s29], [sflag:$0x3] =	stream.indirect.gather [hbm4b:s4+s15], $0x10, s5, s15, $0xb8;
	[tilespmem:$0x18600] =	vst v63  }
0x83: {  	s31 =	simm.s32 $0xB400  }
0x84: {  	[tilespmem:s31], [sflag:$0x1] =	stream.indirect.gather [hbm4b:s3+s15], $0x10, s26, s15, $0xb8;
	[tilespmem:$0x18600] =	vst v63  }
0x85: {  	_ = 	snop  }
0x86: {  	[tilespmem:s30], [sflag:$0x3] =	stream.indirect.gather [hbm4b:s4+s15], $0x10, s24, s15, $0xb8;
	[tilespmem:$0x18600] =	vst v63  }
.Ltmp2:
0x87: {  	_ = 	snop;
	(pc) =	sbr.rel .LBB2_7-.Ltmp2, $4  }
0x88: {  	_ = 	snop  }
0x89: {  	[tilespmem:s13], [sflag:$0x1] =	stream.indirect.gather [hbm4b:s3+s15], $0x10, s22, s15, $0xb8;
	[tilespmem:$0x18600] =	vst v63  }
0x8a: {  	_ = 	snop  }
0x8b: {  	[tilespmem:s23], [sflag:$0x3] =	stream.indirect.gather [hbm4b:s4+s15], $0x10, s12, s15, $0xb8;
	[tilespmem:$0x18600] =	vst v63  }
.LBB2_5:
0x8c: {  	[tilespmem:s25], [sflag:$0x2] =	stream.indirect.gather [hbm4b:s3+s15], $0x10, s21, s15, $0xb8;
	[tilespmem:$0x18600] =	vst v63  }
0x8d: {  	s21 =	simm.s32 $0x14400  }
0x8e: {  	[tilespmem:s21], [sflag:$0x4] =	stream.indirect.gather [hbm4b:s4+s15], $0x10, s14, s15, $0xb8;
	[tilespmem:$0x18600] =	vst v63  }
0x8f: {  	s21 =	simm.s32 $0xCC00  }
0x90: {  	[tilespmem:s21], [sflag:$0x2] =	stream.indirect.gather [hbm4b:s3+s15], $0x10, s17, s15, $0xb8;
	[tilespmem:$0x18600] =	vst v63  }
0x91: {  	s21 =	simm.s32 $0x14C00  }
0x92: {  	[tilespmem:s21], [sflag:$0x4] =	stream.indirect.gather [hbm4b:s4+s15], $0x10, s0, s15, $0xb8;
	[tilespmem:$0x18600] =	vst v63  }
0x93: {  	s14 =	simm.s32 $0xD400  }
0x94: {  	[tilespmem:s14], [sflag:$0x2] =	stream.indirect.gather [hbm4b:s3+s15], $0x10, s9, s15, $0xb8;
	[tilespmem:$0x18600] =	vst v63  }
0x95: {  	s17 =	simm.s32 $0x15400  }
0x96: {  	[tilespmem:s17], [sflag:$0x4] =	stream.indirect.gather [hbm4b:s4+s15], $0x10, s16, s15, $0xb8;
	[tilespmem:$0x18600] =	vst v63  }
0x97: {  	s21 =	simm.s32 $0xDC00  }
0x98: {  	[tilespmem:s21], [sflag:$0x2] =	stream.indirect.gather [hbm4b:s3+s15], $0x10, s8, s15, $0xb8;
	[tilespmem:$0x18600] =	vst v63  }
0x99: {  	s8 =	simm.s32 $0x15C00  }
0x9a: {  	[tilespmem:s8], [sflag:$0x4] =	stream.indirect.gather [hbm4b:s4+s15], $0x10, s31, s15, $0xb8;
	[tilespmem:$0x18600] =	vst v63  }
0x9b: {  	s9 =	simm.s32 $0xE400  }
0x9c: {  	[tilespmem:s9], [sflag:$0x2] =	stream.indirect.gather [hbm4b:s3+s15], $0x10, s29, s15, $0xb8;
	[tilespmem:$0x18600] =	vst v63  }
0x9d: {  	s14 =	simm.s32 $0x16400  }
0x9e: {  	[tilespmem:s14], [sflag:$0x4] =	stream.indirect.gather [hbm4b:s4+s15], $0x10, s7, s15, $0xb8;
	[tilespmem:$0x18600] =	vst v63  }
0x9f: {  	s16 =	simm.s32 $0xEC00  }
0xa0: {  	[tilespmem:s16], [sflag:$0x2] =	stream.indirect.gather [hbm4b:s3+s15], $0x10, s6, s15, $0xb8;
	[tilespmem:$0x18600] =	vst v63  }
0xa1: {  	s17 =	simm.s32 $0x16C00  }
0xa2: {  	[tilespmem:s17], [sflag:$0x4] =	stream.indirect.gather [hbm4b:s4+s15], $0x10, s5, s15, $0xb8;
	[tilespmem:$0x18600] =	vst v63  }
0xa3: {  	s21 =	simm.s32 $0xF400  }
0xa4: {  	[tilespmem:s21], [sflag:$0x2] =	stream.indirect.gather [hbm4b:s3+s15], $0x10, s26, s15, $0xb8;
	[tilespmem:$0x18600] =	vst v63  }
0xa5: {  	s26 =	simm.s32 $0x17400  }
0xa6: {  	[tilespmem:s26], [sflag:$0x4] =	stream.indirect.gather [hbm4b:s4+s15], $0x10, s24, s15, $0xb8;
	[tilespmem:$0x18600] =	vst v63  }
0xa7: {  	s29 =	simm.s32 $0xFC00  }
0xa8: {  	[tilespmem:s29], [sflag:$0x2] =	stream.indirect.gather [hbm4b:s3+s15], $0x10, s22, s15, $0xb8;
	[tilespmem:$0x18600] =	vst v63  }
0xa9: {  	s31 =	simm.s32 $0x17C00  }
0xaa: {  	[tilespmem:s31], [sflag:$0x4] =	stream.indirect.gather [hbm4b:s4+s15], $0x10, s12, s15, $0xb8;
	[tilespmem:$0x18600] =	vst v63  }
0xab: {  	p1 =	seq.s32 s2, $0x0;
	_ =	swait.ge [sflag:s28], $0x4000  }
.Ltmp3:
0xac: {  	[sflag:s28] =	ssyncset.done $0x0;
	(pc) =	sbr.rel @p1 .LBB2_8-.Ltmp3, $4  }
0xad: {  	[sflag:s28] =	ssyncadd.s32 $0xFFFFC000  }
0xae: {  	_ =	swait.ge [sflag:s18], $0x4000  }
0xaf: {  	[sflag:s18] =	ssyncset.done $0x0  }
0xb0: {  	[sflag:s18] =	ssyncadd.s32 $0xFFFFC000  }
.LBB2_7:
0xb1: {  	_ =	swait.ge [sflag:s1], $0x4000  }
0xb2: {  	[sflag:s1] =	ssyncset.done $0x0  }
0xb3: {  	[sflag:s1] =	ssyncadd.s32 $0xFFFFC000  }
0xb4: {  	_ =	swait.ge [sflag:s19], $0x4000  }
0xb5: {  	[sflag:s19] =	ssyncset.done $0x0  }
0xb6: {  	[sflag:s19] =	ssyncadd.s32 $0xFFFFC000  }
.LBB2_8:
0xb7: {  	s0 =	simm.s32 $0x1  }
0xb8: {  	s0 =	simm.s32 @!p0 $0x0  }
0xb9: {  	s0 =	sshll.u32 s0, $0xE  }
0xba: {  	s12 =	simm.s32 $0x0;
	s22 =	sor.u32 $0x12400, s0;
	s2 =	sor.u32 $0xA400, s0  }
.LBB2_9:
0xbb: {  	s24 =	sshra.s32 s12, $0x2;
	v19 =	vld [tilespmem:s2+$0xFFFFE000]  }
0xbc: {  	v17 =	vld [tilespmem:s24+$0x8000]  }
0xbd: {  	v18 =	vld [tilespmem:s24+$0x8200]  }
0xbe: {  	v20 =	vld [tilespmem:s22+$0xFFFFE000]  }
0xbf: {  	v21 =	vld [tilespmem:s2+$0x0]  }
0xc0: {  	v22 =	vld [tilespmem:s22+$0x0]  }
0xc1: {  	v25 =	vld [tilespmem:s2+$0xFFFFE010];
	v23 =	vperm.xlane v17, v1  }
0xc2: {  	v26 =	vld [tilespmem:s22+$0xFFFFE010];
	v24 =	vperm.xlane v18, v1;
	v46 =	vperm.xlane v17, v3  }
0xc3: {  	v45 =	vld [tilespmem:s22+$0x10];
	v28 =	vperm.xlane v18, v3;
	v32 =	vperm.xlane v17, v4  }
0xc4: {  	v29 =	vld [tilespmem:s2+$0xFFFFE020];
	v33 =	vperm.xlane v18, v4;
	v58 =	vperm.xlane v17, v5  }
0xc5: {  	v50 =	vld [tilespmem:s2+$0x20];
	v59 =	vperm.xlane v18, v5;
	v41 =	vperm.xlane v17, v6  }
0xc6: {  	v51 =	vld [tilespmem:s2+$0xFFFFE030];
	v42 =	vperm.xlane v18, v6;
	v23 =	vand.u32 $0xF, v23;
	v24 =	vand.u32 $0xF, v24  }
0xc7: {  	v54 =	vld [tilespmem:s22+$0xFFFFE030];
	v62 =	vand.u32 $0xF, v58;
	v58 =	vperm.xlane v18, v8;
	v19 =	vperm.xlane v19, v23  }
0xc8: {  	v48 =	vand.u32 $0xF, v46;
	v20 =	vperm.xlane v20, v24;
	v21 =	vperm.xlane v21, v23  }
0xc9: {  	v27 =	vld [tilespmem:s2+$0x10];
	v49 =	vand.u32 $0xF, v28;
	v22 =	vperm.xlane v22, v24;
	v25 =	vperm.xlane v25, v48  }
0xca: {  	v47 =	vld [tilespmem:s22+$0xFFFFE020];
	v52 =	vand.u32 $0xF, v32;
	v26 =	vperm.xlane v26, v49;
	v23 =	vperm.xlane v45, v49  }
0xcb: {  	v30 =	vld [tilespmem:s22+$0x20];
	v63 =	vand.u32 $0xF, v59;
	v55 =	vperm.xlane v29, v52;
	v24 =	vperm.xlane v50, v52  }
0xcc: {  	v36 =	vld [tilespmem:s22+$0xFFFFE040];
	v37 =	vperm.xlane v51, v62;
	v38 =	vperm.xlane v54, v63  }
0xcd: {  	v39 =	vld [tilespmem:s2+$0x40];
	v49 =	vperm.xlane v17, v7;
	v50 =	vperm.xlane v18, v7  }
0xce: {  	v56 =	vld [tilespmem:s2+$0x30];
	v19 =	vmul.f32 v20, v19;
	v21 =	vmul.f32 v22, v21  }
0xcf: {  	v57 =	vld [tilespmem:s22+$0x30];
	v53 =	vand.u32 $0xF, v33;
	v25 =	vmul.f32 v26, v25;
	v22 =	vperm.xlane v27, v48  }
0xd0: {  	v60 =	vld [tilespmem:s2+$0xFFFFE040];
	v46 =	vand.u32 $0xF, v42;
	v20 =	vperm.xlane v47, v53;
	v27 =	vperm.xlane v30, v53  }
0xd1: {  	v40 =	vld [tilespmem:s22+$0x40];
	v45 =	vand.u32 $0xF, v41;
	v43 =	vmul.f32 v38, v37;
	v30 =	vperm.xlane v36, v46  }
0xd2: {  	v44 =	vld [tilespmem:s22+$0xFFFFE050];
	v26 =	vperm.xlane v39, v45;
	v52 =	vand.u32 $0xF, v50;
	v39 =	vperm.xlane v17, v9  }
0xd3: {  	v31 =	vld [tilespmem:s24+$0x18400];
	v50 =	vperm.xlane v18, v10;
	v19 =	vadd.f32 $0.0e+00, v19;
	v61 =	vmul.f32 v27, v24  }
0xd4: {  	v48 =	vld [tilespmem:s22+$0x50];
	v25 =	vadd.f32 $0.0e+00, v25;
	v24 =	vperm.xlane v56, v62;
	v27 =	vperm.xlane v57, v63  }
0xd5: {  	v51 =	vld [tilespmem:s2+$0xFFFFE060];
	v22 =	vmul.f32 v23, v22;
	v20 =	vmul.f32 v20, v55;
	v23 =	vadd.f32 $0.0e+00, v43  }
0xd6: {  	v57 =	vperm.xlane v17, v8;
	v19 =	vadd.f32 v21, v19;
	v24 =	vmul.f32 v27, v24  }
0xd7: {  	v53 =	vld [tilespmem:s22+$0xFFFFE060];
	v22 =	vadd.f32 v22, v25;
	v21 =	vperm.xlane v60, v45;
	v27 =	vperm.xlane v40, v46  }
0xd8: {  	v55 =	vld [tilespmem:s2+$0x60];
	v20 =	vadd.f32 $0.0e+00, v20;
	v25 =	vperm.xlane v44, v52;
	v40 =	vperm.xlane v18, v9  }
0xd9: {  	v62 =	vld [tilespmem:s22+$0xFFFFE070];
	v60 =	vand.u32 $0xF, v57;
	v57 =	vperm.xlane v18, v11;
	v28 =	vperm.xlane v48, v52  }
0xda: {  	v63 =	vperm.xlane v51, v60;
	v19 =	vadd.f32 v19, v31;
	v22 =	vadd.f32 v22, v31  }
0xdb: {  	v34 =	vld [tilespmem:s2+$0xFFFFE050];
	v20 =	vadd.f32 v61, v20;
	v21 =	vmul.f32 v30, v21;
	v23 =	vadd.f32 v24, v23  }
0xdc: {  	v47 =	vld [tilespmem:s2+$0x50];
	v26 =	vmul.f32 v27, v26;
	v61 =	vand.u32 $0xF, v58;
	v44 =	vand.u32 $0xF, v40  }
0xdd: {  	v48 =	vld [tilespmem:s22+$0x80];
	v36 =	vperm.xlane v53, v61;
	v27 =	vperm.xlane v55, v60;
	v19 =	vsel vm0, v19, v31  }
0xde: {  	v56 =	vld [tilespmem:s22+$0x60];
	v46 =	vperm.xlane v62, v44;
	v53 =	vand.u32 $0xF, v50;
	v22 =	vsel vm1, v19, v22  }
0xdf: {  	v59 =	vld [tilespmem:s2+$0xFFFFE070];
	v19 =	vadd.f32 v20, v19;
	v20 =	vand.u32 $0xF, v49;
	v41 =	vmul.f32 v36, v63  }
0xe0: {  	v37 =	vld [tilespmem:s2+$0x70];
	v21 =	vadd.f32 $0.0e+00, v21;
	v49 =	vperm.xlane v17, v10;
	v54 =	vperm.xlane v34, v20  }
0xe1: {  	v38 =	vld [tilespmem:s22+$0x70];
	v36 =	vperm.xlane v17, v12;
	v20 =	vperm.xlane v47, v20;
	v23 =	vadd.f32 v23, v22  }
0xe2: {  	v45 =	vld [tilespmem:s22+$0xFFFFE080];
	v21 =	vadd.f32 v26, v21;
	v58 =	vperm.xlane v48, v53;
	v24 =	vmul.f32 v25, v54  }
0xe3: {  	v52 =	vld [tilespmem:s22+$0xFFFFE090];
	v19 =	vsel vm2, v22, v19;
	v20 =	vmul.f32 v28, v20;
	v28 =	vperm.xlane v56, v61  }
0xe4: {  	v42 =	vld [tilespmem:s2+$0xFFFFE080];
	v19 =	vsel vm3, v19, v23;
	v23 =	vand.u32 $0xF, v39;
	v56 =	vperm.xlane v17, v11  }
0xe5: {  	v55 =	vld [tilespmem:s22+$0x90];
	v21 =	vadd.f32 v21, v22;
	v25 =	vperm.xlane v59, v23;
	v23 =	vperm.xlane v37, v23  }
0xe6: {  	v62 =	vld [tilespmem:s22+$0xFFFFE0A0];
	v22 =	vadd.f32 $0.0e+00, v41;
	v37 =	vperm.xlane v18, v12;
	v43 =	vmul.f32 v28, v27  }
0xe7: {  	v51 =	vld [tilespmem:s2+$0xFFFFE090];
	v59 =	vand.u32 $0xF, v57;
	v27 =	vperm.xlane v38, v44;
	v28 =	vperm.xlane v45, v53  }
0xe8: {  	v47 =	vld [tilespmem:s2+$0x80];
	v24 =	vadd.f32 $0.0e+00, v24;
	v26 =	vperm.xlane v52, v59;
	v25 =	vmul.f32 v46, v25  }
0xe9: {  	v38 =	vld [tilespmem:s22+$0xA0];
	v41 =	vand.u32 $0xF, v37;
	v46 =	vperm.xlane v17, v13;
	v37 =	vperm.xlane v18, v15  }
0xea: {  	v40 =	vld [tilespmem:s2+$0xFFFFE0B0];
	v20 =	vadd.f32 v20, v24;
	v22 =	vadd.f32 v43, v22;
	v23 =	vmul.f32 v27, v23  }
0xeb: {  	v60 =	vld [tilespmem:s2+$0xFFFFE0A0];
	v27 =	vperm.xlane v55, v59;
	v44 =	vperm.xlane v62, v41;
	v25 =	vadd.f32 $0.0e+00, v25  }
0xec: {  	v54 =	vld [tilespmem:s2+$0x90];
	v20 =	vadd.f32 v20, v19;
	v19 =	vsel vm4, v19, v21;
	v21 =	vand.u32 $0xF, v49  }
0xed: {  	v62 =	vld [tilespmem:s22+$0xFFFFE0D0];
	v49 =	vperm.xlane v18, v13;
	v24 =	vperm.xlane v42, v21;
	v23 =	vadd.f32 v23, v25  }
0xee: {  	v45 =	vld [tilespmem:s2+$0xB0];
	v21 =	vperm.xlane v47, v21;
	v48 =	vperm.xlane v38, v41;
	v20 =	vsel vm5, v19, v20  }
0xef: {  	v50 =	vld [tilespmem:s2+$0xFFFFE0C0];
	v19 =	vadd.f32 v22, v19;
	v22 =	vand.u32 $0xF, v56;
	v56 =	vperm.xlane v17, v14  }
0xf0: {  	v63 =	vld [tilespmem:s2+$0xA0];
	v41 =	vand.u32 $0xF, v37;
	v24 =	vmul.f32 v28, v24;
	v61 =	vperm.xlane v51, v22  }
0xf1: {  	v55 =	vld [tilespmem:s2+$0xC0];
	v23 =	vadd.f32 v23, v20;
	v22 =	vperm.xlane v54, v22;
	v21 =	vmul.f32 v58, v21  }
0xf2: {  	v42 =	vld [tilespmem:s22+$0xFFFFE0B0];
	v51 =	vand.u32 $0xF, v46;
	v31 =	vperm.xlane v62, v41;
	v19 =	vsel vm6, v20, v19  }
0xf3: {  	v47 =	vld [tilespmem:s22+$0xB0];
	v53 =	vperm.xlane v40, v51;
	v58 =	vperm.xlane v45, v51;
	v30 =	vand.u32 $0xF, v56  }
0xf4: {  	v19 =	vsel vm7, v19, v23;
	v39 =	vmul.f32 v26, v61;
	v22 =	vmul.f32 v27, v22  }
0xf5: {  	v23 =	vand.u32 $0xF, v36;
	v61 =	vperm.xlane v18, v14;
	v36 =	vperm.xlane v17, v15  }
0xf6: {  	v35 =	vld [tilespmem:s2+$0xD0];
	v54 =	vand.u32 $0xF, v49;
	v27 =	vperm.xlane v55, v30;
	v43 =	vperm.xlane v60, v23  }
0xf7: {  	v57 =	vld [tilespmem:s22+$0xC0];
	v24 =	vadd.f32 $0.0e+00, v24;
	v23 =	vperm.xlane v63, v23;
	v29 =	vperm.xlane v42, v54  }
0xf8: {  	v52 =	vld [tilespmem:s22+$0xFFFFE0C0];
	v59 =	vperm.xlane v47, v54;
	v63 =	vperm.xlane v50, v30  }
0xf9: {  	v45 =	vld [tilespmem:s2+$0xE0];
	v50 =	vperm.xlane v17, v16;
	v17 =	vperm.xlane v17, v2;
	v21 =	vadd.f32 v21, v24  }
0xfa: {  	v51 =	vld [tilespmem:s22+$0xFFFFE0F0];
	v25 =	vadd.f32 $0.0e+00, v39;
	v40 =	vand.u32 $0xF, v36;
	v24 =	vmul.f32 v44, v43  }
0xfb: {  	v60 =	vld [tilespmem:s2+$0xFFFFE0D0];
	v49 =	vperm.xlane v35, v40;
	v17 =	vand.u32 $0xF, v17;
	v20 =	vadd.f32 v21, v20  }
0xfc: {  	v39 =	vld [tilespmem:s22+$0xD0];
	v21 =	vmul.f32 v48, v23;
	v23 =	vmul.f32 v29, v53;
	v29 =	vand.u32 $0xF, v61  }
0xfd: {  	v56 =	vld [tilespmem:s22+$0xF0];
	v22 =	vadd.f32 v22, v25;
	v38 =	vperm.xlane v52, v29;
	v29 =	vperm.xlane v57, v29  }
0xfe: {  	v42 =	vld [tilespmem:s2+$0xFFFFE0E0];
	v24 =	vadd.f32 $0.0e+00, v24;
	v52 =	vperm.xlane v18, v16;
	v18 =	vperm.xlane v18, v2  }
0xff: {  	v54 =	vld [tilespmem:s2+$0xF0];
	v20 =	vsel vm8, v19, v20;
	v19 =	vadd.f32 v22, v19;
	v22 =	vmul.f32 v59, v58  }
0x100: {  	v43 =	vld [tilespmem:s22+$0xFFFFE0E0];
	v23 =	vadd.f32 $0.0e+00, v23;
	v26 =	vperm.xlane v60, v40;
	v44 =	vmul.f32 v38, v63  }
0x101: {  	v48 =	vld [tilespmem:s2+$0xFFFFE0F0];
	v21 =	vadd.f32 v21, v24;
	v46 =	vmul.f32 v29, v27;
	v28 =	vperm.xlane v39, v41  }
0x102: {  	v53 =	vld [tilespmem:s22+$0xE0];
	v29 =	vand.u32 $0xF, v50;
	v18 =	vand.u32 $0xF, v18;
	v19 =	vsel vm9, v20, v19  }
0x103: {  	v22 =	vadd.f32 v22, v23;
	v47 =	vmul.f32 v31, v26;
	v55 =	vperm.xlane v42, v29  }
0x104: {  	v31 =	vand.u32 $0xF, v52;
	v58 =	vperm.xlane v51, v18;
	v24 =	vperm.xlane v45, v29  }
0x105: {  	v18 =	vperm.xlane v56, v18;
	v20 =	vadd.f32 v21, v20;
	v27 =	vmul.f32 v28, v49  }
0x106: {  	v34 =	vperm.xlane v43, v31;
	v57 =	vperm.xlane v48, v17;
	v21 =	vadd.f32 $0.0e+00, v44  }
0x107: {  	v59 =	vperm.xlane v53, v31;
	v17 =	vperm.xlane v54, v17;
	v22 =	vadd.f32 v22, v19  }
0x108: {  	v25 =	vadd.f32 $0.0e+00, v47;
	v20 =	vsel vm10, v19, v20;
	v28 =	vmul.f32 v34, v55  }
0x109: {  	v21 =	vadd.f32 v46, v21;
	v20 =	vsel vm11, v20, v22;
	v22 =	vmul.f32 v58, v57  }
0x10a: {  	v24 =	vmul.f32 v59, v24;
	v60 =	vadd.f32 v27, v25;
	v61 =	vadd.f32 $0.0e+00, v28  }
0x10b: {  	v17 =	vmul.f32 v18, v17;
	v19 =	vadd.f32 v21, v19;
	v62 =	vadd.f32 $0.0e+00, v22  }
0x10c: {  	v18 =	vadd.f32 v60, v20;
	v63 =	vadd.f32 v24, v61  }
0x10d: {  	p1 =	seq.s32 s12, $0x7C0;
	v19 =	vsel vm12, v20, v19;
	v17 =	vadd.f32 v17, v62  }
.Ltmp4:
0x10e: {  	v18 =	vsel vm13, v19, v18;
	v19 =	vadd.f32 v63, v19;
	(pc) =	sbr.rel @!p1 .LBB2_9-.Ltmp4, $4  }
0x10f: {  	v17 =	vadd.f32 v17, v18  }
0x110: {  	v18 =	vsel vm14, v18, v19  }
0x111: {  	v17 =	vsel vm15, v18, v17  }
0x112: {  	s12 =	sadd.s32 $0x40, s12;
	s22 =	sadd.s32 $0x100, s22;
	s2 =	sadd.s32 $0x100, s2;
	[tilespmem:s24+$0x18400] =	vst v17  }
0x113: {  	p1 =	seq.s32 s10, $0x10  }
.Ltmp5:
0x114: {  	_ = 	snop;
	(pc) =	sbr.rel @!p1 .LBB2_3-.Ltmp5, $2  }
0x115: {  	_ =	sdelay $0x2  }
0x116: {  	p0 =	por !p0, !p0;
	s0 =	smov.u32 s10  }
0x117: {  	s8 =	simm.s32 $0x0;
	s0 =	rddreg [dreg:$0x7];
	s2 =	simm.s32 $0x18400  }
0x118: {  	[hbm4b:s0+s8] =	stream.linear.scatter [tilespmem:s2], [sflag:$0x5], $0x200, $0x38;
	[tilespmem:$0x18600] =	vst v63  }
0x119: {  	_ =	swait.ge [sflag:s11], $0x200  }
0x11a: {  	s20 =	sadd.s32 $0x1, s20;
	s31 =	rddreg [dreg:$0x8]  }
0x11b: {  	p0 =	sne.s32 s20, s31  }
.Ltmp6:
0x11c: {  	_ = 	snop;
	(pc) =	sbr.rel @p0 .LBB2_1-.Ltmp6, $3  }
0x11d: {  	_ =	sdelay $0x1  }
0x11e: {  	[sflag:s11] =	ssyncset.done $0x0  }
0x11f: {  	[sflag:s11] =	ssyncadd.s32 $0xFFFFFE00  }
0x120: {  	_ =	sfence.sel $0x180000  }
0x121: {  	[bflag:$0x0] =	sbarrier.arrive $0xFFFF  }
0x122: {  	_ =	strace $0x90000047  }
0x123: {  	s0 =	stileid.u32;
	[bflag:$0x2] =	sbarrier.arrive $0xFFFF  }
0x124: {  	p0 =	sne.s32 s0, $0x0;
	s0 =	rddreg [dreg:$0x2]  }
0x125: {  	s0 =	sadd.s32 @!p0 $0x100000, s0  }
0x126: {  	[sflag:s0] =	ssyncadd.tile.s32 @!p0 $0x1;
	_ =	shalt  }
.Lfunc_end2:
_tile_overlayer_lowered:
.L_overlay_start_2:
0x127: {  	(tag) =	ssettag $0x2  }
0x128: {  	s0 =	rddreg [dreg:$0x0];
	s2 =	stileid.u32  }
0x129: {  	s1 =	rddreg [dreg:$0x1];
	p0 =	sne.s32 s2, $0x0  }
0x12a: {  	s3 =	rddreg [dreg:$0x2];
	[bflag:$0x3] =	sbarrier.arrive $0xFFFF;
	s2 =	simm.s32 @!p0 $0x1C05  }
0x12b: {  	[timem:s3], [sflag:s2] =	dma.local @!p0 [hbm:s0], s1  }
0x12c: {  	s0 =	simm.s32 @!p0 $0x5  }
0x12d: {  	_ =	swait.ge @!p0 [sflag:s0], s1  }
0x12e: {  	s1 =	ssub.s32 @!p0 $0x0, s1;
	[sflag:s0] =	ssyncset.done @!p0 $0x0  }
0x12f: {  	[sflag:s0] =	ssyncadd.s32 @!p0 s1  }
0x130: {  	[bflag:$0x3] =	sbarrier.arrive $0xFFFF  }
0x131: {  	_ =	shalt  }

</sc_bundles>
